<compile_context>
chip_gen: v7x
topology: tpu7x:2x2x1
jax: 0.10.2.dev20260603
libtpu: 0.0.44.dev20260713+nightly
codegen_flags: <defaults>
</compile_context>

<pallas_src>
import functools

import jax
import jax.numpy as jnp
from jax import lax
from jax.experimental import pallas as pl
from jax.experimental.pallas import tpu as pltpu
from jax.experimental.pallas import tpu_sc as plsc

N_ATOMS = 10000
N_BONDS = 640000
MAX_NB = 64
ATOM_FDIM = 128
BOND_FDIM = 144
HIDDEN = 128
DEPTH = 3
N_MOLS = 100

NW = 32
NA_PAD = 10240
NA_W = NA_PAD // NW
CHUNK = 256
N_CHUNKS = N_BONDS // CHUNK

_sc_mesh = plsc.VectorSubcoreMesh(core_axis_name="c", subcore_axis_name="s")
_sc_params = pltpu.CompilerParams(use_tc_tiling_on_sc=False)



def _bond_featurize_body(fb, wi, inp_o, msg_o):
    acc = jnp.dot(fb[...], wi[...], preferred_element_type=jnp.float32)
    inp_o[...] = acc
    msg_o[...] = jnp.maximum(acc, 0.0)


def _bond_featurize(f_bonds, w_i):
    blk = 1024
    return pl.pallas_call(
        _bond_featurize_body,
        grid=(N_BONDS // blk,),
        in_specs=[
            pl.BlockSpec((blk, BOND_FDIM), lambda i: (i, 0)),
            pl.BlockSpec((BOND_FDIM, HIDDEN), lambda i: (0, 0)),
        ],
        out_specs=[
            pl.BlockSpec((blk, HIDDEN), lambda i: (i, 0)),
            pl.BlockSpec((blk, HIDDEN), lambda i: (i, 0)),
        ],
        out_shape=[
            jax.ShapeDtypeStruct((N_BONDS, HIDDEN), jnp.float32),
            jax.ShapeDtypeStruct((N_BONDS, HIDDEN), jnp.float32),
        ],
    )(f_bonds, w_i)


def _matmul_body(sign, x, w, o):
    o[...] = sign * jnp.dot(x[...], w[...], preferred_element_type=jnp.float32)


def _matmul(x, w, sign):
    n = x.shape[0]
    blk = 1024
    return pl.pallas_call(
        functools.partial(_matmul_body, sign),
        grid=(n // blk,),
        in_specs=[
            pl.BlockSpec((blk, HIDDEN), lambda i: (i, 0)),
            pl.BlockSpec((HIDDEN, HIDDEN), lambda i: (0, 0)),
        ],
        out_specs=pl.BlockSpec((blk, HIDDEN), lambda i: (i, 0)),
        out_shape=jax.ShapeDtypeStruct((n, HIDDEN), jnp.float32),
    )(x, w)


def _readout_body(fa, am, seg, wo1, wo2, bo, sums_o, cnts_o):
    i = pl.program_id(0)

    @pl.when(i == 0)
    def _init():
        sums_o[...] = jnp.zeros_like(sums_o)
        cnts_o[...] = jnp.zeros_like(cnts_o)

    ah = jnp.dot(fa[...], wo1[...], preferred_element_type=jnp.float32)
    ah = ah + jnp.dot(am[...], wo2[...], preferred_element_type=jnp.float32)
    ah = jnp.maximum(ah + bo[...], 0.0)
    ids = seg[0, 0, :]
    mols = lax.broadcasted_iota(jnp.int32, (N_MOLS, ids.shape[0]), 0)
    sel = (mols == ids[None, :]).astype(jnp.float32)
    sums_o[...] += jnp.dot(sel, ah, preferred_element_type=jnp.float32)
    cnts_o[...] += jnp.sum(sel, axis=1, keepdims=True)

    @pl.when(i == pl.num_programs(0) - 1)
    def _finish():
        sums_o[...] = sums_o[...] / jnp.maximum(cnts_o[...], 1.0)


def _readout(f_atoms, a_msg, seg3d, wo1, wo2, bo):
    blk = 1000
    ngrid = N_ATOMS // blk
    sums, _ = pl.pallas_call(
        _readout_body,
        grid=(ngrid,),
        in_specs=[
            pl.BlockSpec((blk, ATOM_FDIM), lambda i: (i, 0)),
            pl.BlockSpec((blk, HIDDEN), lambda i: (i, 0)),
            pl.BlockSpec((1, 1, blk), lambda i: (i, 0, 0)),
            pl.BlockSpec((ATOM_FDIM, HIDDEN), lambda i: (0, 0)),
            pl.BlockSpec((HIDDEN, HIDDEN), lambda i: (0, 0)),
            pl.BlockSpec((1, HIDDEN), lambda i: (0, 0)),
        ],
        out_specs=[
            pl.BlockSpec((N_MOLS, HIDDEN), lambda i: (0, 0)),
            pl.BlockSpec((N_MOLS, 1), lambda i: (0, 0)),
        ],
        out_shape=[
            jax.ShapeDtypeStruct((N_MOLS, HIDDEN), jnp.float32),
            jax.ShapeDtypeStruct((N_MOLS, 1), jnp.float32),
        ],
    )(f_atoms, a_msg, seg3d, wo1, wo2, bo)
    return sums



def _gather_sum_body(msg_hbm, a2bT_hbm, out_hbm, idx_v, acc_v, sem):
    wid = lax.axis_index("c") * 16 + lax.axis_index("s")
    base = wid * NA_W
    pltpu.sync_copy(a2bT_hbm.at[pl.ds(wid, 1)], idx_v)
    pltpu.async_copy(msg_hbm.at[idx_v.at[0, 0]], acc_v, sem.at[0]).wait()

    def fire(j, carry):
        pltpu.async_copy(msg_hbm.at[idx_v.at[0, j]], acc_v, sem.at[j % 4],
                         add=True)
        return carry

    lax.fori_loop(1, MAX_NB, fire, 0)

    def drain(j, carry):
        pltpu.make_async_copy(msg_hbm.at[idx_v.at[0, 0]], acc_v,
                              sem.at[j % 4]).wait()
        return carry

    lax.fori_loop(1, MAX_NB, drain, 0)
    pltpu.sync_copy(acc_v, out_hbm.at[pl.ds(base, NA_W)])


@functools.partial(
    pl.kernel,
    out_type=jax.ShapeDtypeStruct((NA_PAD, HIDDEN), jnp.float32),
    mesh=_sc_mesh,
    compiler_params=_sc_params,
    scratch_types=[
        pltpu.VMEM((1, MAX_NB, NA_W), jnp.int32),
        pltpu.VMEM((NA_W, HIDDEN), jnp.float32),
        pltpu.SemaphoreType.DMA((4,)),
    ],
)
def _gather_sum(msg_hbm, a2bT_hbm, out_hbm, idx_v, acc_v, sem):
    _gather_sum_body(msg_hbm, a2bT_hbm, out_hbm, idx_v, acc_v, sem)


def _bond_update_body(inp_hbm, ah_hbm, nmh_hbm, b2a_hbm, b2revb_hbm, out_hbm,
                      idx_v, acc_v, sem):
    wid = lax.axis_index("c") * 16 + lax.axis_index("s")
    n_t = jnp.where(wid < N_CHUNKS - (N_CHUNKS // NW) * NW,
                    N_CHUNKS // NW + 1, N_CHUNKS // NW)

    def chunk(t, carry):
        off = (t * NW + wid) * CHUNK
        pltpu.sync_copy(inp_hbm.at[pl.ds(off, CHUNK)], acc_v)
        pltpu.sync_copy(b2a_hbm.at[pl.ds(off, CHUNK)], idx_v.at[0])
        pltpu.sync_copy(b2revb_hbm.at[pl.ds(off, CHUNK)], idx_v.at[1])
        d1 = pltpu.async_copy(ah_hbm.at[idx_v.at[0]], acc_v, sem, add=True)
        d2 = pltpu.async_copy(nmh_hbm.at[idx_v.at[1]], acc_v, sem, add=True)
        d1.wait()
        d2.wait()

        def relu_row(r, c2):
            for cc in range(HIDDEN // 16):
                v = acc_v[r, pl.ds(cc * 16, 16)]
                acc_v[r, pl.ds(cc * 16, 16)] = jnp.maximum(v, 0.0)
            return c2

        lax.fori_loop(0, CHUNK, relu_row, 0)
        pltpu.sync_copy(acc_v, out_hbm.at[pl.ds(off, CHUNK)])
        return carry

    lax.fori_loop(0, n_t, chunk, 0)


@functools.partial(
    pl.kernel,
    out_type=jax.ShapeDtypeStruct((N_BONDS, HIDDEN), jnp.float32),
    mesh=_sc_mesh,
    compiler_params=_sc_params,
    scratch_types=[
        pltpu.VMEM((2, CHUNK), jnp.int32),
        pltpu.VMEM((CHUNK, HIDDEN), jnp.float32),
        pltpu.SemaphoreType.DMA,
    ],
)
def _bond_update(inp_hbm, ah_hbm, nmh_hbm, b2a_hbm, b2revb_hbm, out_hbm,
                 idx_v, acc_v, sem):
    _bond_update_body(inp_hbm, ah_hbm, nmh_hbm, b2a_hbm, b2revb_hbm, out_hbm,
                      idx_v, acc_v, sem)



def kernel(f_atoms, f_bonds, a2b, b2a, b2revb, mol_segment_ids,
           W_i, W_h, W_o, b_o):
    a2b = a2b.astype(jnp.int32)
    b2a = b2a.astype(jnp.int32)
    b2revb = b2revb.astype(jnp.int32)
    a2bT = (jnp.concatenate([a2b, a2b[:NA_PAD - N_ATOMS]], axis=0)
            .reshape(NW, NA_W, MAX_NB).transpose(0, 2, 1))

    inp, msg = _bond_featurize(f_bonds, W_i)
    for _ in range(DEPTH - 1):
        a_msg = _gather_sum(msg, a2bT)
        nmh = _matmul(msg, W_h, -1.0)
        ah = _matmul(a_msg, W_h, 1.0)
        msg = _bond_update(inp, ah, nmh, b2a, b2revb)
    a_msg = _gather_sum(msg, a2bT)[:N_ATOMS]

    seg3d = mol_segment_ids.astype(jnp.int32).reshape(10, 1, N_ATOMS // 10)
    wo1 = W_o[:ATOM_FDIM]
    wo2 = W_o[ATOM_FDIM:]
    bo = b_o.reshape(1, HIDDEN)
    return _readout(f_atoms, a_msg, seg3d, wo1, wo2, bo)

# --- scband reference (transcript-rebuilt; emitter-appended) ---
"""Pipeline reference for scband-mpnn-48404281426498 (READ-ONLY COPY).

The authoritative reference and input builder live on the scoring server;
editing this copy changes nothing except your own understanding.
"""

import jax, jax.numpy as jnp
import numpy as np

N_ATOMS = 10000
N_BONDS = 640000
MAX_NB = 64
ATOM_FDIM = 128
BOND_FDIM = 144
HIDDEN = 128
DEPTH = 3
N_MOLS = 100


def setup_inputs(seed: int = 0) -> dict:
    key = jax.random.key(seed)
    ks = jax.random.split(key, 10)
    f_atoms = jax.random.normal(ks[0], (N_ATOMS, ATOM_FDIM), dtype=jnp.float32)
    f_bonds = jax.random.normal(ks[1], (N_BONDS, BOND_FDIM), dtype=jnp.float32)
    a2b = jax.random.randint(ks[2], (N_ATOMS, MAX_NB), 0, N_BONDS, dtype=jnp.int64 if jax.config.read('jax_enable_x64') else jnp.int32)
    b2a = jax.random.randint(ks[3], (N_BONDS,), 0, N_ATOMS)
    b2revb = jax.random.randint(ks[4], (N_BONDS,), 0, N_BONDS)
    mol_segment_ids = jnp.sort(jax.random.randint(ks[5], (N_ATOMS,), 0, N_MOLS))
    W_i = jax.random.normal(ks[6], (BOND_FDIM, HIDDEN), dtype=jnp.float32) * 0.05
    W_h = jax.random.normal(ks[7], (HIDDEN, HIDDEN), dtype=jnp.float32) * 0.05
    W_o = jax.random.normal(ks[8], (ATOM_FDIM + HIDDEN, HIDDEN), dtype=jnp.float32) * 0.05
    b_o = jnp.zeros((HIDDEN,), dtype=jnp.float32)
    return {"f_atoms": f_atoms, "f_bonds": f_bonds, "a2b": a2b, "b2a": b2a,
            "b2revb": b2revb, "mol_segment_ids": mol_segment_ids,
            "W_i": W_i, "W_h": W_h, "W_o": W_o, "b_o": b_o}


def reference(f_atoms, f_bonds, a2b, b2a, b2revb, mol_segment_ids, W_i, W_h, W_o, b_o):
    # input = W_i(f_bonds); message = act(input)   (bond/directed messages, bias=False)
    inp = f_bonds @ W_i
    message = jax.nn.relu(inp)
    for _ in range(DEPTH - 1):
        # nei_a_message = index_select_ND(message, a2b); a_message = nei.sum(1)
        nei_a_message = jnp.take(message, a2b, axis=0)          # [N_ATOMS, MAX_NB, H]
        a_message = nei_a_message.sum(axis=1)                   # [N_ATOMS, H]
        rev_message = jnp.take(message, b2revb, axis=0)         # [N_BONDS, H]
        message = jnp.take(a_message, b2a, axis=0) - rev_message
        message = message @ W_h                                 # bias=False
        message = jax.nn.relu(inp + message)
        # dropout p=0.0 -> identity
    nei_a_message = jnp.take(message, a2b, axis=0)
    a_message = nei_a_message.sum(axis=1)
    a_input = jnp.concatenate([f_atoms, a_message], axis=1)     # [N_ATOMS, ATOM_FDIM+H]
    atom_hiddens = jax.nn.relu(a_input @ W_o + b_o)
    # molecule readout: mean over each molecule's atoms (a_scope -> segment ids)
    mol_sums = jax.ops.segment_sum(atom_hiddens, mol_segment_ids, num_segments=N_MOLS)
    counts = jax.ops.segment_sum(jnp.ones((N_ATOMS,), dtype=jnp.float32), mol_segment_ids, num_segments=N_MOLS)
    counts = jnp.maximum(counts, 1.0)
    mol_vecs = mol_sums / counts[:, None]
    return mol_vecs

if __name__ == "__main__":
    import jax
    _d = setup_inputs()
    print(jax.jit(kernel)(*tuple(_d.values())))

</pallas_src>

<mosaic_0001>
#map = affine_map<(d0, d1) -> (0, 0)>
#map1 = affine_map<(d0, d1) -> (0, 0, 0)>
module attributes {stable_mosaic.version = 14 : i64} {
  func.func @_gather_sum(%arg0: i32, %arg1: i32, %arg2: memref<640000x128xf32, #tpu.memory_space<hbm>>, %arg3: memref<32x64x320xi32, #tpu.memory_space<hbm>>, %arg4: memref<10240x128xf32, #tpu.memory_space<hbm>>, %arg5: memref<1x64x320xi32, #tpu.memory_space<vmem>>, %arg6: memref<320x128xf32, #tpu.memory_space<vmem>>, %arg7: memref<4x!tpu.dma_semaphore, #tpu.memory_space<semaphore_mem>>) attributes {dimension_semantics = [#tpu.dimension_semantics<core_parallel>, #tpu.dimension_semantics<subcore_parallel>], iteration_bounds = array<i64: 2, 16>, scalar_prefetch = 0 : i64, scratch_operands = 3 : i64, tpu.core_type = #tpu.core_type<sc_vector_subcore>, window_params = [{transform_indices = #map}, {transform_indices = #map1}, {transform_indices = #map}]} {
    %mul3A = arith.constant 16 : i32
    %mul3A_0 = arith.muli %arg0, %mul3A : i32
    %add3A = arith.addi %mul3A_0, %arg1 : i32
    %mul3A_1 = arith.constant 320 : i32
    %mul3A_2 = arith.muli %add3A, %mul3A_1 : i32
    "tpu.region"() ({
      %run_scoped3A = tpu.sem_alloc : memref<!tpu.dma_semaphore, #tpu.memory_space<semaphore_mem>>
      %dma_start3A_34 = arith.constant 0 : i32
      %dma_start3A_35 = arith.constant 0 : i32
      %dma_start3A_36 = tpu.memref_slice %arg3[%add3A, %dma_start3A_34, %dma_start3A_35] : memref<32x64x320xi32, #tpu.memory_space<hbm>> -> memref<1x64x320xi32, #tpu.memory_space<hbm>>
      %dma_start3A_37 = arith.constant 0 : i32
      %dma_start3A_38 = arith.constant 0 : i32
      %dma_start3A_39 = tpu.memref_slice %arg3[%add3A, %dma_start3A_37, %dma_start3A_38] : memref<32x64x320xi32, #tpu.memory_space<hbm>> -> memref<1x64x320xi32, #tpu.memory_space<hbm>>
      tpu.enqueue_dma source(%dma_start3A_39 : memref<1x64x320xi32, #tpu.memory_space<hbm>>) target(%arg5 : memref<1x64x320xi32, #tpu.memory_space<vmem>>) target_semaphore(%run_scoped3A : memref<!tpu.dma_semaphore, #tpu.memory_space<semaphore_mem>>)
      %dma_wait3A_40 = arith.constant 0 : i32
      %dma_wait3A_41 = arith.constant 0 : i32
      %dma_wait3A_42 = tpu.memref_slice %arg3[%add3A, %dma_wait3A_40, %dma_wait3A_41] : memref<32x64x320xi32, #tpu.memory_space<hbm>> -> memref<1x64x320xi32, #tpu.memory_space<hbm>>
      %dma_wait3A_43 = arith.constant 0 : i32
      %dma_wait3A_44 = arith.constant 0 : i32
      %dma_wait3A_45 = tpu.memref_slice %arg3[%add3A, %dma_wait3A_43, %dma_wait3A_44] : memref<32x64x320xi32, #tpu.memory_space<hbm>> -> memref<1x64x320xi32, #tpu.memory_space<hbm>>
      tpu.wait_dma2 semaphore(%run_scoped3A : memref<!tpu.dma_semaphore, #tpu.memory_space<semaphore_mem>>) src(%dma_wait3A_45 : memref<1x64x320xi32, #tpu.memory_space<hbm>>) dst(%arg5 : memref<1x64x320xi32, #tpu.memory_space<vmem>>)
      tpu.yield
    }) : () -> ()
    %dma_start3A = arith.constant 0 : i32
    %dma_start3A_3 = arith.constant 0 : i32
    %dma_start3A_4 = arith.constant 0 : i32
    %dma_start3A_5 = arith.constant 0 : i32
    %dma_start3A_6 = tpu.memref_slice %arg5[%dma_start3A, %dma_start3A_3, %dma_start3A_5] : memref<1x64x320xi32, #tpu.memory_space<vmem>> -> memref<1x1x320xi32, #tpu.memory_space<vmem>>
    %dma_start3A_7 = tpu.memref_squeeze %dma_start3A_6 : memref<1x1x320xi32, #tpu.memory_space<vmem>> -> memref<320xi32, #tpu.memory_space<vmem>>
    %dma_start3A_8 = arith.constant 0 : i32
    %dma_start3A_9 = arith.constant 0 : i32
    %dma_start3A_10 = tpu.memref_slice %arg2[%dma_start3A_8, %dma_start3A_9] : memref<640000x128xf32, #tpu.memory_space<hbm>> -> memref<640000x128xf32, #tpu.memory_space<hbm>>
    %dma_start3A_11 = tpu.memref_slice %arg7[%dma_start3A_4] : memref<4x!tpu.dma_semaphore, #tpu.memory_space<semaphore_mem>> -> memref<1x!tpu.dma_semaphore, #tpu.memory_space<semaphore_mem>>
    %dma_start3A_12 = tpu.memref_squeeze %dma_start3A_11 : memref<1x!tpu.dma_semaphore, #tpu.memory_space<semaphore_mem>> -> memref<!tpu.dma_semaphore, #tpu.memory_space<semaphore_mem>>
    tpu.enqueue_indirect_dma source(%dma_start3A_10 : memref<640000x128xf32, #tpu.memory_space<hbm>>) target(%arg6 : memref<320x128xf32, #tpu.memory_space<vmem>>) offsets(%dma_start3A_7 : memref<320xi32, #tpu.memory_space<vmem>>) semaphore(%dma_start3A_12 : memref<!tpu.dma_semaphore, #tpu.memory_space<semaphore_mem>>)
    %dma_wait3A = arith.constant 0 : i32
    %dma_wait3A_13 = arith.constant 0 : i32
    %dma_wait3A_14 = arith.constant 0 : i32
    %dma_wait3A_15 = arith.constant 0 : i32
    %dma_wait3A_16 = tpu.memref_slice %arg5[%dma_wait3A, %dma_wait3A_13, %dma_wait3A_15] : memref<1x64x320xi32, #tpu.memory_space<vmem>> -> memref<1x1x320xi32, #tpu.memory_space<vmem>>
    %dma_wait3A_17 = tpu.memref_squeeze %dma_wait3A_16 : memref<1x1x320xi32, #tpu.memory_space<vmem>> -> memref<320xi32, #tpu.memory_space<vmem>>
    %dma_wait3A_18 = arith.constant 0 : i32
    %dma_wait3A_19 = arith.constant 0 : i32
    %dma_wait3A_20 = tpu.memref_slice %arg2[%dma_wait3A_18, %dma_wait3A_19] : memref<640000x128xf32, #tpu.memory_space<hbm>> -> memref<640000x128xf32, #tpu.memory_space<hbm>>
    %dma_wait3A_21 = tpu.memref_slice %arg7[%dma_wait3A_14] : memref<4x!tpu.dma_semaphore, #tpu.memory_space<semaphore_mem>> -> memref<1x!tpu.dma_semaphore, #tpu.memory_space<semaphore_mem>>
    %dma_wait3A_22 = tpu.memref_squeeze %dma_wait3A_21 : memref<1x!tpu.dma_semaphore, #tpu.memory_space<semaphore_mem>> -> memref<!tpu.dma_semaphore, #tpu.memory_space<semaphore_mem>>
    tpu.wait_indirect_dma semaphore(%dma_wait3A_22 : memref<!tpu.dma_semaphore, #tpu.memory_space<semaphore_mem>>) src(%dma_wait3A_20 : memref<640000x128xf32, #tpu.memory_space<hbm>>) dst(%arg6 : memref<320x128xf32, #tpu.memory_space<vmem>>)
    %scan3A = arith.constant 0 : i32
    %scan3A_23 = arith.constant 1 : i32
    %scan3A_24 = arith.constant 63 : i32
    %scan3A_25 = arith.addi %scan3A_23, %scan3A_24 : i32
    %scan3A_26 = arith.constant 1 : i32
    scf.for %scan3A_34 = %scan3A_23 to %scan3A_25 step %scan3A_26  : i32 {
      %jit3A = arith.constant 4 : i32
      %eq3A = arith.constant 0 : i32
      %eq3A_35 = arith.cmpi eq, %jit3A, %eq3A : i32
      %jit3A_36 = arith.constant 1 : i32
      %select_n3A = arith.select %eq3A_35, %jit3A_36, %jit3A : i32
      %rem3A = arith.remsi %scan3A_34, %select_n3A : i32
      %ne3A = arith.constant 0 : i32
      %ne3A_37 = arith.cmpi ne, %rem3A, %ne3A : i32
      %lt3A = arith.constant 0 : i32
      %lt3A_38 = arith.cmpi slt, %rem3A, %lt3A : i32
      %lt3A_39 = arith.constant 0 : i32
      %lt3A_40 = arith.cmpi slt, %select_n3A, %lt3A_39 : i32
      %ne3A_41 = arith.xori %lt3A_38, %lt3A_40 : i1
      %and3A = arith.andi %ne3A_41, %ne3A_37 : i1
      %add3A_42 = arith.addi %rem3A, %select_n3A : i32
      %select_n3A_43 = arith.select %and3A, %add3A_42, %rem3A : i32
      %dma_start3A_44 = arith.constant 0 : i32
      %dma_start3A_45 = arith.constant 0 : i32
      %dma_start3A_46 = tpu.memref_slice %arg5[%dma_start3A_44, %scan3A_34, %dma_start3A_45] : memref<1x64x320xi32, #tpu.memory_space<vmem>> -> memref<1x1x320xi32, #tpu.memory_space<vmem>>
      %dma_start3A_47 = tpu.memref_squeeze %dma_start3A_46 : memref<1x1x320xi32, #tpu.memory_space<vmem>> -> memref<320xi32, #tpu.memory_space<vmem>>
      %dma_start3A_48 = arith.constant 0 : i32
      %dma_start3A_49 = arith.constant 0 : i32
      %dma_start3A_50 = tpu.memref_slice %arg2[%dma_start3A_48, %dma_start3A_49] : memref<640000x128xf32, #tpu.memory_space<hbm>> -> memref<640000x128xf32, #tpu.memory_space<hbm>>
      %dma_start3A_51 = tpu.memref_slice %arg7[%select_n3A_43] : memref<4x!tpu.dma_semaphore, #tpu.memory_space<semaphore_mem>> -> memref<1x!tpu.dma_semaphore, #tpu.memory_space<semaphore_mem>>
      %dma_start3A_52 = tpu.memref_squeeze %dma_start3A_51 : memref<1x!tpu.dma_semaphore, #tpu.memory_space<semaphore_mem>> -> memref<!tpu.dma_semaphore, #tpu.memory_space<semaphore_mem>>
      tpu.enqueue_indirect_dma source(%dma_start3A_50 : memref<640000x128xf32, #tpu.memory_space<hbm>>) target(%arg6 : memref<320x128xf32, #tpu.memory_space<vmem>>) offsets(%dma_start3A_47 : memref<320xi32, #tpu.memory_space<vmem>>) semaphore(%dma_start3A_52 : memref<!tpu.dma_semaphore, #tpu.memory_space<semaphore_mem>>) {add = true}
    }
    %scan3A_27 = arith.constant 63 : i32
    %scan3A_28 = arith.constant 0 : i32
    %scan3A_29 = arith.constant 1 : i32
    %scan3A_30 = arith.constant 63 : i32
    %scan3A_31 = arith.addi %scan3A_29, %scan3A_30 : i32
    %scan3A_32 = arith.constant 1 : i32
    scf.for %scan3A_34 = %scan3A_29 to %scan3A_31 step %scan3A_32  : i32 {
      %jit3A = arith.constant 4 : i32
      %eq3A = arith.constant 0 : i32
      %eq3A_35 = arith.cmpi eq, %jit3A, %eq3A : i32
      %jit3A_36 = arith.constant 1 : i32
      %select_n3A = arith.select %eq3A_35, %jit3A_36, %jit3A : i32
      %rem3A = arith.remsi %scan3A_34, %select_n3A : i32
      %ne3A = arith.constant 0 : i32
      %ne3A_37 = arith.cmpi ne, %rem3A, %ne3A : i32
      %lt3A = arith.constant 0 : i32
      %lt3A_38 = arith.cmpi slt, %rem3A, %lt3A : i32
      %lt3A_39 = arith.constant 0 : i32
      %lt3A_40 = arith.cmpi slt, %select_n3A, %lt3A_39 : i32
      %ne3A_41 = arith.xori %lt3A_38, %lt3A_40 : i1
      %and3A = arith.andi %ne3A_41, %ne3A_37 : i1
      %add3A_42 = arith.addi %rem3A, %select_n3A : i32
      %select_n3A_43 = arith.select %and3A, %add3A_42, %rem3A : i32
      %dma_wait3A_44 = arith.constant 0 : i32
      %dma_wait3A_45 = arith.constant 0 : i32
      %dma_wait3A_46 = arith.constant 0 : i32
      %dma_wait3A_47 = tpu.memref_slice %arg5[%dma_wait3A_44, %dma_wait3A_45, %dma_wait3A_46] : memref<1x64x320xi32, #tpu.memory_space<vmem>> -> memref<1x1x320xi32, #tpu.memory_space<vmem>>
      %dma_wait3A_48 = tpu.memref_squeeze %dma_wait3A_47 : memref<1x1x320xi32, #tpu.memory_space<vmem>> -> memref<320xi32, #tpu.memory_space<vmem>>
      %dma_wait3A_49 = arith.constant 0 : i32
      %dma_wait3A_50 = arith.constant 0 : i32
      %dma_wait3A_51 = tpu.memref_slice %arg2[%dma_wait3A_49, %dma_wait3A_50] : memref<640000x128xf32, #tpu.memory_space<hbm>> -> memref<640000x128xf32, #tpu.memory_space<hbm>>
      %dma_wait3A_52 = tpu.memref_slice %arg7[%select_n3A_43] : memref<4x!tpu.dma_semaphore, #tpu.memory_space<semaphore_mem>> -> memref<1x!tpu.dma_semaphore, #tpu.memory_space<semaphore_mem>>
      %dma_wait3A_53 = tpu.memref_squeeze %dma_wait3A_52 : memref<1x!tpu.dma_semaphore, #tpu.memory_space<semaphore_mem>> -> memref<!tpu.dma_semaphore, #tpu.memory_space<semaphore_mem>>
      tpu.wait_indirect_dma semaphore(%dma_wait3A_53 : memref<!tpu.dma_semaphore, #tpu.memory_space<semaphore_mem>>) src(%dma_wait3A_51 : memref<640000x128xf32, #tpu.memory_space<hbm>>) dst(%arg6 : memref<320x128xf32, #tpu.memory_space<vmem>>)
    }
    %scan3A_33 = arith.constant 63 : i32
    "tpu.region"() ({
      %run_scoped3A = tpu.sem_alloc : memref<!tpu.dma_semaphore, #tpu.memory_space<semaphore_mem>>
      %dma_start3A_34 = arith.constant 0 : i32
      %dma_start3A_35 = tpu.memref_slice %arg4[%mul3A_2, %dma_start3A_34] : memref<10240x128xf32, #tpu.memory_space<hbm>> -> memref<320x128xf32, #tpu.memory_space<hbm>>
      %dma_start3A_36 = arith.constant 0 : i32
      %dma_start3A_37 = tpu.memref_slice %arg4[%mul3A_2, %dma_start3A_36] : memref<10240x128xf32, #tpu.memory_space<hbm>> -> memref<320x128xf32, #tpu.memory_space<hbm>>
      tpu.enqueue_dma source(%arg6 : memref<320x128xf32, #tpu.memory_space<vmem>>) target(%dma_start3A_37 : memref<320x128xf32, #tpu.memory_space<hbm>>) target_semaphore(%run_scoped3A : memref<!tpu.dma_semaphore, #tpu.memory_space<semaphore_mem>>)
      %dma_wait3A_38 = arith.constant 0 : i32
      %dma_wait3A_39 = tpu.memref_slice %arg4[%mul3A_2, %dma_wait3A_38] : memref<10240x128xf32, #tpu.memory_space<hbm>> -> memref<320x128xf32, #tpu.memory_space<hbm>>
      %dma_wait3A_40 = arith.constant 0 : i32
      %dma_wait3A_41 = tpu.memref_slice %arg4[%mul3A_2, %dma_wait3A_40] : memref<10240x128xf32, #tpu.memory_space<hbm>> -> memref<320x128xf32, #tpu.memory_space<hbm>>
      tpu.wait_dma2 semaphore(%run_scoped3A : memref<!tpu.dma_semaphore, #tpu.memory_space<semaphore_mem>>) src(%arg6 : memref<320x128xf32, #tpu.memory_space<vmem>>) dst(%dma_wait3A_41 : memref<320x128xf32, #tpu.memory_space<hbm>>)
      tpu.yield
    }) : () -> ()
    return
  }
}

#map = affine_map<(d0, d1) -> (0, 0)>
#map1 = affine_map<(d0, d1) -> (0, 0, 0)>
module attributes {stable_mosaic.version = 14 : i64} {
  func.func @_gather_sum(%arg0: i32, %arg1: i32, %arg2: memref<640000x128xf32, #tpu.memory_space<hbm>>, %arg3: memref<32x64x320xi32, #tpu.memory_space<hbm>>, %arg4: memref<10240x128xf32, #tpu.memory_space<hbm>>, %arg5: memref<1x64x320xi32, #tpu.memory_space<vmem>>, %arg6: memref<320x128xf32, #tpu.memory_space<vmem>>, %arg7: memref<4x!tpu.dma_semaphore, #tpu.memory_space<semaphore_mem>>) attributes {dimension_semantics = [#tpu.dimension_semantics<core_parallel>, #tpu.dimension_semantics<subcore_parallel>], iteration_bounds = array<i64: 2, 16>, scalar_prefetch = 0 : i64, scratch_operands = 3 : i64, tpu.core_type = #tpu.core_type<sc_vector_subcore>, window_params = [{transform_indices = #map}, {transform_indices = #map1}, {transform_indices = #map}]} {
    %mul3A = arith.constant 16 : i32
    %mul3A_0 = arith.muli %arg0, %mul3A : i32
    %add3A = arith.addi %mul3A_0, %arg1 : i32
    %mul3A_1 = arith.constant 320 : i32
    %mul3A_2 = arith.muli %add3A, %mul3A_1 : i32
    "tpu.region"() ({
      %run_scoped3A = tpu.sem_alloc : memref<!tpu.dma_semaphore, #tpu.memory_space<semaphore_mem>>
      %dma_start3A_34 = arith.constant 0 : i32
      %dma_start3A_35 = arith.constant 0 : i32
      %dma_start3A_36 = tpu.memref_slice %arg3[%add3A, %dma_start3A_34, %dma_start3A_35] : memref<32x64x320xi32, #tpu.memory_space<hbm>> -> memref<1x64x320xi32, #tpu.memory_space<hbm>>
      %dma_start3A_37 = arith.constant 0 : i32
      %dma_start3A_38 = arith.constant 0 : i32
      %dma_start3A_39 = tpu.memref_slice %arg3[%add3A, %dma_start3A_37, %dma_start3A_38] : memref<32x64x320xi32, #tpu.memory_space<hbm>> -> memref<1x64x320xi32, #tpu.memory_space<hbm>>
      tpu.enqueue_dma source(%dma_start3A_39 : memref<1x64x320xi32, #tpu.memory_space<hbm>>) target(%arg5 : memref<1x64x320xi32, #tpu.memory_space<vmem>>) target_semaphore(%run_scoped3A : memref<!tpu.dma_semaphore, #tpu.memory_space<semaphore_mem>>)
      %dma_wait3A_40 = arith.constant 0 : i32
      %dma_wait3A_41 = arith.constant 0 : i32
      %dma_wait3A_42 = tpu.memref_slice %arg3[%add3A, %dma_wait3A_40, %dma_wait3A_41] : memref<32x64x320xi32, #tpu.memory_space<hbm>> -> memref<1x64x320xi32, #tpu.memory_space<hbm>>
      %dma_wait3A_43 = arith.constant 0 : i32
      %dma_wait3A_44 = arith.constant 0 : i32
      %dma_wait3A_45 = tpu.memref_slice %arg3[%add3A, %dma_wait3A_43, %dma_wait3A_44] : memref<32x64x320xi32, #tpu.memory_space<hbm>> -> memref<1x64x320xi32, #tpu.memory_space<hbm>>
      tpu.wait_dma2 semaphore(%run_scoped3A : memref<!tpu.dma_semaphore, #tpu.memory_space<semaphore_mem>>) src(%dma_wait3A_45 : memref<1x64x320xi32, #tpu.memory_space<hbm>>) dst(%arg5 : memref<1x64x320xi32, #tpu.memory_space<vmem>>)
      tpu.yield
    }) : () -> ()
    %dma_start3A = arith.constant 0 : i32
    %dma_start3A_3 = arith.constant 0 : i32
    %dma_start3A_4 = arith.constant 0 : i32
    %dma_start3A_5 = arith.constant 0 : i32
    %dma_start3A_6 = tpu.memref_slice %arg5[%dma_start3A, %dma_start3A_3, %dma_start3A_5] : memref<1x64x320xi32, #tpu.memory_space<vmem>> -> memref<1x1x320xi32, #tpu.memory_space<vmem>>
    %dma_start3A_7 = tpu.memref_squeeze %dma_start3A_6 : memref<1x1x320xi32, #tpu.memory_space<vmem>> -> memref<320xi32, #tpu.memory_space<vmem>>
    %dma_start3A_8 = arith.constant 0 : i32
    %dma_start3A_9 = arith.constant 0 : i32
    %dma_start3A_10 = tpu.memref_slice %arg2[%dma_start3A_8, %dma_start3A_9] : memref<640000x128xf32, #tpu.memory_space<hbm>> -> memref<640000x128xf32, #tpu.memory_space<hbm>>
    %dma_start3A_11 = tpu.memref_slice %arg7[%dma_start3A_4] : memref<4x!tpu.dma_semaphore, #tpu.memory_space<semaphore_mem>> -> memref<1x!tpu.dma_semaphore, #tpu.memory_space<semaphore_mem>>
    %dma_start3A_12 = tpu.memref_squeeze %dma_start3A_11 : memref<1x!tpu.dma_semaphore, #tpu.memory_space<semaphore_mem>> -> memref<!tpu.dma_semaphore, #tpu.memory_space<semaphore_mem>>
    tpu.enqueue_indirect_dma source(%dma_start3A_10 : memref<640000x128xf32, #tpu.memory_space<hbm>>) target(%arg6 : memref<320x128xf32, #tpu.memory_space<vmem>>) offsets(%dma_start3A_7 : memref<320xi32, #tpu.memory_space<vmem>>) semaphore(%dma_start3A_12 : memref<!tpu.dma_semaphore, #tpu.memory_space<semaphore_mem>>)
    %dma_wait3A = arith.constant 0 : i32
    %dma_wait3A_13 = arith.constant 0 : i32
    %dma_wait3A_14 = arith.constant 0 : i32
    %dma_wait3A_15 = arith.constant 0 : i32
    %dma_wait3A_16 = tpu.memref_slice %arg5[%dma_wait3A, %dma_wait3A_13, %dma_wait3A_15] : memref<1x64x320xi32, #tpu.memory_space<vmem>> -> memref<1x1x320xi32, #tpu.memory_space<vmem>>
    %dma_wait3A_17 = tpu.memref_squeeze %dma_wait3A_16 : memref<1x1x320xi32, #tpu.memory_space<vmem>> -> memref<320xi32, #tpu.memory_space<vmem>>
    %dma_wait3A_18 = arith.constant 0 : i32
    %dma_wait3A_19 = arith.constant 0 : i32
    %dma_wait3A_20 = tpu.memref_slice %arg2[%dma_wait3A_18, %dma_wait3A_19] : memref<640000x128xf32, #tpu.memory_space<hbm>> -> memref<640000x128xf32, #tpu.memory_space<hbm>>
    %dma_wait3A_21 = tpu.memref_slice %arg7[%dma_wait3A_14] : memref<4x!tpu.dma_semaphore, #tpu.memory_space<semaphore_mem>> -> memref<1x!tpu.dma_semaphore, #tpu.memory_space<semaphore_mem>>
    %dma_wait3A_22 = tpu.memref_squeeze %dma_wait3A_21 : memref<1x!tpu.dma_semaphore, #tpu.memory_space<semaphore_mem>> -> memref<!tpu.dma_semaphore, #tpu.memory_space<semaphore_mem>>
    tpu.wait_indirect_dma semaphore(%dma_wait3A_22 : memref<!tpu.dma_semaphore, #tpu.memory_space<semaphore_mem>>) src(%dma_wait3A_20 : memref<640000x128xf32, #tpu.memory_space<hbm>>) dst(%arg6 : memref<320x128xf32, #tpu.memory_space<vmem>>)
    %scan3A = arith.constant 0 : i32
    %scan3A_23 = arith.constant 1 : i32
    %scan3A_24 = arith.constant 63 : i32
    %scan3A_25 = arith.addi %scan3A_23, %scan3A_24 : i32
    %scan3A_26 = arith.constant 1 : i32
    scf.for %scan3A_34 = %scan3A_23 to %scan3A_25 step %scan3A_26  : i32 {
      %jit3A = arith.constant 4 : i32
      %eq3A = arith.constant 0 : i32
      %eq3A_35 = arith.cmpi eq, %jit3A, %eq3A : i32
      %jit3A_36 = arith.constant 1 : i32
      %select_n3A = arith.select %eq3A_35, %jit3A_36, %jit3A : i32
      %rem3A = arith.remsi %scan3A_34, %select_n3A : i32
      %ne3A = arith.constant 0 : i32
      %ne3A_37 = arith.cmpi ne, %rem3A, %ne3A : i32
      %lt3A = arith.constant 0 : i32
      %lt3A_38 = arith.cmpi slt, %rem3A, %lt3A : i32
      %lt3A_39 = arith.constant 0 : i32
      %lt3A_40 = arith.cmpi slt, %select_n3A, %lt3A_39 : i32
      %ne3A_41 = arith.xori %lt3A_38, %lt3A_40 : i1
      %and3A = arith.andi %ne3A_41, %ne3A_37 : i1
      %add3A_42 = arith.addi %rem3A, %select_n3A : i32
      %select_n3A_43 = arith.select %and3A, %add3A_42, %rem3A : i32
      %dma_start3A_44 = arith.constant 0 : i32
      %dma_start3A_45 = arith.constant 0 : i32
      %dma_start3A_46 = tpu.memref_slice %arg5[%dma_start3A_44, %scan3A_34, %dma_start3A_45] : memref<1x64x320xi32, #tpu.memory_space<vmem>> -> memref<1x1x320xi32, #tpu.memory_space<vmem>>
      %dma_start3A_47 = tpu.memref_squeeze %dma_start3A_46 : memref<1x1x320xi32, #tpu.memory_space<vmem>> -> memref<320xi32, #tpu.memory_space<vmem>>
      %dma_start3A_48 = arith.constant 0 : i32
      %dma_start3A_49 = arith.constant 0 : i32
      %dma_start3A_50 = tpu.memref_slice %arg2[%dma_start3A_48, %dma_start3A_49] : memref<640000x128xf32, #tpu.memory_space<hbm>> -> memref<640000x128xf32, #tpu.memory_space<hbm>>
      %dma_start3A_51 = tpu.memref_slice %arg7[%select_n3A_43] : memref<4x!tpu.dma_semaphore, #tpu.memory_space<semaphore_mem>> -> memref<1x!tpu.dma_semaphore, #tpu.memory_space<semaphore_mem>>
      %dma_start3A_52 = tpu.memref_squeeze %dma_start3A_51 : memref<1x!tpu.dma_semaphore, #tpu.memory_space<semaphore_mem>> -> memref<!tpu.dma_semaphore, #tpu.memory_space<semaphore_mem>>
      tpu.enqueue_indirect_dma source(%dma_start3A_50 : memref<640000x128xf32, #tpu.memory_space<hbm>>) target(%arg6 : memref<320x128xf32, #tpu.memory_space<vmem>>) offsets(%dma_start3A_47 : memref<320xi32, #tpu.memory_space<vmem>>) semaphore(%dma_start3A_52 : memref<!tpu.dma_semaphore, #tpu.memory_space<semaphore_mem>>) {add = true}
    }
    %scan3A_27 = arith.constant 63 : i32
    %scan3A_28 = arith.constant 0 : i32
    %scan3A_29 = arith.constant 1 : i32
    %scan3A_30 = arith.constant 63 : i32
    %scan3A_31 = arith.addi %scan3A_29, %scan3A_30 : i32
    %scan3A_32 = arith.constant 1 : i32
    scf.for %scan3A_34 = %scan3A_29 to %scan3A_31 step %scan3A_32  : i32 {
      %jit3A = arith.constant 4 : i32
      %eq3A = arith.constant 0 : i32
      %eq3A_35 = arith.cmpi eq, %jit3A, %eq3A : i32
      %jit3A_36 = arith.constant 1 : i32
      %select_n3A = arith.select %eq3A_35, %jit3A_36, %jit3A : i32
      %rem3A = arith.remsi %scan3A_34, %select_n3A : i32
      %ne3A = arith.constant 0 : i32
      %ne3A_37 = arith.cmpi ne, %rem3A, %ne3A : i32
      %lt3A = arith.constant 0 : i32
      %lt3A_38 = arith.cmpi slt, %rem3A, %lt3A : i32
      %lt3A_39 = arith.constant 0 : i32
      %lt3A_40 = arith.cmpi slt, %select_n3A, %lt3A_39 : i32
      %ne3A_41 = arith.xori %lt3A_38, %lt3A_40 : i1
      %and3A = arith.andi %ne3A_41, %ne3A_37 : i1
      %add3A_42 = arith.addi %rem3A, %select_n3A : i32
      %select_n3A_43 = arith.select %and3A, %add3A_42, %rem3A : i32
      %dma_wait3A_44 = arith.constant 0 : i32
      %dma_wait3A_45 = arith.constant 0 : i32
      %dma_wait3A_46 = arith.constant 0 : i32
      %dma_wait3A_47 = tpu.memref_slice %arg5[%dma_wait3A_44, %dma_wait3A_45, %dma_wait3A_46] : memref<1x64x320xi32, #tpu.memory_space<vmem>> -> memref<1x1x320xi32, #tpu.memory_space<vmem>>
      %dma_wait3A_48 = tpu.memref_squeeze %dma_wait3A_47 : memref<1x1x320xi32, #tpu.memory_space<vmem>> -> memref<320xi32, #tpu.memory_space<vmem>>
      %dma_wait3A_49 = arith.constant 0 : i32
      %dma_wait3A_50 = arith.constant 0 : i32
      %dma_wait3A_51 = tpu.memref_slice %arg2[%dma_wait3A_49, %dma_wait3A_50] : memref<640000x128xf32, #tpu.memory_space<hbm>> -> memref<640000x128xf32, #tpu.memory_space<hbm>>
      %dma_wait3A_52 = tpu.memref_slice %arg7[%select_n3A_43] : memref<4x!tpu.dma_semaphore, #tpu.memory_space<semaphore_mem>> -> memref<1x!tpu.dma_semaphore, #tpu.memory_space<semaphore_mem>>
      %dma_wait3A_53 = tpu.memref_squeeze %dma_wait3A_52 : memref<1x!tpu.dma_semaphore, #tpu.memory_space<semaphore_mem>> -> memref<!tpu.dma_semaphore, #tpu.memory_space<semaphore_mem>>
      tpu.wait_indirect_dma semaphore(%dma_wait3A_53 : memref<!tpu.dma_semaphore, #tpu.memory_space<semaphore_mem>>) src(%dma_wait3A_51 : memref<640000x128xf32, #tpu.memory_space<hbm>>) dst(%arg6 : memref<320x128xf32, #tpu.memory_space<vmem>>)
    }
    %scan3A_33 = arith.constant 63 : i32
    "tpu.region"() ({
      %run_scoped3A = tpu.sem_alloc : memref<!tpu.dma_semaphore, #tpu.memory_space<semaphore_mem>>
      %dma_start3A_34 = arith.constant 0 : i32
      %dma_start3A_35 = tpu.memref_slice %arg4[%mul3A_2, %dma_start3A_34] : memref<10240x128xf32, #tpu.memory_space<hbm>> -> memref<320x128xf32, #tpu.memory_space<hbm>>
      %dma_start3A_36 = arith.constant 0 : i32
      %dma_start3A_37 = tpu.memref_slice %arg4[%mul3A_2, %dma_start3A_36] : memref<10240x128xf32, #tpu.memory_space<hbm>> -> memref<320x128xf32, #tpu.memory_space<hbm>>
      tpu.enqueue_dma source(%arg6 : memref<320x128xf32, #tpu.memory_space<vmem>>) target(%dma_start3A_37 : memref<320x128xf32, #tpu.memory_space<hbm>>) target_semaphore(%run_scoped3A : memref<!tpu.dma_semaphore, #tpu.memory_space<semaphore_mem>>)
      %dma_wait3A_38 = arith.constant 0 : i32
      %dma_wait3A_39 = tpu.memref_slice %arg4[%mul3A_2, %dma_wait3A_38] : memref<10240x128xf32, #tpu.memory_space<hbm>> -> memref<320x128xf32, #tpu.memory_space<hbm>>
      %dma_wait3A_40 = arith.constant 0 : i32
      %dma_wait3A_41 = tpu.memref_slice %arg4[%mul3A_2, %dma_wait3A_40] : memref<10240x128xf32, #tpu.memory_space<hbm>> -> memref<320x128xf32, #tpu.memory_space<hbm>>
      tpu.wait_dma2 semaphore(%run_scoped3A : memref<!tpu.dma_semaphore, #tpu.memory_space<semaphore_mem>>) src(%arg6 : memref<320x128xf32, #tpu.memory_space<vmem>>) dst(%dma_wait3A_41 : memref<320x128xf32, #tpu.memory_space<hbm>>)
      tpu.yield
    }) : () -> ()
    return
  }
}

#map = affine_map<(d0, d1) -> (0, 0)>
#map1 = affine_map<(d0, d1) -> (0)>
module attributes {stable_mosaic.version = 14 : i64} {
  func.func @_bond_update(%arg0: i32, %arg1: i32, %arg2: memref<640000x128xf32, #tpu.memory_space<hbm>>, %arg3: memref<10240x128xf32, #tpu.memory_space<hbm>>, %arg4: memref<640000x128xf32, #tpu.memory_space<hbm>>, %arg5: memref<640000xi32, #tpu.memory_space<hbm>>, %arg6: memref<640000xi32, #tpu.memory_space<hbm>>, %arg7: memref<640000x128xf32, #tpu.memory_space<hbm>>, %arg8: memref<2x256xi32, #tpu.memory_space<vmem>>, %arg9: memref<256x128xf32, #tpu.memory_space<vmem>>, %arg10: memref<!tpu.dma_semaphore, #tpu.memory_space<semaphore_mem>>) attributes {dimension_semantics = [#tpu.dimension_semantics<core_parallel>, #tpu.dimension_semantics<subcore_parallel>], iteration_bounds = array<i64: 2, 16>, scalar_prefetch = 0 : i64, scratch_operands = 3 : i64, tpu.core_type = #tpu.core_type<sc_vector_subcore>, window_params = [{transform_indices = #map}, {transform_indices = #map}, {transform_indices = #map}, {transform_indices = #map1}, {transform_indices = #map1}, {transform_indices = #map}]} {
    %mul3A = arith.constant 16 : i32
    %mul3A_0 = arith.muli %arg0, %mul3A : i32
    %add3A = arith.addi %mul3A_0, %arg1 : i32
    %lt3A = arith.constant 4 : i32
    %lt3A_1 = arith.cmpi slt, %add3A, %lt3A : i32
    %jit3A = arith.constant 79 : i32
    %jit3A_2 = arith.constant 78 : i32
    %select_n3A = arith.select %lt3A_1, %jit3A, %jit3A_2 : i32
    %while3A = arith.constant 0 : i32
    %while3A_3 = arith.constant 0 : i32
    %while3A_4 = arith.subi %select_n3A, %while3A_3 : i32
    %while3A_5 = arith.addi %while3A_3, %while3A_4 : i32
    %while3A_6 = arith.constant 1 : i32
    %while3A_7 = arith.divsi %while3A_4, %while3A_6 : i32
    %while3A_8 = arith.muli %while3A_7, %while3A_6 : i32
    %while3A_9 = arith.addi %while3A_3, %while3A_8 : i32
    %while3A_10 = arith.constant 1 : i32
    scf.for %while3A_12 = %while3A_3 to %while3A_9 step %while3A_10  : i32 {
      %mul3A_13 = arith.constant 32 : i32
      %mul3A_14 = arith.muli %while3A_12, %mul3A_13 : i32
      %add3A_15 = arith.addi %mul3A_14, %add3A : i32
      %mul3A_16 = arith.constant 256 : i32
      %mul3A_17 = arith.muli %add3A_15, %mul3A_16 : i32
      "tpu.region"() ({
        %run_scoped3A_50 = tpu.sem_alloc : memref<!tpu.dma_semaphore, #tpu.memory_space<semaphore_mem>>
        %dma_start3A_51 = arith.constant 0 : i32
        %dma_start3A_52 = tpu.memref_slice %arg2[%mul3A_17, %dma_start3A_51] : memref<640000x128xf32, #tpu.memory_space<hbm>> -> memref<256x128xf32, #tpu.memory_space<hbm>>
        %dma_start3A_53 = arith.constant 0 : i32
        %dma_start3A_54 = tpu.memref_slice %arg2[%mul3A_17, %dma_start3A_53] : memref<640000x128xf32, #tpu.memory_space<hbm>> -> memref<256x128xf32, #tpu.memory_space<hbm>>
        tpu.enqueue_dma source(%dma_start3A_54 : memref<256x128xf32, #tpu.memory_space<hbm>>) target(%arg9 : memref<256x128xf32, #tpu.memory_space<vmem>>) target_semaphore(%run_scoped3A_50 : memref<!tpu.dma_semaphore, #tpu.memory_space<semaphore_mem>>)
        %dma_wait3A_55 = arith.constant 0 : i32
        %dma_wait3A_56 = tpu.memref_slice %arg2[%mul3A_17, %dma_wait3A_55] : memref<640000x128xf32, #tpu.memory_space<hbm>> -> memref<256x128xf32, #tpu.memory_space<hbm>>
        %dma_wait3A_57 = arith.constant 0 : i32
        %dma_wait3A_58 = tpu.memref_slice %arg2[%mul3A_17, %dma_wait3A_57] : memref<640000x128xf32, #tpu.memory_space<hbm>> -> memref<256x128xf32, #tpu.memory_space<hbm>>
        tpu.wait_dma2 semaphore(%run_scoped3A_50 : memref<!tpu.dma_semaphore, #tpu.memory_space<semaphore_mem>>) src(%dma_wait3A_58 : memref<256x128xf32, #tpu.memory_space<hbm>>) dst(%arg9 : memref<256x128xf32, #tpu.memory_space<vmem>>)
        tpu.yield
      }) : () -> ()
      %run_scoped3A = arith.constant 0 : i32
      "tpu.region"() ({
        %run_scoped3A_50 = tpu.sem_alloc : memref<!tpu.dma_semaphore, #tpu.memory_space<semaphore_mem>>
        %dma_start3A_51 = arith.constant 0 : i32
        %dma_start3A_52 = tpu.memref_slice %arg8[%run_scoped3A, %dma_start3A_51] : memref<2x256xi32, #tpu.memory_space<vmem>> -> memref<1x256xi32, #tpu.memory_space<vmem>>
        %dma_start3A_53 = tpu.memref_squeeze %dma_start3A_52 : memref<1x256xi32, #tpu.memory_space<vmem>> -> memref<256xi32, #tpu.memory_space<vmem>>
        %dma_start3A_54 = tpu.memref_slice %arg5[%mul3A_17] : memref<640000xi32, #tpu.memory_space<hbm>> -> memref<256xi32, #tpu.memory_space<hbm>>
        %dma_start3A_55 = arith.constant 0 : i32
        %dma_start3A_56 = tpu.memref_slice %arg8[%run_scoped3A, %dma_start3A_55] : memref<2x256xi32, #tpu.memory_space<vmem>> -> memref<1x256xi32, #tpu.memory_space<vmem>>
        %dma_start3A_57 = tpu.memref_squeeze %dma_start3A_56 : memref<1x256xi32, #tpu.memory_space<vmem>> -> memref<256xi32, #tpu.memory_space<vmem>>
        %dma_start3A_58 = tpu.memref_slice %arg5[%mul3A_17] : memref<640000xi32, #tpu.memory_space<hbm>> -> memref<256xi32, #tpu.memory_space<hbm>>
        tpu.enqueue_dma source(%dma_start3A_58 : memref<256xi32, #tpu.memory_space<hbm>>) target(%dma_start3A_57 : memref<256xi32, #tpu.memory_space<vmem>>) target_semaphore(%run_scoped3A_50 : memref<!tpu.dma_semaphore, #tpu.memory_space<semaphore_mem>>)
        %dma_wait3A_59 = arith.constant 0 : i32
        %dma_wait3A_60 = tpu.memref_slice %arg8[%run_scoped3A, %dma_wait3A_59] : memref<2x256xi32, #tpu.memory_space<vmem>> -> memref<1x256xi32, #tpu.memory_space<vmem>>
        %dma_wait3A_61 = tpu.memref_squeeze %dma_wait3A_60 : memref<1x256xi32, #tpu.memory_space<vmem>> -> memref<256xi32, #tpu.memory_space<vmem>>
        %dma_wait3A_62 = tpu.memref_slice %arg5[%mul3A_17] : memref<640000xi32, #tpu.memory_space<hbm>> -> memref<256xi32, #tpu.memory_space<hbm>>
        %dma_wait3A_63 = arith.constant 0 : i32
        %dma_wait3A_64 = tpu.memref_slice %arg8[%run_scoped3A, %dma_wait3A_63] : memref<2x256xi32, #tpu.memory_space<vmem>> -> memref<1x256xi32, #tpu.memory_space<vmem>>
        %dma_wait3A_65 = tpu.memref_squeeze %dma_wait3A_64 : memref<1x256xi32, #tpu.memory_space<vmem>> -> memref<256xi32, #tpu.memory_space<vmem>>
        %dma_wait3A_66 = tpu.memref_slice %arg5[%mul3A_17] : memref<640000xi32, #tpu.memory_space<hbm>> -> memref<256xi32, #tpu.memory_space<hbm>>
        tpu.wait_dma2 semaphore(%run_scoped3A_50 : memref<!tpu.dma_semaphore, #tpu.memory_space<semaphore_mem>>) src(%dma_wait3A_66 : memref<256xi32, #tpu.memory_space<hbm>>) dst(%dma_wait3A_65 : memref<256xi32, #tpu.memory_space<vmem>>)
        tpu.yield
      }) : () -> ()
      %run_scoped3A_18 = arith.constant 1 : i32
      "tpu.region"() ({
        %run_scoped3A_50 = tpu.sem_alloc : memref<!tpu.dma_semaphore, #tpu.memory_space<semaphore_mem>>
        %dma_start3A_51 = arith.constant 0 : i32
        %dma_start3A_52 = tpu.memref_slice %arg8[%run_scoped3A_18, %dma_start3A_51] : memref<2x256xi32, #tpu.memory_space<vmem>> -> memref<1x256xi32, #tpu.memory_space<vmem>>
        %dma_start3A_53 = tpu.memref_squeeze %dma_start3A_52 : memref<1x256xi32, #tpu.memory_space<vmem>> -> memref<256xi32, #tpu.memory_space<vmem>>
        %dma_start3A_54 = tpu.memref_slice %arg6[%mul3A_17] : memref<640000xi32, #tpu.memory_space<hbm>> -> memref<256xi32, #tpu.memory_space<hbm>>
        %dma_start3A_55 = arith.constant 0 : i32
        %dma_start3A_56 = tpu.memref_slice %arg8[%run_scoped3A_18, %dma_start3A_55] : memref<2x256xi32, #tpu.memory_space<vmem>> -> memref<1x256xi32, #tpu.memory_space<vmem>>
        %dma_start3A_57 = tpu.memref_squeeze %dma_start3A_56 : memref<1x256xi32, #tpu.memory_space<vmem>> -> memref<256xi32, #tpu.memory_space<vmem>>
        %dma_start3A_58 = tpu.memref_slice %arg6[%mul3A_17] : memref<640000xi32, #tpu.memory_space<hbm>> -> memref<256xi32, #tpu.memory_space<hbm>>
        tpu.enqueue_dma source(%dma_start3A_58 : memref<256xi32, #tpu.memory_space<hbm>>) target(%dma_start3A_57 : memref<256xi32, #tpu.memory_space<vmem>>) target_semaphore(%run_scoped3A_50 : memref<!tpu.dma_semaphore, #tpu.memory_space<semaphore_mem>>)
        %dma_wait3A_59 = arith.constant 0 : i32
        %dma_wait3A_60 = tpu.memref_slice %arg8[%run_scoped3A_18, %dma_wait3A_59] : memref<2x256xi32, #tpu.memory_space<vmem>> -> memref<1x256xi32, #tpu.memory_space<vmem>>
        %dma_wait3A_61 = tpu.memref_squeeze %dma_wait3A_60 : memref<1x256xi32, #tpu.memory_space<vmem>> -> memref<256xi32, #tpu.memory_space<vmem>>
        %dma_wait3A_62 = tpu.memref_slice %arg6[%mul3A_17] : memref<640000xi32, #tpu.memory_space<hbm>> -> memref<256xi32, #tpu.memory_space<hbm>>
        %dma_wait3A_63 = arith.constant 0 : i32
        %dma_wait3A_64 = tpu.memref_slice %arg8[%run_scoped3A_18, %dma_wait3A_63] : memref<2x256xi32, #tpu.memory_space<vmem>> -> memref<1x256xi32, #tpu.memory_space<vmem>>
        %dma_wait3A_65 = tpu.memref_squeeze %dma_wait3A_64 : memref<1x256xi32, #tpu.memory_space<vmem>> -> memref<256xi32, #tpu.memory_space<vmem>>
        %dma_wait3A_66 = tpu.memref_slice %arg6[%mul3A_17] : memref<640000xi32, #tpu.memory_space<hbm>> -> memref<256xi32, #tpu.memory_space<hbm>>
        tpu.wait_dma2 semaphore(%run_scoped3A_50 : memref<!tpu.dma_semaphore, #tpu.memory_space<semaphore_mem>>) src(%dma_wait3A_66 : memref<256xi32, #tpu.memory_space<hbm>>) dst(%dma_wait3A_65 : memref<256xi32, #tpu.memory_space<vmem>>)
        tpu.yield
      }) : () -> ()
      %dma_start3A = arith.constant 0 : i32
      %dma_start3A_19 = arith.constant 0 : i32
      %dma_start3A_20 = tpu.memref_slice %arg8[%dma_start3A, %dma_start3A_19] : memref<2x256xi32, #tpu.memory_space<vmem>> -> memref<1x256xi32, #tpu.memory_space<vmem>>
      %dma_start3A_21 = tpu.memref_squeeze %dma_start3A_20 : memref<1x256xi32, #tpu.memory_space<vmem>> -> memref<256xi32, #tpu.memory_space<vmem>>
      %dma_start3A_22 = arith.constant 0 : i32
      %dma_start3A_23 = arith.constant 0 : i32
      %dma_start3A_24 = tpu.memref_slice %arg3[%dma_start3A_22, %dma_start3A_23] : memref<10240x128xf32, #tpu.memory_space<hbm>> -> memref<10240x128xf32, #tpu.memory_space<hbm>>
      tpu.enqueue_indirect_dma source(%dma_start3A_24 : memref<10240x128xf32, #tpu.memory_space<hbm>>) target(%arg9 : memref<256x128xf32, #tpu.memory_space<vmem>>) offsets(%dma_start3A_21 : memref<256xi32, #tpu.memory_space<vmem>>) semaphore(%arg10 : memref<!tpu.dma_semaphore, #tpu.memory_space<semaphore_mem>>) {add = true}
      %dma_start3A_25 = arith.constant 1 : i32
      %dma_start3A_26 = arith.constant 0 : i32
      %dma_start3A_27 = tpu.memref_slice %arg8[%dma_start3A_25, %dma_start3A_26] : memref<2x256xi32, #tpu.memory_space<vmem>> -> memref<1x256xi32, #tpu.memory_space<vmem>>
      %dma_start3A_28 = tpu.memref_squeeze %dma_start3A_27 : memref<1x256xi32, #tpu.memory_space<vmem>> -> memref<256xi32, #tpu.memory_space<vmem>>
      %dma_start3A_29 = arith.constant 0 : i32
      %dma_start3A_30 = arith.constant 0 : i32
      %dma_start3A_31 = tpu.memref_slice %arg4[%dma_start3A_29, %dma_start3A_30] : memref<640000x128xf32, #tpu.memory_space<hbm>> -> memref<640000x128xf32, #tpu.memory_space<hbm>>
      tpu.enqueue_indirect_dma source(%dma_start3A_31 : memref<640000x128xf32, #tpu.memory_space<hbm>>) target(%arg9 : memref<256x128xf32, #tpu.memory_space<vmem>>) offsets(%dma_start3A_28 : memref<256xi32, #tpu.memory_space<vmem>>) semaphore(%arg10 : memref<!tpu.dma_semaphore, #tpu.memory_space<semaphore_mem>>) {add = true}
      %dma_wait3A = arith.constant 0 : i32
      %dma_wait3A_32 = arith.constant 0 : i32
      %dma_wait3A_33 = tpu.memref_slice %arg8[%dma_wait3A, %dma_wait3A_32] : memref<2x256xi32, #tpu.memory_space<vmem>> -> memref<1x256xi32, #tpu.memory_space<vmem>>
      %dma_wait3A_34 = tpu.memref_squeeze %dma_wait3A_33 : memref<1x256xi32, #tpu.memory_space<vmem>> -> memref<256xi32, #tpu.memory_space<vmem>>
      %dma_wait3A_35 = arith.constant 0 : i32
      %dma_wait3A_36 = arith.constant 0 : i32
      %dma_wait3A_37 = tpu.memref_slice %arg3[%dma_wait3A_35, %dma_wait3A_36] : memref<10240x128xf32, #tpu.memory_space<hbm>> -> memref<10240x128xf32, #tpu.memory_space<hbm>>
      tpu.wait_indirect_dma semaphore(%arg10 : memref<!tpu.dma_semaphore, #tpu.memory_space<semaphore_mem>>) src(%dma_wait3A_37 : memref<10240x128xf32, #tpu.memory_space<hbm>>) dst(%arg9 : memref<256x128xf32, #tpu.memory_space<vmem>>)
      %dma_wait3A_38 = arith.constant 1 : i32
      %dma_wait3A_39 = arith.constant 0 : i32
      %dma_wait3A_40 = tpu.memref_slice %arg8[%dma_wait3A_38, %dma_wait3A_39] : memref<2x256xi32, #tpu.memory_space<vmem>> -> memref<1x256xi32, #tpu.memory_space<vmem>>
      %dma_wait3A_41 = tpu.memref_squeeze %dma_wait3A_40 : memref<1x256xi32, #tpu.memory_space<vmem>> -> memref<256xi32, #tpu.memory_space<vmem>>
      %dma_wait3A_42 = arith.constant 0 : i32
      %dma_wait3A_43 = arith.constant 0 : i32
      %dma_wait3A_44 = tpu.memref_slice %arg4[%dma_wait3A_42, %dma_wait3A_43] : memref<640000x128xf32, #tpu.memory_space<hbm>> -> memref<640000x128xf32, #tpu.memory_space<hbm>>
      tpu.wait_indirect_dma semaphore(%arg10 : memref<!tpu.dma_semaphore, #tpu.memory_space<semaphore_mem>>) src(%dma_wait3A_44 : memref<640000x128xf32, #tpu.memory_space<hbm>>) dst(%arg9 : memref<256x128xf32, #tpu.memory_space<vmem>>)
      %scan3A = arith.constant 0 : i32
      %scan3A_45 = arith.constant 0 : i32
      %scan3A_46 = arith.constant 256 : i32
      %scan3A_47 = arith.addi %scan3A_45, %scan3A_46 : i32
      %scan3A_48 = arith.constant 1 : i32
      scf.for %scan3A_50 = %scan3A_45 to %scan3A_47 step %scan3A_48  : i32 {
        %get3A = arith.index_cast %scan3A_50 : i32 to index
        %get3A_51 = arith.constant 0 : index
        %get3A_52 = tpu.vector_load %arg9[%get3A, %get3A_51] {strides = array<i32>} : memref<256x128xf32, #tpu.memory_space<vmem>>, vector<1x16xf32>,
        %get3A_53 = vector.shape_cast %get3A_52 : vector<1x16xf32> to vector<16xf32>
        %max3A = arith.constant 0.000000e+00 : f32
        %max3A_54 = vector.broadcast %max3A : f32 to vector<16xf32>
        %max3A_55 = arith.maximumf %get3A_53, %max3A_54 : vector<16xf32>
        %swap3A = arith.index_cast %scan3A_50 : i32 to index
        %swap3A_56 = arith.constant 0 : index
        %swap3A_57 = tpu.vector_load %arg9[%swap3A, %swap3A_56] {strides = array<i32>} : memref<256x128xf32, #tpu.memory_space<vmem>>, vector<1x16xf32>,
        %swap3A_58 = vector.shape_cast %swap3A_57 : vector<1x16xf32> to vector<16xf32>
        %swap3A_59 = vector.shape_cast %max3A_55 : vector<16xf32> to vector<1x16xf32>
        tpu.vector_store %arg9[%swap3A, %swap3A_56], %swap3A_59 {strides = array<i32>} : memref<256x128xf32, #tpu.memory_space<vmem>>, vector<1x16xf32>,
        %get3A_60 = arith.index_cast %scan3A_50 : i32 to index
        %get3A_61 = arith.constant 16 : index
        %get3A_62 = tpu.vector_load %arg9[%get3A_60, %get3A_61] {strides = array<i32>} : memref<256x128xf32, #tpu.memory_space<vmem>>, vector<1x16xf32>,
        %get3A_63 = vector.shape_cast %get3A_62 : vector<1x16xf32> to vector<16xf32>
        %max3A_64 = arith.constant 0.000000e+00 : f32
        %max3A_65 = vector.broadcast %max3A_64 : f32 to vector<16xf32>
        %max3A_66 = arith.maximumf %get3A_63, %max3A_65 : vector<16xf32>
        %swap3A_67 = arith.index_cast %scan3A_50 : i32 to index
        %swap3A_68 = arith.constant 16 : index
        %swap3A_69 = tpu.vector_load %arg9[%swap3A_67, %swap3A_68] {strides = array<i32>} : memref<256x128xf32, #tpu.memory_space<vmem>>, vector<1x16xf32>,
        %swap3A_70 = vector.shape_cast %swap3A_69 : vector<1x16xf32> to vector<16xf32>
        %swap3A_71 = vector.shape_cast %max3A_66 : vector<16xf32> to vector<1x16xf32>
        tpu.vector_store %arg9[%swap3A_67, %swap3A_68], %swap3A_71 {strides = array<i32>} : memref<256x128xf32, #tpu.memory_space<vmem>>, vector<1x16xf32>,
        %get3A_72 = arith.index_cast %scan3A_50 : i32 to index
        %get3A_73 = arith.constant 32 : index
        %get3A_74 = tpu.vector_load %arg9[%get3A_72, %get3A_73] {strides = array<i32>} : memref<256x128xf32, #tpu.memory_space<vmem>>, vector<1x16xf32>,
        %get3A_75 = vector.shape_cast %get3A_74 : vector<1x16xf32> to vector<16xf32>
        %max3A_76 = arith.constant 0.000000e+00 : f32
        %max3A_77 = vector.broadcast %max3A_76 : f32 to vector<16xf32>
        %max3A_78 = arith.maximumf %get3A_75, %max3A_77 : vector<16xf32>
        %swap3A_79 = arith.index_cast %scan3A_50 : i32 to index
        %swap3A_80 = arith.constant 32 : index
        %swap3A_81 = tpu.vector_load %arg9[%swap3A_79, %swap3A_80] {strides = array<i32>} : memref<256x128xf32, #tpu.memory_space<vmem>>, vector<1x16xf32>,
        %swap3A_82 = vector.shape_cast %swap3A_81 : vector<1x16xf32> to vector<16xf32>
        %swap3A_83 = vector.shape_cast %max3A_78 : vector<16xf32> to vector<1x16xf32>
        tpu.vector_store %arg9[%swap3A_79, %swap3A_80], %swap3A_83 {strides = array<i32>} : memref<256x128xf32, #tpu.memory_space<vmem>>, vector<1x16xf32>,
        %get3A_84 = arith.index_cast %scan3A_50 : i32 to index
        %get3A_85 = arith.constant 48 : index
        %get3A_86 = tpu.vector_load %arg9[%get3A_84, %get3A_85] {strides = array<i32>} : memref<256x128xf32, #tpu.memory_space<vmem>>, vector<1x16xf32>,
        %get3A_87 = vector.shape_cast %get3A_86 : vector<1x16xf32> to vector<16xf32>
        %max3A_88 = arith.constant 0.000000e+00 : f32
        %max3A_89 = vector.broadcast %max3A_88 : f32 to vector<16xf32>
        %max3A_90 = arith.maximumf %get3A_87, %max3A_89 : vector<16xf32>
        %swap3A_91 = arith.index_cast %scan3A_50 : i32 to index
        %swap3A_92 = arith.constant 48 : index
        %swap3A_93 = tpu.vector_load %arg9[%swap3A_91, %swap3A_92] {strides = array<i32>} : memref<256x128xf32, #tpu.memory_space<vmem>>, vector<1x16xf32>,
        %swap3A_94 = vector.shape_cast %swap3A_93 : vector<1x16xf32> to vector<16xf32>
        %swap3A_95 = vector.shape_cast %max3A_90 : vector<16xf32> to vector<1x16xf32>
        tpu.vector_store %arg9[%swap3A_91, %swap3A_92], %swap3A_95 {strides = array<i32>} : memref<256x128xf32, #tpu.memory_space<vmem>>, vector<1x16xf32>,
        %get3A_96 = arith.index_cast %scan3A_50 : i32 to index
        %get3A_97 = arith.constant 64 : index
        %get3A_98 = tpu.vector_load %arg9[%get3A_96, %get3A_97] {strides = array<i32>} : memref<256x128xf32, #tpu.memory_space<vmem>>, vector<1x16xf32>,
        %get3A_99 = vector.shape_cast %get3A_98 : vector<1x16xf32> to vector<16xf32>
        %max3A_100 = arith.constant 0.000000e+00 : f32
        %max3A_101 = vector.broadcast %max3A_100 : f32 to vector<16xf32>
        %max3A_102 = arith.maximumf %get3A_99, %max3A_101 : vector<16xf32>
        %swap3A_103 = arith.index_cast %scan3A_50 : i32 to index
        %swap3A_104 = arith.constant 64 : index
        %swap3A_105 = tpu.vector_load %arg9[%swap3A_103, %swap3A_104] {strides = array<i32>} : memref<256x128xf32, #tpu.memory_space<vmem>>, vector<1x16xf32>,
        %swap3A_106 = vector.shape_cast %swap3A_105 : vector<1x16xf32> to vector<16xf32>
        %swap3A_107 = vector.shape_cast %max3A_102 : vector<16xf32> to vector<1x16xf32>
        tpu.vector_store %arg9[%swap3A_103, %swap3A_104], %swap3A_107 {strides = array<i32>} : memref<256x128xf32, #tpu.memory_space<vmem>>, vector<1x16xf32>,
        %get3A_108 = arith.index_cast %scan3A_50 : i32 to index
        %get3A_109 = arith.constant 80 : index
        %get3A_110 = tpu.vector_load %arg9[%get3A_108, %get3A_109] {strides = array<i32>} : memref<256x128xf32, #tpu.memory_space<vmem>>, vector<1x16xf32>,
        %get3A_111 = vector.shape_cast %get3A_110 : vector<1x16xf32> to vector<16xf32>
        %max3A_112 = arith.constant 0.000000e+00 : f32
        %max3A_113 = vector.broadcast %max3A_112 : f32 to vector<16xf32>
        %max3A_114 = arith.maximumf %get3A_111, %max3A_113 : vector<16xf32>
        %swap3A_115 = arith.index_cast %scan3A_50 : i32 to index
        %swap3A_116 = arith.constant 80 : index
        %swap3A_117 = tpu.vector_load %arg9[%swap3A_115, %swap3A_116] {strides = array<i32>} : memref<256x128xf32, #tpu.memory_space<vmem>>, vector<1x16xf32>,
        %swap3A_118 = vector.shape_cast %swap3A_117 : vector<1x16xf32> to vector<16xf32>
        %swap3A_119 = vector.shape_cast %max3A_114 : vector<16xf32> to vector<1x16xf32>
        tpu.vector_store %arg9[%swap3A_115, %swap3A_116], %swap3A_119 {strides = array<i32>} : memref<256x128xf32, #tpu.memory_space<vmem>>, vector<1x16xf32>,
        %get3A_120 = arith.index_cast %scan3A_50 : i32 to index
        %get3A_121 = arith.constant 96 : index
        %get3A_122 = tpu.vector_load %arg9[%get3A_120, %get3A_121] {strides = array<i32>} : memref<256x128xf32, #tpu.memory_space<vmem>>, vector<1x16xf32>,
        %get3A_123 = vector.shape_cast %get3A_122 : vector<1x16xf32> to vector<16xf32>
        %max3A_124 = arith.constant 0.000000e+00 : f32
        %max3A_125 = vector.broadcast %max3A_124 : f32 to vector<16xf32>
        %max3A_126 = arith.maximumf %get3A_123, %max3A_125 : vector<16xf32>
        %swap3A_127 = arith.index_cast %scan3A_50 : i32 to index
        %swap3A_128 = arith.constant 96 : index
        %swap3A_129 = tpu.vector_load %arg9[%swap3A_127, %swap3A_128] {strides = array<i32>} : memref<256x128xf32, #tpu.memory_space<vmem>>, vector<1x16xf32>,
        %swap3A_130 = vector.shape_cast %swap3A_129 : vector<1x16xf32> to vector<16xf32>
        %swap3A_131 = vector.shape_cast %max3A_126 : vector<16xf32> to vector<1x16xf32>
        tpu.vector_store %arg9[%swap3A_127, %swap3A_128], %swap3A_131 {strides = array<i32>} : memref<256x128xf32, #tpu.memory_space<vmem>>, vector<1x16xf32>,
        %get3A_132 = arith.index_cast %scan3A_50 : i32 to index
        %get3A_133 = arith.constant 112 : index
        %get3A_134 = tpu.vector_load %arg9[%get3A_132, %get3A_133] {strides = array<i32>} : memref<256x128xf32, #tpu.memory_space<vmem>>, vector<1x16xf32>,
        %get3A_135 = vector.shape_cast %get3A_134 : vector<1x16xf32> to vector<16xf32>
        %max3A_136 = arith.constant 0.000000e+00 : f32
        %max3A_137 = vector.broadcast %max3A_136 : f32 to vector<16xf32>
        %max3A_138 = arith.maximumf %get3A_135, %max3A_137 : vector<16xf32>
        %swap3A_139 = arith.index_cast %scan3A_50 : i32 to index
        %swap3A_140 = arith.constant 112 : index
        %swap3A_141 = tpu.vector_load %arg9[%swap3A_139, %swap3A_140] {strides = array<i32>} : memref<256x128xf32, #tpu.memory_space<vmem>>, vector<1x16xf32>,
        %swap3A_142 = vector.shape_cast %swap3A_141 : vector<1x16xf32> to vector<16xf32>
        %swap3A_143 = vector.shape_cast %max3A_138 : vector<16xf32> to vector<1x16xf32>
        tpu.vector_store %arg9[%swap3A_139, %swap3A_140], %swap3A_143 {strides = array<i32>} : memref<256x128xf32, #tpu.memory_space<vmem>>, vector<1x16xf32>,
      }
      %scan3A_49 = arith.constant 256 : i32
      "tpu.region"() ({
        %run_scoped3A_50 = tpu.sem_alloc : memref<!tpu.dma_semaphore, #tpu.memory_space<semaphore_mem>>
        %dma_start3A_51 = arith.constant 0 : i32
        %dma_start3A_52 = tpu.memref_slice %arg7[%mul3A_17, %dma_start3A_51] : memref<640000x128xf32, #tpu.memory_space<hbm>> -> memref<256x128xf32, #tpu.memory_space<hbm>>
        %dma_start3A_53 = arith.constant 0 : i32
        %dma_start3A_54 = tpu.memref_slice %arg7[%mul3A_17, %dma_start3A_53] : memref<640000x128xf32, #tpu.memory_space<hbm>> -> memref<256x128xf32, #tpu.memory_space<hbm>>
        tpu.enqueue_dma source(%arg9 : memref<256x128xf32, #tpu.memory_space<vmem>>) target(%dma_start3A_54 : memref<256x128xf32, #tpu.memory_space<hbm>>) target_semaphore(%run_scoped3A_50 : memref<!tpu.dma_semaphore, #tpu.memory_space<semaphore_mem>>)
        %dma_wait3A_55 = arith.constant 0 : i32
        %dma_wait3A_56 = tpu.memref_slice %arg7[%mul3A_17, %dma_wait3A_55] : memref<640000x128xf32, #tpu.memory_space<hbm>> -> memref<256x128xf32, #tpu.memory_space<hbm>>
        %dma_wait3A_57 = arith.constant 0 : i32
        %dma_wait3A_58 = tpu.memref_slice %arg7[%mul3A_17, %dma_wait3A_57] : memref<640000x128xf32, #tpu.memory_space<hbm>> -> memref<256x128xf32, #tpu.memory_space<hbm>>
        tpu.wait_dma2 semaphore(%run_scoped3A_50 : memref<!tpu.dma_semaphore, #tpu.memory_space<semaphore_mem>>) src(%arg9 : memref<256x128xf32, #tpu.memory_space<vmem>>) dst(%dma_wait3A_58 : memref<256x128xf32, #tpu.memory_space<hbm>>)
        tpu.yield
      }) : () -> ()
    }
    %while3A_11 = arith.constant 1 : i32
    scf.for %while3A_12 = %while3A_9 to %while3A_5 step %while3A_11  : i32 {
      %mul3A_13 = arith.constant 32 : i32
      %mul3A_14 = arith.muli %while3A_12, %mul3A_13 : i32
      %add3A_15 = arith.addi %mul3A_14, %add3A : i32
      %mul3A_16 = arith.constant 256 : i32
      %mul3A_17 = arith.muli %add3A_15, %mul3A_16 : i32
      "tpu.region"() ({
        %run_scoped3A_50 = tpu.sem_alloc : memref<!tpu.dma_semaphore, #tpu.memory_space<semaphore_mem>>
        %dma_start3A_51 = arith.constant 0 : i32
        %dma_start3A_52 = tpu.memref_slice %arg2[%mul3A_17, %dma_start3A_51] : memref<640000x128xf32, #tpu.memory_space<hbm>> -> memref<256x128xf32, #tpu.memory_space<hbm>>
        %dma_start3A_53 = arith.constant 0 : i32
        %dma_start3A_54 = tpu.memref_slice %arg2[%mul3A_17, %dma_start3A_53] : memref<640000x128xf32, #tpu.memory_space<hbm>> -> memref<256x128xf32, #tpu.memory_space<hbm>>
        tpu.enqueue_dma source(%dma_start3A_54 : memref<256x128xf32, #tpu.memory_space<hbm>>) target(%arg9 : memref<256x128xf32, #tpu.memory_space<vmem>>) target_semaphore(%run_scoped3A_50 : memref<!tpu.dma_semaphore, #tpu.memory_space<semaphore_mem>>)
        %dma_wait3A_55 = arith.constant 0 : i32
        %dma_wait3A_56 = tpu.memref_slice %arg2[%mul3A_17, %dma_wait3A_55] : memref<640000x128xf32, #tpu.memory_space<hbm>> -> memref<256x128xf32, #tpu.memory_space<hbm>>
        %dma_wait3A_57 = arith.constant 0 : i32
        %dma_wait3A_58 = tpu.memref_slice %arg2[%mul3A_17, %dma_wait3A_57] : memref<640000x128xf32, #tpu.memory_space<hbm>> -> memref<256x128xf32, #tpu.memory_space<hbm>>
        tpu.wait_dma2 semaphore(%run_scoped3A_50 : memref<!tpu.dma_semaphore, #tpu.memory_space<semaphore_mem>>) src(%dma_wait3A_58 : memref<256x128xf32, #tpu.memory_space<hbm>>) dst(%arg9 : memref<256x128xf32, #tpu.memory_space<vmem>>)
        tpu.yield
      }) : () -> ()
      %run_scoped3A = arith.constant 0 : i32
      "tpu.region"() ({
        %run_scoped3A_50 = tpu.sem_alloc : memref<!tpu.dma_semaphore, #tpu.memory_space<semaphore_mem>>
        %dma_start3A_51 = arith.constant 0 : i32
        %dma_start3A_52 = tpu.memref_slice %arg8[%run_scoped3A, %dma_start3A_51] : memref<2x256xi32, #tpu.memory_space<vmem>> -> memref<1x256xi32, #tpu.memory_space<vmem>>
        %dma_start3A_53 = tpu.memref_squeeze %dma_start3A_52 : memref<1x256xi32, #tpu.memory_space<vmem>> -> memref<256xi32, #tpu.memory_space<vmem>>
        %dma_start3A_54 = tpu.memref_slice %arg5[%mul3A_17] : memref<640000xi32, #tpu.memory_space<hbm>> -> memref<256xi32, #tpu.memory_space<hbm>>
        %dma_start3A_55 = arith.constant 0 : i32
        %dma_start3A_56 = tpu.memref_slice %arg8[%run_scoped3A, %dma_start3A_55] : memref<2x256xi32, #tpu.memory_space<vmem>> -> memref<1x256xi32, #tpu.memory_space<vmem>>
        %dma_start3A_57 = tpu.memref_squeeze %dma_start3A_56 : memref<1x256xi32, #tpu.memory_space<vmem>> -> memref<256xi32, #tpu.memory_space<vmem>>
        %dma_start3A_58 = tpu.memref_slice %arg5[%mul3A_17] : memref<640000xi32, #tpu.memory_space<hbm>> -> memref<256xi32, #tpu.memory_space<hbm>>
        tpu.enqueue_dma source(%dma_start3A_58 : memref<256xi32, #tpu.memory_space<hbm>>) target(%dma_start3A_57 : memref<256xi32, #tpu.memory_space<vmem>>) target_semaphore(%run_scoped3A_50 : memref<!tpu.dma_semaphore, #tpu.memory_space<semaphore_mem>>)
        %dma_wait3A_59 = arith.constant 0 : i32
        %dma_wait3A_60 = tpu.memref_slice %arg8[%run_scoped3A, %dma_wait3A_59] : memref<2x256xi32, #tpu.memory_space<vmem>> -> memref<1x256xi32, #tpu.memory_space<vmem>>
        %dma_wait3A_61 = tpu.memref_squeeze %dma_wait3A_60 : memref<1x256xi32, #tpu.memory_space<vmem>> -> memref<256xi32, #tpu.memory_space<vmem>>
        %dma_wait3A_62 = tpu.memref_slice %arg5[%mul3A_17] : memref<640000xi32, #tpu.memory_space<hbm>> -> memref<256xi32, #tpu.memory_space<hbm>>
        %dma_wait3A_63 = arith.constant 0 : i32
        %dma_wait3A_64 = tpu.memref_slice %arg8[%run_scoped3A, %dma_wait3A_63] : memref<2x256xi32, #tpu.memory_space<vmem>> -> memref<1x256xi32, #tpu.memory_space<vmem>>
        %dma_wait3A_65 = tpu.memref_squeeze %dma_wait3A_64 : memref<1x256xi32, #tpu.memory_space<vmem>> -> memref<256xi32, #tpu.memory_space<vmem>>
        %dma_wait3A_66 = tpu.memref_slice %arg5[%mul3A_17] : memref<640000xi32, #tpu.memory_space<hbm>> -> memref<256xi32, #tpu.memory_space<hbm>>
        tpu.wait_dma2 semaphore(%run_scoped3A_50 : memref<!tpu.dma_semaphore, #tpu.memory_space<semaphore_mem>>) src(%dma_wait3A_66 : memref<256xi32, #tpu.memory_space<hbm>>) dst(%dma_wait3A_65 : memref<256xi32, #tpu.memory_space<vmem>>)
        tpu.yield
      }) : () -> ()
      %run_scoped3A_18 = arith.constant 1 : i32
      "tpu.region"() ({
        %run_scoped3A_50 = tpu.sem_alloc : memref<!tpu.dma_semaphore, #tpu.memory_space<semaphore_mem>>
        %dma_start3A_51 = arith.constant 0 : i32
        %dma_start3A_52 = tpu.memref_slice %arg8[%run_scoped3A_18, %dma_start3A_51] : memref<2x256xi32, #tpu.memory_space<vmem>> -> memref<1x256xi32, #tpu.memory_space<vmem>>
        %dma_start3A_53 = tpu.memref_squeeze %dma_start3A_52 : memref<1x256xi32, #tpu.memory_space<vmem>> -> memref<256xi32, #tpu.memory_space<vmem>>
        %dma_start3A_54 = tpu.memref_slice %arg6[%mul3A_17] : memref<640000xi32, #tpu.memory_space<hbm>> -> memref<256xi32, #tpu.memory_space<hbm>>
        %dma_start3A_55 = arith.constant 0 : i32
        %dma_start3A_56 = tpu.memref_slice %arg8[%run_scoped3A_18, %dma_start3A_55] : memref<2x256xi32, #tpu.memory_space<vmem>> -> memref<1x256xi32, #tpu.memory_space<vmem>>
        %dma_start3A_57 = tpu.memref_squeeze %dma_start3A_56 : memref<1x256xi32, #tpu.memory_space<vmem>> -> memref<256xi32, #tpu.memory_space<vmem>>
        %dma_start3A_58 = tpu.memref_slice %arg6[%mul3A_17] : memref<640000xi32, #tpu.memory_space<hbm>> -> memref<256xi32, #tpu.memory_space<hbm>>
        tpu.enqueue_dma source(%dma_start3A_58 : memref<256xi32, #tpu.memory_space<hbm>>) target(%dma_start3A_57 : memref<256xi32, #tpu.memory_space<vmem>>) target_semaphore(%run_scoped3A_50 : memref<!tpu.dma_semaphore, #tpu.memory_space<semaphore_mem>>)
        %dma_wait3A_59 = arith.constant 0 : i32
        %dma_wait3A_60 = tpu.memref_slice %arg8[%run_scoped3A_18, %dma_wait3A_59] : memref<2x256xi32, #tpu.memory_space<vmem>> -> memref<1x256xi32, #tpu.memory_space<vmem>>
        %dma_wait3A_61 = tpu.memref_squeeze %dma_wait3A_60 : memref<1x256xi32, #tpu.memory_space<vmem>> -> memref<256xi32, #tpu.memory_space<vmem>>
        %dma_wait3A_62 = tpu.memref_slice %arg6[%mul3A_17] : memref<640000xi32, #tpu.memory_space<hbm>> -> memref<256xi32, #tpu.memory_space<hbm>>
        %dma_wait3A_63 = arith.constant 0 : i32
        %dma_wait3A_64 = tpu.memref_slice %arg8[%run_scoped3A_18, %dma_wait3A_63] : memref<2x256xi32, #tpu.memory_space<vmem>> -> memref<1x256xi32, #tpu.memory_space<vmem>>
        %dma_wait3A_65 = tpu.memref_squeeze %dma_wait3A_64 : memref<1x256xi32, #tpu.memory_space<vmem>> -> memref<256xi32, #tpu.memory_space<vmem>>
        %dma_wait3A_66 = tpu.memref_slice %arg6[%mul3A_17] : memref<640000xi32, #tpu.memory_space<hbm>> -> memref<256xi32, #tpu.memory_space<hbm>>
        tpu.wait_dma2 semaphore(%run_scoped3A_50 : memref<!tpu.dma_semaphore, #tpu.memory_space<semaphore_mem>>) src(%dma_wait3A_66 : memref<256xi32, #tpu.memory_space<hbm>>) dst(%dma_wait3A_65 : memref<256xi32, #tpu.memory_space<vmem>>)
        tpu.yield
      }) : () -> ()
      %dma_start3A = arith.constant 0 : i32
      %dma_start3A_19 = arith.constant 0 : i32
      %dma_start3A_20 = tpu.memref_slice %arg8[%dma_start3A, %dma_start3A_19] : memref<2x256xi32, #tpu.memory_space<vmem>> -> memref<1x256xi32, #tpu.memory_space<vmem>>
      %dma_start3A_21 = tpu.memref_squeeze %dma_start3A_20 : memref<1x256xi32, #tpu.memory_space<vmem>> -> memref<256xi32, #tpu.memory_space<vmem>>
      %dma_start3A_22 = arith.constant 0 : i32
      %dma_start3A_23 = arith.constant 0 : i32
      %dma_start3A_24 = tpu.memref_slice %arg3[%dma_start3A_22, %dma_start3A_23] : memref<10240x128xf32, #tpu.memory_space<hbm>> -> memref<10240x128xf32, #tpu.memory_space<hbm>>
      tpu.enqueue_indirect_dma source(%dma_start3A_24 : memref<10240x128xf32, #tpu.memory_space<hbm>>) target(%arg9 : memref<256x128xf32, #tpu.memory_space<vmem>>) offsets(%dma_start3A_21 : memref<256xi32, #tpu.memory_space<vmem>>) semaphore(%arg10 : memref<!tpu.dma_semaphore, #tpu.memory_space<semaphore_mem>>) {add = true}
      %dma_start3A_25 = arith.constant 1 : i32
      %dma_start3A_26 = arith.constant 0 : i32
      %dma_start3A_27 = tpu.memref_slice %arg8[%dma_start3A_25, %dma_start3A_26] : memref<2x256xi32, #tpu.memory_space<vmem>> -> memref<1x256xi32, #tpu.memory_space<vmem>>
      %dma_start3A_28 = tpu.memref_squeeze %dma_start3A_27 : memref<1x256xi32, #tpu.memory_space<vmem>> -> memref<256xi32, #tpu.memory_space<vmem>>
      %dma_start3A_29 = arith.constant 0 : i32
      %dma_start3A_30 = arith.constant 0 : i32
      %dma_start3A_31 = tpu.memref_slice %arg4[%dma_start3A_29, %dma_start3A_30] : memref<640000x128xf32, #tpu.memory_space<hbm>> -> memref<640000x128xf32, #tpu.memory_space<hbm>>
      tpu.enqueue_indirect_dma source(%dma_start3A_31 : memref<640000x128xf32, #tpu.memory_space<hbm>>) target(%arg9 : memref<256x128xf32, #tpu.memory_space<vmem>>) offsets(%dma_start3A_28 : memref<256xi32, #tpu.memory_space<vmem>>) semaphore(%arg10 : memref<!tpu.dma_semaphore, #tpu.memory_space<semaphore_mem>>) {add = true}
      %dma_wait3A = arith.constant 0 : i32
      %dma_wait3A_32 = arith.constant 0 : i32
      %dma_wait3A_33 = tpu.memref_slice %arg8[%dma_wait3A, %dma_wait3A_32] : memref<2x256xi32, #tpu.memory_space<vmem>> -> memref<1x256xi32, #tpu.memory_space<vmem>>
      %dma_wait3A_34 = tpu.memref_squeeze %dma_wait3A_33 : memref<1x256xi32, #tpu.memory_space<vmem>> -> memref<256xi32, #tpu.memory_space<vmem>>
      %dma_wait3A_35 = arith.constant 0 : i32
      %dma_wait3A_36 = arith.constant 0 : i32
      %dma_wait3A_37 = tpu.memref_slice %arg3[%dma_wait3A_35, %dma_wait3A_36] : memref<10240x128xf32, #tpu.memory_space<hbm>> -> memref<10240x128xf32, #tpu.memory_space<hbm>>
      tpu.wait_indirect_dma semaphore(%arg10 : memref<!tpu.dma_semaphore, #tpu.memory_space<semaphore_mem>>) src(%dma_wait3A_37 : memref<10240x128xf32, #tpu.memory_space<hbm>>) dst(%arg9 : memref<256x128xf32, #tpu.memory_space<vmem>>)
      %dma_wait3A_38 = arith.constant 1 : i32
      %dma_wait3A_39 = arith.constant 0 : i32
      %dma_wait3A_40 = tpu.memref_slice %arg8[%dma_wait3A_38, %dma_wait3A_39] : memref<2x256xi32, #tpu.memory_space<vmem>> -> memref<1x256xi32, #tpu.memory_space<vmem>>
      %dma_wait3A_41 = tpu.memref_squeeze %dma_wait3A_40 : memref<1x256xi32, #tpu.memory_space<vmem>> -> memref<256xi32, #tpu.memory_space<vmem>>
      %dma_wait3A_42 = arith.constant 0 : i32
      %dma_wait3A_43 = arith.constant 0 : i32
      %dma_wait3A_44 = tpu.memref_slice %arg4[%dma_wait3A_42, %dma_wait3A_43] : memref<640000x128xf32, #tpu.memory_space<hbm>> -> memref<640000x128xf32, #tpu.memory_space<hbm>>
      tpu.wait_indirect_dma semaphore(%arg10 : memref<!tpu.dma_semaphore, #tpu.memory_space<semaphore_mem>>) src(%dma_wait3A_44 : memref<640000x128xf32, #tpu.memory_space<hbm>>) dst(%arg9 : memref<256x128xf32, #tpu.memory_space<vmem>>)
      %scan3A = arith.constant 0 : i32
      %scan3A_45 = arith.constant 0 : i32
      %scan3A_46 = arith.constant 256 : i32
      %scan3A_47 = arith.addi %scan3A_45, %scan3A_46 : i32
      %scan3A_48 = arith.constant 1 : i32
      scf.for %scan3A_50 = %scan3A_45 to %scan3A_47 step %scan3A_48  : i32 {
        %get3A = arith.index_cast %scan3A_50 : i32 to index
        %get3A_51 = arith.constant 0 : index
        %get3A_52 = tpu.vector_load %arg9[%get3A, %get3A_51] {strides = array<i32>} : memref<256x128xf32, #tpu.memory_space<vmem>>, vector<1x16xf32>,
        %get3A_53 = vector.shape_cast %get3A_52 : vector<1x16xf32> to vector<16xf32>
        %max3A = arith.constant 0.000000e+00 : f32
        %max3A_54 = vector.broadcast %max3A : f32 to vector<16xf32>
        %max3A_55 = arith.maximumf %get3A_53, %max3A_54 : vector<16xf32>
        %swap3A = arith.index_cast %scan3A_50 : i32 to index
        %swap3A_56 = arith.constant 0 : index
        %swap3A_57 = tpu.vector_load %arg9[%swap3A, %swap3A_56] {strides = array<i32>} : memref<256x128xf32, #tpu.memory_space<vmem>>, vector<1x16xf32>,
        %swap3A_58 = vector.shape_cast %swap3A_57 : vector<1x16xf32> to vector<16xf32>
        %swap3A_59 = vector.shape_cast %max3A_55 : vector<16xf32> to vector<1x16xf32>
        tpu.vector_store %arg9[%swap3A, %swap3A_56], %swap3A_59 {strides = array<i32>} : memref<256x128xf32, #tpu.memory_space<vmem>>, vector<1x16xf32>,
        %get3A_60 = arith.index_cast %scan3A_50 : i32 to index
        %get3A_61 = arith.constant 16 : index
        %get3A_62 = tpu.vector_load %arg9[%get3A_60, %get3A_61] {strides = array<i32>} : memref<256x128xf32, #tpu.memory_space<vmem>>, vector<1x16xf32>,
        %get3A_63 = vector.shape_cast %get3A_62 : vector<1x16xf32> to vector<16xf32>
        %max3A_64 = arith.constant 0.000000e+00 : f32
        %max3A_65 = vector.broadcast %max3A_64 : f32 to vector<16xf32>
        %max3A_66 = arith.maximumf %get3A_63, %max3A_65 : vector<16xf32>
        %swap3A_67 = arith.index_cast %scan3A_50 : i32 to index
        %swap3A_68 = arith.constant 16 : index
        %swap3A_69 = tpu.vector_load %arg9[%swap3A_67, %swap3A_68] {strides = array<i32>} : memref<256x128xf32, #tpu.memory_space<vmem>>, vector<1x16xf32>,
        %swap3A_70 = vector.shape_cast %swap3A_69 : vector<1x16xf32> to vector<16xf32>
        %swap3A_71 = vector.shape_cast %max3A_66 : vector<16xf32> to vector<1x16xf32>
        tpu.vector_store %arg9[%swap3A_67, %swap3A_68], %swap3A_71 {strides = array<i32>} : memref<256x128xf32, #tpu.memory_space<vmem>>, vector<1x16xf32>,
        %get3A_72 = arith.index_cast %scan3A_50 : i32 to index
        %get3A_73 = arith.constant 32 : index
        %get3A_74 = tpu.vector_load %arg9[%get3A_72, %get3A_73] {strides = array<i32>} : memref<256x128xf32, #tpu.memory_space<vmem>>, vector<1x16xf32>,
        %get3A_75 = vector.shape_cast %get3A_74 : vector<1x16xf32> to vector<16xf32>
        %max3A_76 = arith.constant 0.000000e+00 : f32
        %max3A_77 = vector.broadcast %max3A_76 : f32 to vector<16xf32>
        %max3A_78 = arith.maximumf %get3A_75, %max3A_77 : vector<16xf32>
        %swap3A_79 = arith.index_cast %scan3A_50 : i32 to index
        %swap3A_80 = arith.constant 32 : index
        %swap3A_81 = tpu.vector_load %arg9[%swap3A_79, %swap3A_80] {strides = array<i32>} : memref<256x128xf32, #tpu.memory_space<vmem>>, vector<1x16xf32>,
        %swap3A_82 = vector.shape_cast %swap3A_81 : vector<1x16xf32> to vector<16xf32>
        %swap3A_83 = vector.shape_cast %max3A_78 : vector<16xf32> to vector<1x16xf32>
        tpu.vector_store %arg9[%swap3A_79, %swap3A_80], %swap3A_83 {strides = array<i32>} : memref<256x128xf32, #tpu.memory_space<vmem>>, vector<1x16xf32>,
        %get3A_84 = arith.index_cast %scan3A_50 : i32 to index
        %get3A_85 = arith.constant 48 : index
        %get3A_86 = tpu.vector_load %arg9[%get3A_84, %get3A_85] {strides = array<i32>} : memref<256x128xf32, #tpu.memory_space<vmem>>, vector<1x16xf32>,
        %get3A_87 = vector.shape_cast %get3A_86 : vector<1x16xf32> to vector<16xf32>
        %max3A_88 = arith.constant 0.000000e+00 : f32
        %max3A_89 = vector.broadcast %max3A_88 : f32 to vector<16xf32>
        %max3A_90 = arith.maximumf %get3A_87, %max3A_89 : vector<16xf32>
        %swap3A_91 = arith.index_cast %scan3A_50 : i32 to index
        %swap3A_92 = arith.constant 48 : index
        %swap3A_93 = tpu.vector_load %arg9[%swap3A_91, %swap3A_92] {strides = array<i32>} : memref<256x128xf32, #tpu.memory_space<vmem>>, vector<1x16xf32>,
        %swap3A_94 = vector.shape_cast %swap3A_93 : vector<1x16xf32> to vector<16xf32>
        %swap3A_95 = vector.shape_cast %max3A_90 : vector<16xf32> to vector<1x16xf32>
        tpu.vector_store %arg9[%swap3A_91, %swap3A_92], %swap3A_95 {strides = array<i32>} : memref<256x128xf32, #tpu.memory_space<vmem>>, vector<1x16xf32>,
        %get3A_96 = arith.index_cast %scan3A_50 : i32 to index
        %get3A_97 = arith.constant 64 : index
        %get3A_98 = tpu.vector_load %arg9[%get3A_96, %get3A_97] {strides = array<i32>} : memref<256x128xf32, #tpu.memory_space<vmem>>, vector<1x16xf32>,
        %get3A_99 = vector.shape_cast %get3A_98 : vector<1x16xf32> to vector<16xf32>
        %max3A_100 = arith.constant 0.000000e+00 : f32
        %max3A_101 = vector.broadcast %max3A_100 : f32 to vector<16xf32>
        %max3A_102 = arith.maximumf %get3A_99, %max3A_101 : vector<16xf32>
        %swap3A_103 = arith.index_cast %scan3A_50 : i32 to index
        %swap3A_104 = arith.constant 64 : index
        %swap3A_105 = tpu.vector_load %arg9[%swap3A_103, %swap3A_104] {strides = array<i32>} : memref<256x128xf32, #tpu.memory_space<vmem>>, vector<1x16xf32>,
        %swap3A_106 = vector.shape_cast %swap3A_105 : vector<1x16xf32> to vector<16xf32>
        %swap3A_107 = vector.shape_cast %max3A_102 : vector<16xf32> to vector<1x16xf32>
        tpu.vector_store %arg9[%swap3A_103, %swap3A_104], %swap3A_107 {strides = array<i32>} : memref<256x128xf32, #tpu.memory_space<vmem>>, vector<1x16xf32>,
        %get3A_108 = arith.index_cast %scan3A_50 : i32 to index
        %get3A_109 = arith.constant 80 : index
        %get3A_110 = tpu.vector_load %arg9[%get3A_108, %get3A_109] {strides = array<i32>} : memref<256x128xf32, #tpu.memory_space<vmem>>, vector<1x16xf32>,
        %get3A_111 = vector.shape_cast %get3A_110 : vector<1x16xf32> to vector<16xf32>
        %max3A_112 = arith.constant 0.000000e+00 : f32
        %max3A_113 = vector.broadcast %max3A_112 : f32 to vector<16xf32>
        %max3A_114 = arith.maximumf %get3A_111, %max3A_113 : vector<16xf32>
        %swap3A_115 = arith.index_cast %scan3A_50 : i32 to index
        %swap3A_116 = arith.constant 80 : index
        %swap3A_117 = tpu.vector_load %arg9[%swap3A_115, %swap3A_116] {strides = array<i32>} : memref<256x128xf32, #tpu.memory_space<vmem>>, vector<1x16xf32>,
        %swap3A_118 = vector.shape_cast %swap3A_117 : vector<1x16xf32> to vector<16xf32>
        %swap3A_119 = vector.shape_cast %max3A_114 : vector<16xf32> to vector<1x16xf32>
        tpu.vector_store %arg9[%swap3A_115, %swap3A_116], %swap3A_119 {strides = array<i32>} : memref<256x128xf32, #tpu.memory_space<vmem>>, vector<1x16xf32>,
        %get3A_120 = arith.index_cast %scan3A_50 : i32 to index
        %get3A_121 = arith.constant 96 : index
        %get3A_122 = tpu.vector_load %arg9[%get3A_120, %get3A_121] {strides = array<i32>} : memref<256x128xf32, #tpu.memory_space<vmem>>, vector<1x16xf32>,
        %get3A_123 = vector.shape_cast %get3A_122 : vector<1x16xf32> to vector<16xf32>
        %max3A_124 = arith.constant 0.000000e+00 : f32
        %max3A_125 = vector.broadcast %max3A_124 : f32 to vector<16xf32>
        %max3A_126 = arith.maximumf %get3A_123, %max3A_125 : vector<16xf32>
        %swap3A_127 = arith.index_cast %scan3A_50 : i32 to index
        %swap3A_128 = arith.constant 96 : index
        %swap3A_129 = tpu.vector_load %arg9[%swap3A_127, %swap3A_128] {strides = array<i32>} : memref<256x128xf32, #tpu.memory_space<vmem>>, vector<1x16xf32>,
        %swap3A_130 = vector.shape_cast %swap3A_129 : vector<1x16xf32> to vector<16xf32>
        %swap3A_131 = vector.shape_cast %max3A_126 : vector<16xf32> to vector<1x16xf32>
        tpu.vector_store %arg9[%swap3A_127, %swap3A_128], %swap3A_131 {strides = array<i32>} : memref<256x128xf32, #tpu.memory_space<vmem>>, vector<1x16xf32>,
        %get3A_132 = arith.index_cast %scan3A_50 : i32 to index
        %get3A_133 = arith.constant 112 : index
        %get3A_134 = tpu.vector_load %arg9[%get3A_132, %get3A_133] {strides = array<i32>} : memref<256x128xf32, #tpu.memory_space<vmem>>, vector<1x16xf32>,
        %get3A_135 = vector.shape_cast %get3A_134 : vector<1x16xf32> to vector<16xf32>
        %max3A_136 = arith.constant 0.000000e+00 : f32
        %max3A_137 = vector.broadcast %max3A_136 : f32 to vector<16xf32>
        %max3A_138 = arith.maximumf %get3A_135, %max3A_137 : vector<16xf32>
        %swap3A_139 = arith.index_cast %scan3A_50 : i32 to index
        %swap3A_140 = arith.constant 112 : index
        %swap3A_141 = tpu.vector_load %arg9[%swap3A_139, %swap3A_140] {strides = array<i32>} : memref<256x128xf32, #tpu.memory_space<vmem>>, vector<1x16xf32>,
        %swap3A_142 = vector.shape_cast %swap3A_141 : vector<1x16xf32> to vector<16xf32>
        %swap3A_143 = vector.shape_cast %max3A_138 : vector<16xf32> to vector<1x16xf32>
        tpu.vector_store %arg9[%swap3A_139, %swap3A_140], %swap3A_143 {strides = array<i32>} : memref<256x128xf32, #tpu.memory_space<vmem>>, vector<1x16xf32>,
      }
      %scan3A_49 = arith.constant 256 : i32
      "tpu.region"() ({
        %run_scoped3A_50 = tpu.sem_alloc : memref<!tpu.dma_semaphore, #tpu.memory_space<semaphore_mem>>
        %dma_start3A_51 = arith.constant 0 : i32
        %dma_start3A_52 = tpu.memref_slice %arg7[%mul3A_17, %dma_start3A_51] : memref<640000x128xf32, #tpu.memory_space<hbm>> -> memref<256x128xf32, #tpu.memory_space<hbm>>
        %dma_start3A_53 = arith.constant 0 : i32
        %dma_start3A_54 = tpu.memref_slice %arg7[%mul3A_17, %dma_start3A_53] : memref<640000x128xf32, #tpu.memory_space<hbm>> -> memref<256x128xf32, #tpu.memory_space<hbm>>
        tpu.enqueue_dma source(%arg9 : memref<256x128xf32, #tpu.memory_space<vmem>>) target(%dma_start3A_54 : memref<256x128xf32, #tpu.memory_space<hbm>>) target_semaphore(%run_scoped3A_50 : memref<!tpu.dma_semaphore, #tpu.memory_space<semaphore_mem>>)
        %dma_wait3A_55 = arith.constant 0 : i32
        %dma_wait3A_56 = tpu.memref_slice %arg7[%mul3A_17, %dma_wait3A_55] : memref<640000x128xf32, #tpu.memory_space<hbm>> -> memref<256x128xf32, #tpu.memory_space<hbm>>
        %dma_wait3A_57 = arith.constant 0 : i32
        %dma_wait3A_58 = tpu.memref_slice %arg7[%mul3A_17, %dma_wait3A_57] : memref<640000x128xf32, #tpu.memory_space<hbm>> -> memref<256x128xf32, #tpu.memory_space<hbm>>
        tpu.wait_dma2 semaphore(%run_scoped3A_50 : memref<!tpu.dma_semaphore, #tpu.memory_space<semaphore_mem>>) src(%arg9 : memref<256x128xf32, #tpu.memory_space<vmem>>) dst(%dma_wait3A_58 : memref<256x128xf32, #tpu.memory_space<hbm>>)
        tpu.yield
      }) : () -> ()
    }
    return
  }
}

#map = affine_map<(d0, d1) -> (0, 0)>
#map1 = affine_map<(d0, d1) -> (0)>
module attributes {stable_mosaic.version = 14 : i64} {
  func.func @_bond_update(%arg0: i32, %arg1: i32, %arg2: memref<640000x128xf32, #tpu.memory_space<hbm>>, %arg3: memref<10240x128xf32, #tpu.memory_space<hbm>>, %arg4: memref<640000x128xf32, #tpu.memory_space<hbm>>, %arg5: memref<640000xi32, #tpu.memory_space<hbm>>, %arg6: memref<640000xi32, #tpu.memory_space<hbm>>, %arg7: memref<640000x128xf32, #tpu.memory_space<hbm>>, %arg8: memref<2x256xi32, #tpu.memory_space<vmem>>, %arg9: memref<256x128xf32, #tpu.memory_space<vmem>>, %arg10: memref<!tpu.dma_semaphore, #tpu.memory_space<semaphore_mem>>) attributes {dimension_semantics = [#tpu.dimension_semantics<core_parallel>, #tpu.dimension_semantics<subcore_parallel>], iteration_bounds = array<i64: 2, 16>, scalar_prefetch = 0 : i64, scratch_operands = 3 : i64, tpu.core_type = #tpu.core_type<sc_vector_subcore>, window_params = [{transform_indices = #map}, {transform_indices = #map}, {transform_indices = #map}, {transform_indices = #map1}, {transform_indices = #map1}, {transform_indices = #map}]} {
    %mul3A = arith.constant 16 : i32
    %mul3A_0 = arith.muli %arg0, %mul3A : i32
    %add3A = arith.addi %mul3A_0, %arg1 : i32
    %lt3A = arith.constant 4 : i32
    %lt3A_1 = arith.cmpi slt, %add3A, %lt3A : i32
    %jit3A = arith.constant 79 : i32
    %jit3A_2 = arith.constant 78 : i32
    %select_n3A = arith.select %lt3A_1, %jit3A, %jit3A_2 : i32
    %while3A = arith.constant 0 : i32
    %while3A_3 = arith.constant 0 : i32
    %while3A_4 = arith.subi %select_n3A, %while3A_3 : i32
    %while3A_5 = arith.addi %while3A_3, %while3A_4 : i32
    %while3A_6 = arith.constant 1 : i32
    %while3A_7 = arith.divsi %while3A_4, %while3A_6 : i32
    %while3A_8 = arith.muli %while3A_7, %while3A_6 : i32
    %while3A_9 = arith.addi %while3A_3, %while3A_8 : i32
    %while3A_10 = arith.constant 1 : i32
    scf.for %while3A_12 = %while3A_3 to %while3A_9 step %while3A_10  : i32 {
      %mul3A_13 = arith.constant 32 : i32
      %mul3A_14 = arith.muli %while3A_12, %mul3A_13 : i32
      %add3A_15 = arith.addi %mul3A_14, %add3A : i32
      %mul3A_16 = arith.constant 256 : i32
      %mul3A_17 = arith.muli %add3A_15, %mul3A_16 : i32
      "tpu.region"() ({
        %run_scoped3A_50 = tpu.sem_alloc : memref<!tpu.dma_semaphore, #tpu.memory_space<semaphore_mem>>
        %dma_start3A_51 = arith.constant 0 : i32
        %dma_start3A_52 = tpu.memref_slice %arg2[%mul3A_17, %dma_start3A_51] : memref<640000x128xf32, #tpu.memory_space<hbm>> -> memref<256x128xf32, #tpu.memory_space<hbm>>
        %dma_start3A_53 = arith.constant 0 : i32
        %dma_start3A_54 = tpu.memref_slice %arg2[%mul3A_17, %dma_start3A_53] : memref<640000x128xf32, #tpu.memory_space<hbm>> -> memref<256x128xf32, #tpu.memory_space<hbm>>
        tpu.enqueue_dma source(%dma_start3A_54 : memref<256x128xf32, #tpu.memory_space<hbm>>) target(%arg9 : memref<256x128xf32, #tpu.memory_space<vmem>>) target_semaphore(%run_scoped3A_50 : memref<!tpu.dma_semaphore, #tpu.memory_space<semaphore_mem>>)
        %dma_wait3A_55 = arith.constant 0 : i32
        %dma_wait3A_56 = tpu.memref_slice %arg2[%mul3A_17, %dma_wait3A_55] : memref<640000x128xf32, #tpu.memory_space<hbm>> -> memref<256x128xf32, #tpu.memory_space<hbm>>
        %dma_wait3A_57 = arith.constant 0 : i32
        %dma_wait3A_58 = tpu.memref_slice %arg2[%mul3A_17, %dma_wait3A_57] : memref<640000x128xf32, #tpu.memory_space<hbm>> -> memref<256x128xf32, #tpu.memory_space<hbm>>
        tpu.wait_dma2 semaphore(%run_scoped3A_50 : memref<!tpu.dma_semaphore, #tpu.memory_space<semaphore_mem>>) src(%dma_wait3A_58 : memref<256x128xf32, #tpu.memory_space<hbm>>) dst(%arg9 : memref<256x128xf32, #tpu.memory_space<vmem>>)
        tpu.yield
      }) : () -> ()
      %run_scoped3A = arith.constant 0 : i32
      "tpu.region"() ({
        %run_scoped3A_50 = tpu.sem_alloc : memref<!tpu.dma_semaphore, #tpu.memory_space<semaphore_mem>>
        %dma_start3A_51 = arith.constant 0 : i32
        %dma_start3A_52 = tpu.memref_slice %arg8[%run_scoped3A, %dma_start3A_51] : memref<2x256xi32, #tpu.memory_space<vmem>> -> memref<1x256xi32, #tpu.memory_space<vmem>>
        %dma_start3A_53 = tpu.memref_squeeze %dma_start3A_52 : memref<1x256xi32, #tpu.memory_space<vmem>> -> memref<256xi32, #tpu.memory_space<vmem>>
        %dma_start3A_54 = tpu.memref_slice %arg5[%mul3A_17] : memref<640000xi32, #tpu.memory_space<hbm>> -> memref<256xi32, #tpu.memory_space<hbm>>
        %dma_start3A_55 = arith.constant 0 : i32
        %dma_start3A_56 = tpu.memref_slice %arg8[%run_scoped3A, %dma_start3A_55] : memref<2x256xi32, #tpu.memory_space<vmem>> -> memref<1x256xi32, #tpu.memory_space<vmem>>
        %dma_start3A_57 = tpu.memref_squeeze %dma_start3A_56 : memref<1x256xi32, #tpu.memory_space<vmem>> -> memref<256xi32, #tpu.memory_space<vmem>>
        %dma_start3A_58 = tpu.memref_slice %arg5[%mul3A_17] : memref<640000xi32, #tpu.memory_space<hbm>> -> memref<256xi32, #tpu.memory_space<hbm>>
        tpu.enqueue_dma source(%dma_start3A_58 : memref<256xi32, #tpu.memory_space<hbm>>) target(%dma_start3A_57 : memref<256xi32, #tpu.memory_space<vmem>>) target_semaphore(%run_scoped3A_50 : memref<!tpu.dma_semaphore, #tpu.memory_space<semaphore_mem>>)
        %dma_wait3A_59 = arith.constant 0 : i32
        %dma_wait3A_60 = tpu.memref_slice %arg8[%run_scoped3A, %dma_wait3A_59] : memref<2x256xi32, #tpu.memory_space<vmem>> -> memref<1x256xi32, #tpu.memory_space<vmem>>
        %dma_wait3A_61 = tpu.memref_squeeze %dma_wait3A_60 : memref<1x256xi32, #tpu.memory_space<vmem>> -> memref<256xi32, #tpu.memory_space<vmem>>
        %dma_wait3A_62 = tpu.memref_slice %arg5[%mul3A_17] : memref<640000xi32, #tpu.memory_space<hbm>> -> memref<256xi32, #tpu.memory_space<hbm>>
        %dma_wait3A_63 = arith.constant 0 : i32
        %dma_wait3A_64 = tpu.memref_slice %arg8[%run_scoped3A, %dma_wait3A_63] : memref<2x256xi32, #tpu.memory_space<vmem>> -> memref<1x256xi32, #tpu.memory_space<vmem>>
        %dma_wait3A_65 = tpu.memref_squeeze %dma_wait3A_64 : memref<1x256xi32, #tpu.memory_space<vmem>> -> memref<256xi32, #tpu.memory_space<vmem>>
        %dma_wait3A_66 = tpu.memref_slice %arg5[%mul3A_17] : memref<640000xi32, #tpu.memory_space<hbm>> -> memref<256xi32, #tpu.memory_space<hbm>>
        tpu.wait_dma2 semaphore(%run_scoped3A_50 : memref<!tpu.dma_semaphore, #tpu.memory_space<semaphore_mem>>) src(%dma_wait3A_66 : memref<256xi32, #tpu.memory_space<hbm>>) dst(%dma_wait3A_65 : memref<256xi32, #tpu.memory_space<vmem>>)
        tpu.yield
      }) : () -> ()
      %run_scoped3A_18 = arith.constant 1 : i32
      "tpu.region"() ({
        %run_scoped3A_50 = tpu.sem_alloc : memref<!tpu.dma_semaphore, #tpu.memory_space<semaphore_mem>>
        %dma_start3A_51 = arith.constant 0 : i32
        %dma_start3A_52 = tpu.memref_slice %arg8[%run_scoped3A_18, %dma_start3A_51] : memref<2x256xi32, #tpu.memory_space<vmem>> -> memref<1x256xi32, #tpu.memory_space<vmem>>
        %dma_start3A_53 = tpu.memref_squeeze %dma_start3A_52 : memref<1x256xi32, #tpu.memory_space<vmem>> -> memref<256xi32, #tpu.memory_space<vmem>>
        %dma_start3A_54 = tpu.memref_slice %arg6[%mul3A_17] : memref<640000xi32, #tpu.memory_space<hbm>> -> memref<256xi32, #tpu.memory_space<hbm>>
        %dma_start3A_55 = arith.constant 0 : i32
        %dma_start3A_56 = tpu.memref_slice %arg8[%run_scoped3A_18, %dma_start3A_55] : memref<2x256xi32, #tpu.memory_space<vmem>> -> memref<1x256xi32, #tpu.memory_space<vmem>>
        %dma_start3A_57 = tpu.memref_squeeze %dma_start3A_56 : memref<1x256xi32, #tpu.memory_space<vmem>> -> memref<256xi32, #tpu.memory_space<vmem>>
        %dma_start3A_58 = tpu.memref_slice %arg6[%mul3A_17] : memref<640000xi32, #tpu.memory_space<hbm>> -> memref<256xi32, #tpu.memory_space<hbm>>
        tpu.enqueue_dma source(%dma_start3A_58 : memref<256xi32, #tpu.memory_space<hbm>>) target(%dma_start3A_57 : memref<256xi32, #tpu.memory_space<vmem>>) target_semaphore(%run_scoped3A_50 : memref<!tpu.dma_semaphore, #tpu.memory_space<semaphore_mem>>)
        %dma_wait3A_59 = arith.constant 0 : i32
        %dma_wait3A_60 = tpu.memref_slice %arg8[%run_scoped3A_18, %dma_wait3A_59] : memref<2x256xi32, #tpu.memory_space<vmem>> -> memref<1x256xi32, #tpu.memory_space<vmem>>
        %dma_wait3A_61 = tpu.memref_squeeze %dma_wait3A_60 : memref<1x256xi32, #tpu.memory_space<vmem>> -> memref<256xi32, #tpu.memory_space<vmem>>
        %dma_wait3A_62 = tpu.memref_slice %arg6[%mul3A_17] : memref<640000xi32, #tpu.memory_space<hbm>> -> memref<256xi32, #tpu.memory_space<hbm>>
        %dma_wait3A_63 = arith.constant 0 : i32
        %dma_wait3A_64 = tpu.memref_slice %arg8[%run_scoped3A_18, %dma_wait3A_63] : memref<2x256xi32, #tpu.memory_space<vmem>> -> memref<1x256xi32, #tpu.memory_space<vmem>>
        %dma_wait3A_65 = tpu.memref_squeeze %dma_wait3A_64 : memref<1x256xi32, #tpu.memory_space<vmem>> -> memref<256xi32, #tpu.memory_space<vmem>>
        %dma_wait3A_66 = tpu.memref_slice %arg6[%mul3A_17] : memref<640000xi32, #tpu.memory_space<hbm>> -> memref<256xi32, #tpu.memory_space<hbm>>
        tpu.wait_dma2 semaphore(%run_scoped3A_50 : memref<!tpu.dma_semaphore, #tpu.memory_space<semaphore_mem>>) src(%dma_wait3A_66 : memref<256xi32, #tpu.memory_space<hbm>>) dst(%dma_wait3A_65 : memref<256xi32, #tpu.memory_space<vmem>>)
        tpu.yield
      }) : () -> ()
      %dma_start3A = arith.constant 0 : i32
      %dma_start3A_19 = arith.constant 0 : i32
      %dma_start3A_20 = tpu.memref_slice %arg8[%dma_start3A, %dma_start3A_19] : memref<2x256xi32, #tpu.memory_space<vmem>> -> memref<1x256xi32, #tpu.memory_space<vmem>>
      %dma_start3A_21 = tpu.memref_squeeze %dma_start3A_20 : memref<1x256xi32, #tpu.memory_space<vmem>> -> memref<256xi32, #tpu.memory_space<vmem>>
      %dma_start3A_22 = arith.constant 0 : i32
      %dma_start3A_23 = arith.constant 0 : i32
      %dma_start3A_24 = tpu.memref_slice %arg3[%dma_start3A_22, %dma_start3A_23] : memref<10240x128xf32, #tpu.memory_space<hbm>> -> memref<10240x128xf32, #tpu.memory_space<hbm>>
      tpu.enqueue_indirect_dma source(%dma_start3A_24 : memref<10240x128xf32, #tpu.memory_space<hbm>>) target(%arg9 : memref<256x128xf32, #tpu.memory_space<vmem>>) offsets(%dma_start3A_21 : memref<256xi32, #tpu.memory_space<vmem>>) semaphore(%arg10 : memref<!tpu.dma_semaphore, #tpu.memory_space<semaphore_mem>>) {add = true}
      %dma_start3A_25 = arith.constant 1 : i32
      %dma_start3A_26 = arith.constant 0 : i32
      %dma_start3A_27 = tpu.memref_slice %arg8[%dma_start3A_25, %dma_start3A_26] : memref<2x256xi32, #tpu.memory_space<vmem>> -> memref<1x256xi32, #tpu.memory_space<vmem>>
      %dma_start3A_28 = tpu.memref_squeeze %dma_start3A_27 : memref<1x256xi32, #tpu.memory_space<vmem>> -> memref<256xi32, #tpu.memory_space<vmem>>
      %dma_start3A_29 = arith.constant 0 : i32
      %dma_start3A_30 = arith.constant 0 : i32
      %dma_start3A_31 = tpu.memref_slice %arg4[%dma_start3A_29, %dma_start3A_30] : memref<640000x128xf32, #tpu.memory_space<hbm>> -> memref<640000x128xf32, #tpu.memory_space<hbm>>
      tpu.enqueue_indirect_dma source(%dma_start3A_31 : memref<640000x128xf32, #tpu.memory_space<hbm>>) target(%arg9 : memref<256x128xf32, #tpu.memory_space<vmem>>) offsets(%dma_start3A_28 : memref<256xi32, #tpu.memory_space<vmem>>) semaphore(%arg10 : memref<!tpu.dma_semaphore, #tpu.memory_space<semaphore_mem>>) {add = true}
      %dma_wait3A = arith.constant 0 : i32
      %dma_wait3A_32 = arith.constant 0 : i32
      %dma_wait3A_33 = tpu.memref_slice %arg8[%dma_wait3A, %dma_wait3A_32] : memref<2x256xi32, #tpu.memory_space<vmem>> -> memref<1x256xi32, #tpu.memory_space<vmem>>
      %dma_wait3A_34 = tpu.memref_squeeze %dma_wait3A_33 : memref<1x256xi32, #tpu.memory_space<vmem>> -> memref<256xi32, #tpu.memory_space<vmem>>
      %dma_wait3A_35 = arith.constant 0 : i32
      %dma_wait3A_36 = arith.constant 0 : i32
      %dma_wait3A_37 = tpu.memref_slice %arg3[%dma_wait3A_35, %dma_wait3A_36] : memref<10240x128xf32, #tpu.memory_space<hbm>> -> memref<10240x128xf32, #tpu.memory_space<hbm>>
      tpu.wait_indirect_dma semaphore(%arg10 : memref<!tpu.dma_semaphore, #tpu.memory_space<semaphore_mem>>) src(%dma_wait3A_37 : memref<10240x128xf32, #tpu.memory_space<hbm>>) dst(%arg9 : memref<256x128xf32, #tpu.memory_space<vmem>>)
      %dma_wait3A_38 = arith.constant 1 : i32
      %dma_wait3A_39 = arith.constant 0 : i32
      %dma_wait3A_40 = tpu.memref_slice %arg8[%dma_wait3A_38, %dma_wait3A_39] : memref<2x256xi32, #tpu.memory_space<vmem>> -> memref<1x256xi32, #tpu.memory_space<vmem>>
      %dma_wait3A_41 = tpu.memref_squeeze %dma_wait3A_40 : memref<1x256xi32, #tpu.memory_space<vmem>> -> memref<256xi32, #tpu.memory_space<vmem>>
      %dma_wait3A_42 = arith.constant 0 : i32
      %dma_wait3A_43 = arith.constant 0 : i32
      %dma_wait3A_44 = tpu.memref_slice %arg4[%dma_wait3A_42, %dma_wait3A_43] : memref<640000x128xf32, #tpu.memory_space<hbm>> -> memref<640000x128xf32, #tpu.memory_space<hbm>>
      tpu.wait_indirect_dma semaphore(%arg10 : memref<!tpu.dma_semaphore, #tpu.memory_space<semaphore_mem>>) src(%dma_wait3A_44 : memref<640000x128xf32, #tpu.memory_space<hbm>>) dst(%arg9 : memref<256x128xf32, #tpu.memory_space<vmem>>)
      %scan3A = arith.constant 0 : i32
      %scan3A_45 = arith.constant 0 : i32
      %scan3A_46 = arith.constant 256 : i32
      %scan3A_47 = arith.addi %scan3A_45, %scan3A_46 : i32
      %scan3A_48 = arith.constant 1 : i32
      scf.for %scan3A_50 = %scan3A_45 to %scan3A_47 step %scan3A_48  : i32 {
        %get3A = arith.index_cast %scan3A_50 : i32 to index
        %get3A_51 = arith.constant 0 : index
        %get3A_52 = tpu.vector_load %arg9[%get3A, %get3A_51] {strides = array<i32>} : memref<256x128xf32, #tpu.memory_space<vmem>>, vector<1x16xf32>,
        %get3A_53 = vector.shape_cast %get3A_52 : vector<1x16xf32> to vector<16xf32>
        %max3A = arith.constant 0.000000e+00 : f32
        %max3A_54 = vector.broadcast %max3A : f32 to vector<16xf32>
        %max3A_55 = arith.maximumf %get3A_53, %max3A_54 : vector<16xf32>
        %swap3A = arith.index_cast %scan3A_50 : i32 to index
        %swap3A_56 = arith.constant 0 : index
        %swap3A_57 = tpu.vector_load %arg9[%swap3A, %swap3A_56] {strides = array<i32>} : memref<256x128xf32, #tpu.memory_space<vmem>>, vector<1x16xf32>,
        %swap3A_58 = vector.shape_cast %swap3A_57 : vector<1x16xf32> to vector<16xf32>
        %swap3A_59 = vector.shape_cast %max3A_55 : vector<16xf32> to vector<1x16xf32>
        tpu.vector_store %arg9[%swap3A, %swap3A_56], %swap3A_59 {strides = array<i32>} : memref<256x128xf32, #tpu.memory_space<vmem>>, vector<1x16xf32>,
        %get3A_60 = arith.index_cast %scan3A_50 : i32 to index
        %get3A_61 = arith.constant 16 : index
        %get3A_62 = tpu.vector_load %arg9[%get3A_60, %get3A_61] {strides = array<i32>} : memref<256x128xf32, #tpu.memory_space<vmem>>, vector<1x16xf32>,
        %get3A_63 = vector.shape_cast %get3A_62 : vector<1x16xf32> to vector<16xf32>
        %max3A_64 = arith.constant 0.000000e+00 : f32
        %max3A_65 = vector.broadcast %max3A_64 : f32 to vector<16xf32>
        %max3A_66 = arith.maximumf %get3A_63, %max3A_65 : vector<16xf32>
        %swap3A_67 = arith.index_cast %scan3A_50 : i32 to index
        %swap3A_68 = arith.constant 16 : index
        %swap3A_69 = tpu.vector_load %arg9[%swap3A_67, %swap3A_68] {strides = array<i32>} : memref<256x128xf32, #tpu.memory_space<vmem>>, vector<1x16xf32>,
        %swap3A_70 = vector.shape_cast %swap3A_69 : vector<1x16xf32> to vector<16xf32>
        %swap3A_71 = vector.shape_cast %max3A_66 : vector<16xf32> to vector<1x16xf32>
        tpu.vector_store %arg9[%swap3A_67, %swap3A_68], %swap3A_71 {strides = array<i32>} : memref<256x128xf32, #tpu.memory_space<vmem>>, vector<1x16xf32>,
        %get3A_72 = arith.index_cast %scan3A_50 : i32 to index
        %get3A_73 = arith.constant 32 : index
        %get3A_74 = tpu.vector_load %arg9[%get3A_72, %get3A_73] {strides = array<i32>} : memref<256x128xf32, #tpu.memory_space<vmem>>, vector<1x16xf32>,
        %get3A_75 = vector.shape_cast %get3A_74 : vector<1x16xf32> to vector<16xf32>
        %max3A_76 = arith.constant 0.000000e+00 : f32
        %max3A_77 = vector.broadcast %max3A_76 : f32 to vector<16xf32>
        %max3A_78 = arith.maximumf %get3A_75, %max3A_77 : vector<16xf32>
        %swap3A_79 = arith.index_cast %scan3A_50 : i32 to index
        %swap3A_80 = arith.constant 32 : index
        %swap3A_81 = tpu.vector_load %arg9[%swap3A_79, %swap3A_80] {strides = array<i32>} : memref<256x128xf32, #tpu.memory_space<vmem>>, vector<1x16xf32>,
        %swap3A_82 = vector.shape_cast %swap3A_81 : vector<1x16xf32> to vector<16xf32>
        %swap3A_83 = vector.shape_cast %max3A_78 : vector<16xf32> to vector<1x16xf32>
        tpu.vector_store %arg9[%swap3A_79, %swap3A_80], %swap3A_83 {strides = array<i32>} : memref<256x128xf32, #tpu.memory_space<vmem>>, vector<1x16xf32>,
        %get3A_84 = arith.index_cast %scan3A_50 : i32 to index
        %get3A_85 = arith.constant 48 : index
        %get3A_86 = tpu.vector_load %arg9[%get3A_84, %get3A_85] {strides = array<i32>} : memref<256x128xf32, #tpu.memory_space<vmem>>, vector<1x16xf32>,
        %get3A_87 = vector.shape_cast %get3A_86 : vector<1x16xf32> to vector<16xf32>
        %max3A_88 = arith.constant 0.000000e+00 : f32
        %max3A_89 = vector.broadcast %max3A_88 : f32 to vector<16xf32>
        %max3A_90 = arith.maximumf %get3A_87, %max3A_89 : vector<16xf32>
        %swap3A_91 = arith.index_cast %scan3A_50 : i32 to index
        %swap3A_92 = arith.constant 48 : index
        %swap3A_93 = tpu.vector_load %arg9[%swap3A_91, %swap3A_92] {strides = array<i32>} : memref<256x128xf32, #tpu.memory_space<vmem>>, vector<1x16xf32>,
        %swap3A_94 = vector.shape_cast %swap3A_93 : vector<1x16xf32> to vector<16xf32>
        %swap3A_95 = vector.shape_cast %max3A_90 : vector<16xf32> to vector<1x16xf32>
        tpu.vector_store %arg9[%swap3A_91, %swap3A_92], %swap3A_95 {strides = array<i32>} : memref<256x128xf32, #tpu.memory_space<vmem>>, vector<1x16xf32>,
        %get3A_96 = arith.index_cast %scan3A_50 : i32 to index
        %get3A_97 = arith.constant 64 : index
        %get3A_98 = tpu.vector_load %arg9[%get3A_96, %get3A_97] {strides = array<i32>} : memref<256x128xf32, #tpu.memory_space<vmem>>, vector<1x16xf32>,
        %get3A_99 = vector.shape_cast %get3A_98 : vector<1x16xf32> to vector<16xf32>
        %max3A_100 = arith.constant 0.000000e+00 : f32
        %max3A_101 = vector.broadcast %max3A_100 : f32 to vector<16xf32>
        %max3A_102 = arith.maximumf %get3A_99, %max3A_101 : vector<16xf32>
        %swap3A_103 = arith.index_cast %scan3A_50 : i32 to index
        %swap3A_104 = arith.constant 64 : index
        %swap3A_105 = tpu.vector_load %arg9[%swap3A_103, %swap3A_104] {strides = array<i32>} : memref<256x128xf32, #tpu.memory_space<vmem>>, vector<1x16xf32>,
        %swap3A_106 = vector.shape_cast %swap3A_105 : vector<1x16xf32> to vector<16xf32>
        %swap3A_107 = vector.shape_cast %max3A_102 : vector<16xf32> to vector<1x16xf32>
        tpu.vector_store %arg9[%swap3A_103, %swap3A_104], %swap3A_107 {strides = array<i32>} : memref<256x128xf32, #tpu.memory_space<vmem>>, vector<1x16xf32>,
        %get3A_108 = arith.index_cast %scan3A_50 : i32 to index
        %get3A_109 = arith.constant 80 : index
        %get3A_110 = tpu.vector_load %arg9[%get3A_108, %get3A_109] {strides = array<i32>} : memref<256x128xf32, #tpu.memory_space<vmem>>, vector<1x16xf32>,
        %get3A_111 = vector.shape_cast %get3A_110 : vector<1x16xf32> to vector<16xf32>
        %max3A_112 = arith.constant 0.000000e+00 : f32
        %max3A_113 = vector.broadcast %max3A_112 : f32 to vector<16xf32>
        %max3A_114 = arith.maximumf %get3A_111, %max3A_113 : vector<16xf32>
        %swap3A_115 = arith.index_cast %scan3A_50 : i32 to index
        %swap3A_116 = arith.constant 80 : index
        %swap3A_117 = tpu.vector_load %arg9[%swap3A_115, %swap3A_116] {strides = array<i32>} : memref<256x128xf32, #tpu.memory_space<vmem>>, vector<1x16xf32>,
        %swap3A_118 = vector.shape_cast %swap3A_117 : vector<1x16xf32> to vector<16xf32>
        %swap3A_119 = vector.shape_cast %max3A_114 : vector<16xf32> to vector<1x16xf32>
        tpu.vector_store %arg9[%swap3A_115, %swap3A_116], %swap3A_119 {strides = array<i32>} : memref<256x128xf32, #tpu.memory_space<vmem>>, vector<1x16xf32>,
        %get3A_120 = arith.index_cast %scan3A_50 : i32 to index
        %get3A_121 = arith.constant 96 : index
        %get3A_122 = tpu.vector_load %arg9[%get3A_120, %get3A_121] {strides = array<i32>} : memref<256x128xf32, #tpu.memory_space<vmem>>, vector<1x16xf32>,
        %get3A_123 = vector.shape_cast %get3A_122 : vector<1x16xf32> to vector<16xf32>
        %max3A_124 = arith.constant 0.000000e+00 : f32
        %max3A_125 = vector.broadcast %max3A_124 : f32 to vector<16xf32>
        %max3A_126 = arith.maximumf %get3A_123, %max3A_125 : vector<16xf32>
        %swap3A_127 = arith.index_cast %scan3A_50 : i32 to index
        %swap3A_128 = arith.constant 96 : index
        %swap3A_129 = tpu.vector_load %arg9[%swap3A_127, %swap3A_128] {strides = array<i32>} : memref<256x128xf32, #tpu.memory_space<vmem>>, vector<1x16xf32>,
        %swap3A_130 = vector.shape_cast %swap3A_129 : vector<1x16xf32> to vector<16xf32>
        %swap3A_131 = vector.shape_cast %max3A_126 : vector<16xf32> to vector<1x16xf32>
        tpu.vector_store %arg9[%swap3A_127, %swap3A_128], %swap3A_131 {strides = array<i32>} : memref<256x128xf32, #tpu.memory_space<vmem>>, vector<1x16xf32>,
        %get3A_132 = arith.index_cast %scan3A_50 : i32 to index
        %get3A_133 = arith.constant 112 : index
        %get3A_134 = tpu.vector_load %arg9[%get3A_132, %get3A_133] {strides = array<i32>} : memref<256x128xf32, #tpu.memory_space<vmem>>, vector<1x16xf32>,
        %get3A_135 = vector.shape_cast %get3A_134 : vector<1x16xf32> to vector<16xf32>
        %max3A_136 = arith.constant 0.000000e+00 : f32
        %max3A_137 = vector.broadcast %max3A_136 : f32 to vector<16xf32>
        %max3A_138 = arith.maximumf %get3A_135, %max3A_137 : vector<16xf32>
        %swap3A_139 = arith.index_cast %scan3A_50 : i32 to index
        %swap3A_140 = arith.constant 112 : index
        %swap3A_141 = tpu.vector_load %arg9[%swap3A_139, %swap3A_140] {strides = array<i32>} : memref<256x128xf32, #tpu.memory_space<vmem>>, vector<1x16xf32>,
        %swap3A_142 = vector.shape_cast %swap3A_141 : vector<1x16xf32> to vector<16xf32>
        %swap3A_143 = vector.shape_cast %max3A_138 : vector<16xf32> to vector<1x16xf32>
        tpu.vector_store %arg9[%swap3A_139, %swap3A_140], %swap3A_143 {strides = array<i32>} : memref<256x128xf32, #tpu.memory_space<vmem>>, vector<1x16xf32>,
      }
      %scan3A_49 = arith.constant 256 : i32
      "tpu.region"() ({
        %run_scoped3A_50 = tpu.sem_alloc : memref<!tpu.dma_semaphore, #tpu.memory_space<semaphore_mem>>
        %dma_start3A_51 = arith.constant 0 : i32
        %dma_start3A_52 = tpu.memref_slice %arg7[%mul3A_17, %dma_start3A_51] : memref<640000x128xf32, #tpu.memory_space<hbm>> -> memref<256x128xf32, #tpu.memory_space<hbm>>
        %dma_start3A_53 = arith.constant 0 : i32
        %dma_start3A_54 = tpu.memref_slice %arg7[%mul3A_17, %dma_start3A_53] : memref<640000x128xf32, #tpu.memory_space<hbm>> -> memref<256x128xf32, #tpu.memory_space<hbm>>
        tpu.enqueue_dma source(%arg9 : memref<256x128xf32, #tpu.memory_space<vmem>>) target(%dma_start3A_54 : memref<256x128xf32, #tpu.memory_space<hbm>>) target_semaphore(%run_scoped3A_50 : memref<!tpu.dma_semaphore, #tpu.memory_space<semaphore_mem>>)
        %dma_wait3A_55 = arith.constant 0 : i32
        %dma_wait3A_56 = tpu.memref_slice %arg7[%mul3A_17, %dma_wait3A_55] : memref<640000x128xf32, #tpu.memory_space<hbm>> -> memref<256x128xf32, #tpu.memory_space<hbm>>
        %dma_wait3A_57 = arith.constant 0 : i32
        %dma_wait3A_58 = tpu.memref_slice %arg7[%mul3A_17, %dma_wait3A_57] : memref<640000x128xf32, #tpu.memory_space<hbm>> -> memref<256x128xf32, #tpu.memory_space<hbm>>
        tpu.wait_dma2 semaphore(%run_scoped3A_50 : memref<!tpu.dma_semaphore, #tpu.memory_space<semaphore_mem>>) src(%arg9 : memref<256x128xf32, #tpu.memory_space<vmem>>) dst(%dma_wait3A_58 : memref<256x128xf32, #tpu.memory_space<hbm>>)
        tpu.yield
      }) : () -> ()
    }
    %while3A_11 = arith.constant 1 : i32
    scf.for %while3A_12 = %while3A_9 to %while3A_5 step %while3A_11  : i32 {
      %mul3A_13 = arith.constant 32 : i32
      %mul3A_14 = arith.muli %while3A_12, %mul3A_13 : i32
      %add3A_15 = arith.addi %mul3A_14, %add3A : i32
      %mul3A_16 = arith.constant 256 : i32
      %mul3A_17 = arith.muli %add3A_15, %mul3A_16 : i32
      "tpu.region"() ({
        %run_scoped3A_50 = tpu.sem_alloc : memref<!tpu.dma_semaphore, #tpu.memory_space<semaphore_mem>>
        %dma_start3A_51 = arith.constant 0 : i32
        %dma_start3A_52 = tpu.memref_slice %arg2[%mul3A_17, %dma_start3A_51] : memref<640000x128xf32, #tpu.memory_space<hbm>> -> memref<256x128xf32, #tpu.memory_space<hbm>>
        %dma_start3A_53 = arith.constant 0 : i32
        %dma_start3A_54 = tpu.memref_slice %arg2[%mul3A_17, %dma_start3A_53] : memref<640000x128xf32, #tpu.memory_space<hbm>> -> memref<256x128xf32, #tpu.memory_space<hbm>>
        tpu.enqueue_dma source(%dma_start3A_54 : memref<256x128xf32, #tpu.memory_space<hbm>>) target(%arg9 : memref<256x128xf32, #tpu.memory_space<vmem>>) target_semaphore(%run_scoped3A_50 : memref<!tpu.dma_semaphore, #tpu.memory_space<semaphore_mem>>)
        %dma_wait3A_55 = arith.constant 0 : i32
        %dma_wait3A_56 = tpu.memref_slice %arg2[%mul3A_17, %dma_wait3A_55] : memref<640000x128xf32, #tpu.memory_space<hbm>> -> memref<256x128xf32, #tpu.memory_space<hbm>>
        %dma_wait3A_57 = arith.constant 0 : i32
        %dma_wait3A_58 = tpu.memref_slice %arg2[%mul3A_17, %dma_wait3A_57] : memref<640000x128xf32, #tpu.memory_space<hbm>> -> memref<256x128xf32, #tpu.memory_space<hbm>>
        tpu.wait_dma2 semaphore(%run_scoped3A_50 : memref<!tpu.dma_semaphore, #tpu.memory_space<semaphore_mem>>) src(%dma_wait3A_58 : memref<256x128xf32, #tpu.memory_space<hbm>>) dst(%arg9 : memref<256x128xf32, #tpu.memory_space<vmem>>)
        tpu.yield
      }) : () -> ()
      %run_scoped3A = arith.constant 0 : i32
      "tpu.region"() ({
        %run_scoped3A_50 = tpu.sem_alloc : memref<!tpu.dma_semaphore, #tpu.memory_space<semaphore_mem>>
        %dma_start3A_51 = arith.constant 0 : i32
        %dma_start3A_52 = tpu.memref_slice %arg8[%run_scoped3A, %dma_start3A_51] : memref<2x256xi32, #tpu.memory_space<vmem>> -> memref<1x256xi32, #tpu.memory_space<vmem>>
        %dma_start3A_53 = tpu.memref_squeeze %dma_start3A_52 : memref<1x256xi32, #tpu.memory_space<vmem>> -> memref<256xi32, #tpu.memory_space<vmem>>
        %dma_start3A_54 = tpu.memref_slice %arg5[%mul3A_17] : memref<640000xi32, #tpu.memory_space<hbm>> -> memref<256xi32, #tpu.memory_space<hbm>>
        %dma_start3A_55 = arith.constant 0 : i32
        %dma_start3A_56 = tpu.memref_slice %arg8[%run_scoped3A, %dma_start3A_55] : memref<2x256xi32, #tpu.memory_space<vmem>> -> memref<1x256xi32, #tpu.memory_space<vmem>>
        %dma_start3A_57 = tpu.memref_squeeze %dma_start3A_56 : memref<1x256xi32, #tpu.memory_space<vmem>> -> memref<256xi32, #tpu.memory_space<vmem>>
        %dma_start3A_58 = tpu.memref_slice %arg5[%mul3A_17] : memref<640000xi32, #tpu.memory_space<hbm>> -> memref<256xi32, #tpu.memory_space<hbm>>
        tpu.enqueue_dma source(%dma_start3A_58 : memref<256xi32, #tpu.memory_space<hbm>>) target(%dma_start3A_57 : memref<256xi32, #tpu.memory_space<vmem>>) target_semaphore(%run_scoped3A_50 : memref<!tpu.dma_semaphore, #tpu.memory_space<semaphore_mem>>)
        %dma_wait3A_59 = arith.constant 0 : i32
        %dma_wait3A_60 = tpu.memref_slice %arg8[%run_scoped3A, %dma_wait3A_59] : memref<2x256xi32, #tpu.memory_space<vmem>> -> memref<1x256xi32, #tpu.memory_space<vmem>>
        %dma_wait3A_61 = tpu.memref_squeeze %dma_wait3A_60 : memref<1x256xi32, #tpu.memory_space<vmem>> -> memref<256xi32, #tpu.memory_space<vmem>>
        %dma_wait3A_62 = tpu.memref_slice %arg5[%mul3A_17] : memref<640000xi32, #tpu.memory_space<hbm>> -> memref<256xi32, #tpu.memory_space<hbm>>
        %dma_wait3A_63 = arith.constant 0 : i32
        %dma_wait3A_64 = tpu.memref_slice %arg8[%run_scoped3A, %dma_wait3A_63] : memref<2x256xi32, #tpu.memory_space<vmem>> -> memref<1x256xi32, #tpu.memory_space<vmem>>
        %dma_wait3A_65 = tpu.memref_squeeze %dma_wait3A_64 : memref<1x256xi32, #tpu.memory_space<vmem>> -> memref<256xi32, #tpu.memory_space<vmem>>
        %dma_wait3A_66 = tpu.memref_slice %arg5[%mul3A_17] : memref<640000xi32, #tpu.memory_space<hbm>> -> memref<256xi32, #tpu.memory_space<hbm>>
        tpu.wait_dma2 semaphore(%run_scoped3A_50 : memref<!tpu.dma_semaphore, #tpu.memory_space<semaphore_mem>>) src(%dma_wait3A_66 : memref<256xi32, #tpu.memory_space<hbm>>) dst(%dma_wait3A_65 : memref<256xi32, #tpu.memory_space<vmem>>)
        tpu.yield
      }) : () -> ()
      %run_scoped3A_18 = arith.constant 1 : i32
      "tpu.region"() ({
        %run_scoped3A_50 = tpu.sem_alloc : memref<!tpu.dma_semaphore, #tpu.memory_space<semaphore_mem>>
        %dma_start3A_51 = arith.constant 0 : i32
        %dma_start3A_52 = tpu.memref_slice %arg8[%run_scoped3A_18, %dma_start3A_51] : memref<2x256xi32, #tpu.memory_space<vmem>> -> memref<1x256xi32, #tpu.memory_space<vmem>>
        %dma_start3A_53 = tpu.memref_squeeze %dma_start3A_52 : memref<1x256xi32, #tpu.memory_space<vmem>> -> memref<256xi32, #tpu.memory_space<vmem>>
        %dma_start3A_54 = tpu.memref_slice %arg6[%mul3A_17] : memref<640000xi32, #tpu.memory_space<hbm>> -> memref<256xi32, #tpu.memory_space<hbm>>
        %dma_start3A_55 = arith.constant 0 : i32
        %dma_start3A_56 = tpu.memref_slice %arg8[%run_scoped3A_18, %dma_start3A_55] : memref<2x256xi32, #tpu.memory_space<vmem>> -> memref<1x256xi32, #tpu.memory_space<vmem>>
        %dma_start3A_57 = tpu.memref_squeeze %dma_start3A_56 : memref<1x256xi32, #tpu.memory_space<vmem>> -> memref<256xi32, #tpu.memory_space<vmem>>
        %dma_start3A_58 = tpu.memref_slice %arg6[%mul3A_17] : memref<640000xi32, #tpu.memory_space<hbm>> -> memref<256xi32, #tpu.memory_space<hbm>>
        tpu.enqueue_dma source(%dma_start3A_58 : memref<256xi32, #tpu.memory_space<hbm>>) target(%dma_start3A_57 : memref<256xi32, #tpu.memory_space<vmem>>) target_semaphore(%run_scoped3A_50 : memref<!tpu.dma_semaphore, #tpu.memory_space<semaphore_mem>>)
        %dma_wait3A_59 = arith.constant 0 : i32
        %dma_wait3A_60 = tpu.memref_slice %arg8[%run_scoped3A_18, %dma_wait3A_59] : memref<2x256xi32, #tpu.memory_space<vmem>> -> memref<1x256xi32, #tpu.memory_space<vmem>>
        %dma_wait3A_61 = tpu.memref_squeeze %dma_wait3A_60 : memref<1x256xi32, #tpu.memory_space<vmem>> -> memref<256xi32, #tpu.memory_space<vmem>>
        %dma_wait3A_62 = tpu.memref_slice %arg6[%mul3A_17] : memref<640000xi32, #tpu.memory_space<hbm>> -> memref<256xi32, #tpu.memory_space<hbm>>
        %dma_wait3A_63 = arith.constant 0 : i32
        %dma_wait3A_64 = tpu.memref_slice %arg8[%run_scoped3A_18, %dma_wait3A_63] : memref<2x256xi32, #tpu.memory_space<vmem>> -> memref<1x256xi32, #tpu.memory_space<vmem>>
        %dma_wait3A_65 = tpu.memref_squeeze %dma_wait3A_64 : memref<1x256xi32, #tpu.memory_space<vmem>> -> memref<256xi32, #tpu.memory_space<vmem>>
        %dma_wait3A_66 = tpu.memref_slice %arg6[%mul3A_17] : memref<640000xi32, #tpu.memory_space<hbm>> -> memref<256xi32, #tpu.memory_space<hbm>>
        tpu.wait_dma2 semaphore(%run_scoped3A_50 : memref<!tpu.dma_semaphore, #tpu.memory_space<semaphore_mem>>) src(%dma_wait3A_66 : memref<256xi32, #tpu.memory_space<hbm>>) dst(%dma_wait3A_65 : memref<256xi32, #tpu.memory_space<vmem>>)
        tpu.yield
      }) : () -> ()
      %dma_start3A = arith.constant 0 : i32
      %dma_start3A_19 = arith.constant 0 : i32
      %dma_start3A_20 = tpu.memref_slice %arg8[%dma_start3A, %dma_start3A_19] : memref<2x256xi32, #tpu.memory_space<vmem>> -> memref<1x256xi32, #tpu.memory_space<vmem>>
      %dma_start3A_21 = tpu.memref_squeeze %dma_start3A_20 : memref<1x256xi32, #tpu.memory_space<vmem>> -> memref<256xi32, #tpu.memory_space<vmem>>
      %dma_start3A_22 = arith.constant 0 : i32
      %dma_start3A_23 = arith.constant 0 : i32
      %dma_start3A_24 = tpu.memref_slice %arg3[%dma_start3A_22, %dma_start3A_23] : memref<10240x128xf32, #tpu.memory_space<hbm>> -> memref<10240x128xf32, #tpu.memory_space<hbm>>
      tpu.enqueue_indirect_dma source(%dma_start3A_24 : memref<10240x128xf32, #tpu.memory_space<hbm>>) target(%arg9 : memref<256x128xf32, #tpu.memory_space<vmem>>) offsets(%dma_start3A_21 : memref<256xi32, #tpu.memory_space<vmem>>) semaphore(%arg10 : memref<!tpu.dma_semaphore, #tpu.memory_space<semaphore_mem>>) {add = true}
      %dma_start3A_25 = arith.constant 1 : i32
      %dma_start3A_26 = arith.constant 0 : i32
      %dma_start3A_27 = tpu.memref_slice %arg8[%dma_start3A_25, %dma_start3A_26] : memref<2x256xi32, #tpu.memory_space<vmem>> -> memref<1x256xi32, #tpu.memory_space<vmem>>
      %dma_start3A_28 = tpu.memref_squeeze %dma_start3A_27 : memref<1x256xi32, #tpu.memory_space<vmem>> -> memref<256xi32, #tpu.memory_space<vmem>>
      %dma_start3A_29 = arith.constant 0 : i32
      %dma_start3A_30 = arith.constant 0 : i32
      %dma_start3A_31 = tpu.memref_slice %arg4[%dma_start3A_29, %dma_start3A_30] : memref<640000x128xf32, #tpu.memory_space<hbm>> -> memref<640000x128xf32, #tpu.memory_space<hbm>>
      tpu.enqueue_indirect_dma source(%dma_start3A_31 : memref<640000x128xf32, #tpu.memory_space<hbm>>) target(%arg9 : memref<256x128xf32, #tpu.memory_space<vmem>>) offsets(%dma_start3A_28 : memref<256xi32, #tpu.memory_space<vmem>>) semaphore(%arg10 : memref<!tpu.dma_semaphore, #tpu.memory_space<semaphore_mem>>) {add = true}
      %dma_wait3A = arith.constant 0 : i32
      %dma_wait3A_32 = arith.constant 0 : i32
      %dma_wait3A_33 = tpu.memref_slice %arg8[%dma_wait3A, %dma_wait3A_32] : memref<2x256xi32, #tpu.memory_space<vmem>> -> memref<1x256xi32, #tpu.memory_space<vmem>>
      %dma_wait3A_34 = tpu.memref_squeeze %dma_wait3A_33 : memref<1x256xi32, #tpu.memory_space<vmem>> -> memref<256xi32, #tpu.memory_space<vmem>>
      %dma_wait3A_35 = arith.constant 0 : i32
      %dma_wait3A_36 = arith.constant 0 : i32
      %dma_wait3A_37 = tpu.memref_slice %arg3[%dma_wait3A_35, %dma_wait3A_36] : memref<10240x128xf32, #tpu.memory_space<hbm>> -> memref<10240x128xf32, #tpu.memory_space<hbm>>
      tpu.wait_indirect_dma semaphore(%arg10 : memref<!tpu.dma_semaphore, #tpu.memory_space<semaphore_mem>>) src(%dma_wait3A_37 : memref<10240x128xf32, #tpu.memory_space<hbm>>) dst(%arg9 : memref<256x128xf32, #tpu.memory_space<vmem>>)
      %dma_wait3A_38 = arith.constant 1 : i32
      %dma_wait3A_39 = arith.constant 0 : i32
      %dma_wait3A_40 = tpu.memref_slice %arg8[%dma_wait3A_38, %dma_wait3A_39] : memref<2x256xi32, #tpu.memory_space<vmem>> -> memref<1x256xi32, #tpu.memory_space<vmem>>
      %dma_wait3A_41 = tpu.memref_squeeze %dma_wait3A_40 : memref<1x256xi32, #tpu.memory_space<vmem>> -> memref<256xi32, #tpu.memory_space<vmem>>
      %dma_wait3A_42 = arith.constant 0 : i32
      %dma_wait3A_43 = arith.constant 0 : i32
      %dma_wait3A_44 = tpu.memref_slice %arg4[%dma_wait3A_42, %dma_wait3A_43] : memref<640000x128xf32, #tpu.memory_space<hbm>> -> memref<640000x128xf32, #tpu.memory_space<hbm>>
      tpu.wait_indirect_dma semaphore(%arg10 : memref<!tpu.dma_semaphore, #tpu.memory_space<semaphore_mem>>) src(%dma_wait3A_44 : memref<640000x128xf32, #tpu.memory_space<hbm>>) dst(%arg9 : memref<256x128xf32, #tpu.memory_space<vmem>>)
      %scan3A = arith.constant 0 : i32
      %scan3A_45 = arith.constant 0 : i32
      %scan3A_46 = arith.constant 256 : i32
      %scan3A_47 = arith.addi %scan3A_45, %scan3A_46 : i32
      %scan3A_48 = arith.constant 1 : i32
      scf.for %scan3A_50 = %scan3A_45 to %scan3A_47 step %scan3A_48  : i32 {
        %get3A = arith.index_cast %scan3A_50 : i32 to index
        %get3A_51 = arith.constant 0 : index
        %get3A_52 = tpu.vector_load %arg9[%get3A, %get3A_51] {strides = array<i32>} : memref<256x128xf32, #tpu.memory_space<vmem>>, vector<1x16xf32>,
        %get3A_53 = vector.shape_cast %get3A_52 : vector<1x16xf32> to vector<16xf32>
        %max3A = arith.constant 0.000000e+00 : f32
        %max3A_54 = vector.broadcast %max3A : f32 to vector<16xf32>
        %max3A_55 = arith.maximumf %get3A_53, %max3A_54 : vector<16xf32>
        %swap3A = arith.index_cast %scan3A_50 : i32 to index
        %swap3A_56 = arith.constant 0 : index
        %swap3A_57 = tpu.vector_load %arg9[%swap3A, %swap3A_56] {strides = array<i32>} : memref<256x128xf32, #tpu.memory_space<vmem>>, vector<1x16xf32>,
        %swap3A_58 = vector.shape_cast %swap3A_57 : vector<1x16xf32> to vector<16xf32>
        %swap3A_59 = vector.shape_cast %max3A_55 : vector<16xf32> to vector<1x16xf32>
        tpu.vector_store %arg9[%swap3A, %swap3A_56], %swap3A_59 {strides = array<i32>} : memref<256x128xf32, #tpu.memory_space<vmem>>, vector<1x16xf32>,
        %get3A_60 = arith.index_cast %scan3A_50 : i32 to index
        %get3A_61 = arith.constant 16 : index
        %get3A_62 = tpu.vector_load %arg9[%get3A_60, %get3A_61] {strides = array<i32>} : memref<256x128xf32, #tpu.memory_space<vmem>>, vector<1x16xf32>,
        %get3A_63 = vector.shape_cast %get3A_62 : vector<1x16xf32> to vector<16xf32>
        %max3A_64 = arith.constant 0.000000e+00 : f32
        %max3A_65 = vector.broadcast %max3A_64 : f32 to vector<16xf32>
        %max3A_66 = arith.maximumf %get3A_63, %max3A_65 : vector<16xf32>
        %swap3A_67 = arith.index_cast %scan3A_50 : i32 to index
        %swap3A_68 = arith.constant 16 : index
        %swap3A_69 = tpu.vector_load %arg9[%swap3A_67, %swap3A_68] {strides = array<i32>} : memref<256x128xf32, #tpu.memory_space<vmem>>, vector<1x16xf32>,
        %swap3A_70 = vector.shape_cast %swap3A_69 : vector<1x16xf32> to vector<16xf32>
        %swap3A_71 = vector.shape_cast %max3A_66 : vector<16xf32> to vector<1x16xf32>
        tpu.vector_store %arg9[%swap3A_67, %swap3A_68], %swap3A_71 {strides = array<i32>} : memref<256x128xf32, #tpu.memory_space<vmem>>, vector<1x16xf32>,
        %get3A_72 = arith.index_cast %scan3A_50 : i32 to index
        %get3A_73 = arith.constant 32 : index
        %get3A_74 = tpu.vector_load %arg9[%get3A_72, %get3A_73] {strides = array<i32>} : memref<256x128xf32, #tpu.memory_space<vmem>>, vector<1x16xf32>,
        %get3A_75 = vector.shape_cast %get3A_74 : vector<1x16xf32> to vector<16xf32>
        %max3A_76 = arith.constant 0.000000e+00 : f32
        %max3A_77 = vector.broadcast %max3A_76 : f32 to vector<16xf32>
        %max3A_78 = arith.maximumf %get3A_75, %max3A_77 : vector<16xf32>
        %swap3A_79 = arith.index_cast %scan3A_50 : i32 to index
        %swap3A_80 = arith.constant 32 : index
        %swap3A_81 = tpu.vector_load %arg9[%swap3A_79, %swap3A_80] {strides = array<i32>} : memref<256x128xf32, #tpu.memory_space<vmem>>, vector<1x16xf32>,
        %swap3A_82 = vector.shape_cast %swap3A_81 : vector<1x16xf32> to vector<16xf32>
        %swap3A_83 = vector.shape_cast %max3A_78 : vector<16xf32> to vector<1x16xf32>
        tpu.vector_store %arg9[%swap3A_79, %swap3A_80], %swap3A_83 {strides = array<i32>} : memref<256x128xf32, #tpu.memory_space<vmem>>, vector<1x16xf32>,
        %get3A_84 = arith.index_cast %scan3A_50 : i32 to index
        %get3A_85 = arith.constant 48 : index
        %get3A_86 = tpu.vector_load %arg9[%get3A_84, %get3A_85] {strides = array<i32>} : memref<256x128xf32, #tpu.memory_space<vmem>>, vector<1x16xf32>,
        %get3A_87 = vector.shape_cast %get3A_86 : vector<1x16xf32> to vector<16xf32>
        %max3A_88 = arith.constant 0.000000e+00 : f32
        %max3A_89 = vector.broadcast %max3A_88 : f32 to vector<16xf32>
        %max3A_90 = arith.maximumf %get3A_87, %max3A_89 : vector<16xf32>
        %swap3A_91 = arith.index_cast %scan3A_50 : i32 to index
        %swap3A_92 = arith.constant 48 : index
        %swap3A_93 = tpu.vector_load %arg9[%swap3A_91, %swap3A_92] {strides = array<i32>} : memref<256x128xf32, #tpu.memory_space<vmem>>, vector<1x16xf32>,
        %swap3A_94 = vector.shape_cast %swap3A_93 : vector<1x16xf32> to vector<16xf32>
        %swap3A_95 = vector.shape_cast %max3A_90 : vector<16xf32> to vector<1x16xf32>
        tpu.vector_store %arg9[%swap3A_91, %swap3A_92], %swap3A_95 {strides = array<i32>} : memref<256x128xf32, #tpu.memory_space<vmem>>, vector<1x16xf32>,
        %get3A_96 = arith.index_cast %scan3A_50 : i32 to index
        %get3A_97 = arith.constant 64 : index
        %get3A_98 = tpu.vector_load %arg9[%get3A_96, %get3A_97] {strides = array<i32>} : memref<256x128xf32, #tpu.memory_space<vmem>>, vector<1x16xf32>,
        %get3A_99 = vector.shape_cast %get3A_98 : vector<1x16xf32> to vector<16xf32>
        %max3A_100 = arith.constant 0.000000e+00 : f32
        %max3A_101 = vector.broadcast %max3A_100 : f32 to vector<16xf32>
        %max3A_102 = arith.maximumf %get3A_99, %max3A_101 : vector<16xf32>
        %swap3A_103 = arith.index_cast %scan3A_50 : i32 to index
        %swap3A_104 = arith.constant 64 : index
        %swap3A_105 = tpu.vector_load %arg9[%swap3A_103, %swap3A_104] {strides = array<i32>} : memref<256x128xf32, #tpu.memory_space<vmem>>, vector<1x16xf32>,
        %swap3A_106 = vector.shape_cast %swap3A_105 : vector<1x16xf32> to vector<16xf32>
        %swap3A_107 = vector.shape_cast %max3A_102 : vector<16xf32> to vector<1x16xf32>
        tpu.vector_store %arg9[%swap3A_103, %swap3A_104], %swap3A_107 {strides = array<i32>} : memref<256x128xf32, #tpu.memory_space<vmem>>, vector<1x16xf32>,
        %get3A_108 = arith.index_cast %scan3A_50 : i32 to index
        %get3A_109 = arith.constant 80 : index
        %get3A_110 = tpu.vector_load %arg9[%get3A_108, %get3A_109] {strides = array<i32>} : memref<256x128xf32, #tpu.memory_space<vmem>>, vector<1x16xf32>,
        %get3A_111 = vector.shape_cast %get3A_110 : vector<1x16xf32> to vector<16xf32>
        %max3A_112 = arith.constant 0.000000e+00 : f32
        %max3A_113 = vector.broadcast %max3A_112 : f32 to vector<16xf32>
        %max3A_114 = arith.maximumf %get3A_111, %max3A_113 : vector<16xf32>
        %swap3A_115 = arith.index_cast %scan3A_50 : i32 to index
        %swap3A_116 = arith.constant 80 : index
        %swap3A_117 = tpu.vector_load %arg9[%swap3A_115, %swap3A_116] {strides = array<i32>} : memref<256x128xf32, #tpu.memory_space<vmem>>, vector<1x16xf32>,
        %swap3A_118 = vector.shape_cast %swap3A_117 : vector<1x16xf32> to vector<16xf32>
        %swap3A_119 = vector.shape_cast %max3A_114 : vector<16xf32> to vector<1x16xf32>
        tpu.vector_store %arg9[%swap3A_115, %swap3A_116], %swap3A_119 {strides = array<i32>} : memref<256x128xf32, #tpu.memory_space<vmem>>, vector<1x16xf32>,
        %get3A_120 = arith.index_cast %scan3A_50 : i32 to index
        %get3A_121 = arith.constant 96 : index
        %get3A_122 = tpu.vector_load %arg9[%get3A_120, %get3A_121] {strides = array<i32>} : memref<256x128xf32, #tpu.memory_space<vmem>>, vector<1x16xf32>,
        %get3A_123 = vector.shape_cast %get3A_122 : vector<1x16xf32> to vector<16xf32>
        %max3A_124 = arith.constant 0.000000e+00 : f32
        %max3A_125 = vector.broadcast %max3A_124 : f32 to vector<16xf32>
        %max3A_126 = arith.maximumf %get3A_123, %max3A_125 : vector<16xf32>
        %swap3A_127 = arith.index_cast %scan3A_50 : i32 to index
        %swap3A_128 = arith.constant 96 : index
        %swap3A_129 = tpu.vector_load %arg9[%swap3A_127, %swap3A_128] {strides = array<i32>} : memref<256x128xf32, #tpu.memory_space<vmem>>, vector<1x16xf32>,
        %swap3A_130 = vector.shape_cast %swap3A_129 : vector<1x16xf32> to vector<16xf32>
        %swap3A_131 = vector.shape_cast %max3A_126 : vector<16xf32> to vector<1x16xf32>
        tpu.vector_store %arg9[%swap3A_127, %swap3A_128], %swap3A_131 {strides = array<i32>} : memref<256x128xf32, #tpu.memory_space<vmem>>, vector<1x16xf32>,
        %get3A_132 = arith.index_cast %scan3A_50 : i32 to index
        %get3A_133 = arith.constant 112 : index
        %get3A_134 = tpu.vector_load %arg9[%get3A_132, %get3A_133] {strides = array<i32>} : memref<256x128xf32, #tpu.memory_space<vmem>>, vector<1x16xf32>,
        %get3A_135 = vector.shape_cast %get3A_134 : vector<1x16xf32> to vector<16xf32>
        %max3A_136 = arith.constant 0.000000e+00 : f32
        %max3A_137 = vector.broadcast %max3A_136 : f32 to vector<16xf32>
        %max3A_138 = arith.maximumf %get3A_135, %max3A_137 : vector<16xf32>
        %swap3A_139 = arith.index_cast %scan3A_50 : i32 to index
        %swap3A_140 = arith.constant 112 : index
        %swap3A_141 = tpu.vector_load %arg9[%swap3A_139, %swap3A_140] {strides = array<i32>} : memref<256x128xf32, #tpu.memory_space<vmem>>, vector<1x16xf32>,
        %swap3A_142 = vector.shape_cast %swap3A_141 : vector<1x16xf32> to vector<16xf32>
        %swap3A_143 = vector.shape_cast %max3A_138 : vector<16xf32> to vector<1x16xf32>
        tpu.vector_store %arg9[%swap3A_139, %swap3A_140], %swap3A_143 {strides = array<i32>} : memref<256x128xf32, #tpu.memory_space<vmem>>, vector<1x16xf32>,
      }
      %scan3A_49 = arith.constant 256 : i32
      "tpu.region"() ({
        %run_scoped3A_50 = tpu.sem_alloc : memref<!tpu.dma_semaphore, #tpu.memory_space<semaphore_mem>>
        %dma_start3A_51 = arith.constant 0 : i32
        %dma_start3A_52 = tpu.memref_slice %arg7[%mul3A_17, %dma_start3A_51] : memref<640000x128xf32, #tpu.memory_space<hbm>> -> memref<256x128xf32, #tpu.memory_space<hbm>>
        %dma_start3A_53 = arith.constant 0 : i32
        %dma_start3A_54 = tpu.memref_slice %arg7[%mul3A_17, %dma_start3A_53] : memref<640000x128xf32, #tpu.memory_space<hbm>> -> memref<256x128xf32, #tpu.memory_space<hbm>>
        tpu.enqueue_dma source(%arg9 : memref<256x128xf32, #tpu.memory_space<vmem>>) target(%dma_start3A_54 : memref<256x128xf32, #tpu.memory_space<hbm>>) target_semaphore(%run_scoped3A_50 : memref<!tpu.dma_semaphore, #tpu.memory_space<semaphore_mem>>)
        %dma_wait3A_55 = arith.constant 0 : i32
        %dma_wait3A_56 = tpu.memref_slice %arg7[%mul3A_17, %dma_wait3A_55] : memref<640000x128xf32, #tpu.memory_space<hbm>> -> memref<256x128xf32, #tpu.memory_space<hbm>>
        %dma_wait3A_57 = arith.constant 0 : i32
        %dma_wait3A_58 = tpu.memref_slice %arg7[%mul3A_17, %dma_wait3A_57] : memref<640000x128xf32, #tpu.memory_space<hbm>> -> memref<256x128xf32, #tpu.memory_space<hbm>>
        tpu.wait_dma2 semaphore(%run_scoped3A_50 : memref<!tpu.dma_semaphore, #tpu.memory_space<semaphore_mem>>) src(%arg9 : memref<256x128xf32, #tpu.memory_space<vmem>>) dst(%dma_wait3A_58 : memref<256x128xf32, #tpu.memory_space<hbm>>)
        tpu.yield
      }) : () -> ()
    }
    return
  }
}

#map = affine_map<(d0, d1) -> (0, 0)>
#map1 = affine_map<(d0, d1) -> (0, 0, 0)>
module attributes {stable_mosaic.version = 14 : i64} {
  func.func @_gather_sum(%arg0: i32, %arg1: i32, %arg2: memref<640000x128xf32, #tpu.memory_space<hbm>>, %arg3: memref<32x64x320xi32, #tpu.memory_space<hbm>>, %arg4: memref<10240x128xf32, #tpu.memory_space<hbm>>, %arg5: memref<1x64x320xi32, #tpu.memory_space<vmem>>, %arg6: memref<320x128xf32, #tpu.memory_space<vmem>>, %arg7: memref<4x!tpu.dma_semaphore, #tpu.memory_space<semaphore_mem>>) attributes {dimension_semantics = [#tpu.dimension_semantics<core_parallel>, #tpu.dimension_semantics<subcore_parallel>], iteration_bounds = array<i64: 2, 16>, scalar_prefetch = 0 : i64, scratch_operands = 3 : i64, tpu.core_type = #tpu.core_type<sc_vector_subcore>, window_params = [{transform_indices = #map}, {transform_indices = #map1}, {transform_indices = #map}]} {
    %mul3A = arith.constant 16 : i32
    %mul3A_0 = arith.muli %arg0, %mul3A : i32
    %add3A = arith.addi %mul3A_0, %arg1 : i32
    %mul3A_1 = arith.constant 320 : i32
    %mul3A_2 = arith.muli %add3A, %mul3A_1 : i32
    "tpu.region"() ({
      %run_scoped3A = tpu.sem_alloc : memref<!tpu.dma_semaphore, #tpu.memory_space<semaphore_mem>>
      %dma_start3A_34 = arith.constant 0 : i32
      %dma_start3A_35 = arith.constant 0 : i32
      %dma_start3A_36 = tpu.memref_slice %arg3[%add3A, %dma_start3A_34, %dma_start3A_35] : memref<32x64x320xi32, #tpu.memory_space<hbm>> -> memref<1x64x320xi32, #tpu.memory_space<hbm>>
      %dma_start3A_37 = arith.constant 0 : i32
      %dma_start3A_38 = arith.constant 0 : i32
      %dma_start3A_39 = tpu.memref_slice %arg3[%add3A, %dma_start3A_37, %dma_start3A_38] : memref<32x64x320xi32, #tpu.memory_space<hbm>> -> memref<1x64x320xi32, #tpu.memory_space<hbm>>
      tpu.enqueue_dma source(%dma_start3A_39 : memref<1x64x320xi32, #tpu.memory_space<hbm>>) target(%arg5 : memref<1x64x320xi32, #tpu.memory_space<vmem>>) target_semaphore(%run_scoped3A : memref<!tpu.dma_semaphore, #tpu.memory_space<semaphore_mem>>)
      %dma_wait3A_40 = arith.constant 0 : i32
      %dma_wait3A_41 = arith.constant 0 : i32
      %dma_wait3A_42 = tpu.memref_slice %arg3[%add3A, %dma_wait3A_40, %dma_wait3A_41] : memref<32x64x320xi32, #tpu.memory_space<hbm>> -> memref<1x64x320xi32, #tpu.memory_space<hbm>>
      %dma_wait3A_43 = arith.constant 0 : i32
      %dma_wait3A_44 = arith.constant 0 : i32
      %dma_wait3A_45 = tpu.memref_slice %arg3[%add3A, %dma_wait3A_43, %dma_wait3A_44] : memref<32x64x320xi32, #tpu.memory_space<hbm>> -> memref<1x64x320xi32, #tpu.memory_space<hbm>>
      tpu.wait_dma2 semaphore(%run_scoped3A : memref<!tpu.dma_semaphore, #tpu.memory_space<semaphore_mem>>) src(%dma_wait3A_45 : memref<1x64x320xi32, #tpu.memory_space<hbm>>) dst(%arg5 : memref<1x64x320xi32, #tpu.memory_space<vmem>>)
      tpu.yield
    }) : () -> ()
    %dma_start3A = arith.constant 0 : i32
    %dma_start3A_3 = arith.constant 0 : i32
    %dma_start3A_4 = arith.constant 0 : i32
    %dma_start3A_5 = arith.constant 0 : i32
    %dma_start3A_6 = tpu.memref_slice %arg5[%dma_start3A, %dma_start3A_3, %dma_start3A_5] : memref<1x64x320xi32, #tpu.memory_space<vmem>> -> memref<1x1x320xi32, #tpu.memory_space<vmem>>
    %dma_start3A_7 = tpu.memref_squeeze %dma_start3A_6 : memref<1x1x320xi32, #tpu.memory_space<vmem>> -> memref<320xi32, #tpu.memory_space<vmem>>
    %dma_start3A_8 = arith.constant 0 : i32
    %dma_start3A_9 = arith.constant 0 : i32
    %dma_start3A_10 = tpu.memref_slice %arg2[%dma_start3A_8, %dma_start3A_9] : memref<640000x128xf32, #tpu.memory_space<hbm>> -> memref<640000x128xf32, #tpu.memory_space<hbm>>
    %dma_start3A_11 = tpu.memref_slice %arg7[%dma_start3A_4] : memref<4x!tpu.dma_semaphore, #tpu.memory_space<semaphore_mem>> -> memref<1x!tpu.dma_semaphore, #tpu.memory_space<semaphore_mem>>
    %dma_start3A_12 = tpu.memref_squeeze %dma_start3A_11 : memref<1x!tpu.dma_semaphore, #tpu.memory_space<semaphore_mem>> -> memref<!tpu.dma_semaphore, #tpu.memory_space<semaphore_mem>>
    tpu.enqueue_indirect_dma source(%dma_start3A_10 : memref<640000x128xf32, #tpu.memory_space<hbm>>) target(%arg6 : memref<320x128xf32, #tpu.memory_space<vmem>>) offsets(%dma_start3A_7 : memref<320xi32, #tpu.memory_space<vmem>>) semaphore(%dma_start3A_12 : memref<!tpu.dma_semaphore, #tpu.memory_space<semaphore_mem>>)
    %dma_wait3A = arith.constant 0 : i32
    %dma_wait3A_13 = arith.constant 0 : i32
    %dma_wait3A_14 = arith.constant 0 : i32
    %dma_wait3A_15 = arith.constant 0 : i32
    %dma_wait3A_16 = tpu.memref_slice %arg5[%dma_wait3A, %dma_wait3A_13, %dma_wait3A_15] : memref<1x64x320xi32, #tpu.memory_space<vmem>> -> memref<1x1x320xi32, #tpu.memory_space<vmem>>
    %dma_wait3A_17 = tpu.memref_squeeze %dma_wait3A_16 : memref<1x1x320xi32, #tpu.memory_space<vmem>> -> memref<320xi32, #tpu.memory_space<vmem>>
    %dma_wait3A_18 = arith.constant 0 : i32
    %dma_wait3A_19 = arith.constant 0 : i32
    %dma_wait3A_20 = tpu.memref_slice %arg2[%dma_wait3A_18, %dma_wait3A_19] : memref<640000x128xf32, #tpu.memory_space<hbm>> -> memref<640000x128xf32, #tpu.memory_space<hbm>>
    %dma_wait3A_21 = tpu.memref_slice %arg7[%dma_wait3A_14] : memref<4x!tpu.dma_semaphore, #tpu.memory_space<semaphore_mem>> -> memref<1x!tpu.dma_semaphore, #tpu.memory_space<semaphore_mem>>
    %dma_wait3A_22 = tpu.memref_squeeze %dma_wait3A_21 : memref<1x!tpu.dma_semaphore, #tpu.memory_space<semaphore_mem>> -> memref<!tpu.dma_semaphore, #tpu.memory_space<semaphore_mem>>
    tpu.wait_indirect_dma semaphore(%dma_wait3A_22 : memref<!tpu.dma_semaphore, #tpu.memory_space<semaphore_mem>>) src(%dma_wait3A_20 : memref<640000x128xf32, #tpu.memory_space<hbm>>) dst(%arg6 : memref<320x128xf32, #tpu.memory_space<vmem>>)
    %scan3A = arith.constant 0 : i32
    %scan3A_23 = arith.constant 1 : i32
    %scan3A_24 = arith.constant 63 : i32
    %scan3A_25 = arith.addi %scan3A_23, %scan3A_24 : i32
    %scan3A_26 = arith.constant 1 : i32
    scf.for %scan3A_34 = %scan3A_23 to %scan3A_25 step %scan3A_26  : i32 {
      %jit3A = arith.constant 4 : i32
      %eq3A = arith.constant 0 : i32
      %eq3A_35 = arith.cmpi eq, %jit3A, %eq3A : i32
      %jit3A_36 = arith.constant 1 : i32
      %select_n3A = arith.select %eq3A_35, %jit3A_36, %jit3A : i32
      %rem3A = arith.remsi %scan3A_34, %select_n3A : i32
      %ne3A = arith.constant 0 : i32
      %ne3A_37 = arith.cmpi ne, %rem3A, %ne3A : i32
      %lt3A = arith.constant 0 : i32
      %lt3A_38 = arith.cmpi slt, %rem3A, %lt3A : i32
      %lt3A_39 = arith.constant 0 : i32
      %lt3A_40 = arith.cmpi slt, %select_n3A, %lt3A_39 : i32
      %ne3A_41 = arith.xori %lt3A_38, %lt3A_40 : i1
      %and3A = arith.andi %ne3A_41, %ne3A_37 : i1
      %add3A_42 = arith.addi %rem3A, %select_n3A : i32
      %select_n3A_43 = arith.select %and3A, %add3A_42, %rem3A : i32
      %dma_start3A_44 = arith.constant 0 : i32
      %dma_start3A_45 = arith.constant 0 : i32
      %dma_start3A_46 = tpu.memref_slice %arg5[%dma_start3A_44, %scan3A_34, %dma_start3A_45] : memref<1x64x320xi32, #tpu.memory_space<vmem>> -> memref<1x1x320xi32, #tpu.memory_space<vmem>>
      %dma_start3A_47 = tpu.memref_squeeze %dma_start3A_46 : memref<1x1x320xi32, #tpu.memory_space<vmem>> -> memref<320xi32, #tpu.memory_space<vmem>>
      %dma_start3A_48 = arith.constant 0 : i32
      %dma_start3A_49 = arith.constant 0 : i32
      %dma_start3A_50 = tpu.memref_slice %arg2[%dma_start3A_48, %dma_start3A_49] : memref<640000x128xf32, #tpu.memory_space<hbm>> -> memref<640000x128xf32, #tpu.memory_space<hbm>>
      %dma_start3A_51 = tpu.memref_slice %arg7[%select_n3A_43] : memref<4x!tpu.dma_semaphore, #tpu.memory_space<semaphore_mem>> -> memref<1x!tpu.dma_semaphore, #tpu.memory_space<semaphore_mem>>
      %dma_start3A_52 = tpu.memref_squeeze %dma_start3A_51 : memref<1x!tpu.dma_semaphore, #tpu.memory_space<semaphore_mem>> -> memref<!tpu.dma_semaphore, #tpu.memory_space<semaphore_mem>>
      tpu.enqueue_indirect_dma source(%dma_start3A_50 : memref<640000x128xf32, #tpu.memory_space<hbm>>) target(%arg6 : memref<320x128xf32, #tpu.memory_space<vmem>>) offsets(%dma_start3A_47 : memref<320xi32, #tpu.memory_space<vmem>>) semaphore(%dma_start3A_52 : memref<!tpu.dma_semaphore, #tpu.memory_space<semaphore_mem>>) {add = true}
    }
    %scan3A_27 = arith.constant 63 : i32
    %scan3A_28 = arith.constant 0 : i32
    %scan3A_29 = arith.constant 1 : i32
    %scan3A_30 = arith.constant 63 : i32
    %scan3A_31 = arith.addi %scan3A_29, %scan3A_30 : i32
    %scan3A_32 = arith.constant 1 : i32
    scf.for %scan3A_34 = %scan3A_29 to %scan3A_31 step %scan3A_32  : i32 {
      %jit3A = arith.constant 4 : i32
      %eq3A = arith.constant 0 : i32
      %eq3A_35 = arith.cmpi eq, %jit3A, %eq3A : i32
      %jit3A_36 = arith.constant 1 : i32
      %select_n3A = arith.select %eq3A_35, %jit3A_36, %jit3A : i32
      %rem3A = arith.remsi %scan3A_34, %select_n3A : i32
      %ne3A = arith.constant 0 : i32
      %ne3A_37 = arith.cmpi ne, %rem3A, %ne3A : i32
      %lt3A = arith.constant 0 : i32
      %lt3A_38 = arith.cmpi slt, %rem3A, %lt3A : i32
      %lt3A_39 = arith.constant 0 : i32
      %lt3A_40 = arith.cmpi slt, %select_n3A, %lt3A_39 : i32
      %ne3A_41 = arith.xori %lt3A_38, %lt3A_40 : i1
      %and3A = arith.andi %ne3A_41, %ne3A_37 : i1
      %add3A_42 = arith.addi %rem3A, %select_n3A : i32
      %select_n3A_43 = arith.select %and3A, %add3A_42, %rem3A : i32
      %dma_wait3A_44 = arith.constant 0 : i32
      %dma_wait3A_45 = arith.constant 0 : i32
      %dma_wait3A_46 = arith.constant 0 : i32
      %dma_wait3A_47 = tpu.memref_slice %arg5[%dma_wait3A_44, %dma_wait3A_45, %dma_wait3A_46] : memref<1x64x320xi32, #tpu.memory_space<vmem>> -> memref<1x1x320xi32, #tpu.memory_space<vmem>>
      %dma_wait3A_48 = tpu.memref_squeeze %dma_wait3A_47 : memref<1x1x320xi32, #tpu.memory_space<vmem>> -> memref<320xi32, #tpu.memory_space<vmem>>
      %dma_wait3A_49 = arith.constant 0 : i32
      %dma_wait3A_50 = arith.constant 0 : i32
      %dma_wait3A_51 = tpu.memref_slice %arg2[%dma_wait3A_49, %dma_wait3A_50] : memref<640000x128xf32, #tpu.memory_space<hbm>> -> memref<640000x128xf32, #tpu.memory_space<hbm>>
      %dma_wait3A_52 = tpu.memref_slice %arg7[%select_n3A_43] : memref<4x!tpu.dma_semaphore, #tpu.memory_space<semaphore_mem>> -> memref<1x!tpu.dma_semaphore, #tpu.memory_space<semaphore_mem>>
      %dma_wait3A_53 = tpu.memref_squeeze %dma_wait3A_52 : memref<1x!tpu.dma_semaphore, #tpu.memory_space<semaphore_mem>> -> memref<!tpu.dma_semaphore, #tpu.memory_space<semaphore_mem>>
      tpu.wait_indirect_dma semaphore(%dma_wait3A_53 : memref<!tpu.dma_semaphore, #tpu.memory_space<semaphore_mem>>) src(%dma_wait3A_51 : memref<640000x128xf32, #tpu.memory_space<hbm>>) dst(%arg6 : memref<320x128xf32, #tpu.memory_space<vmem>>)
    }
    %scan3A_33 = arith.constant 63 : i32
    "tpu.region"() ({
      %run_scoped3A = tpu.sem_alloc : memref<!tpu.dma_semaphore, #tpu.memory_space<semaphore_mem>>
      %dma_start3A_34 = arith.constant 0 : i32
      %dma_start3A_35 = tpu.memref_slice %arg4[%mul3A_2, %dma_start3A_34] : memref<10240x128xf32, #tpu.memory_space<hbm>> -> memref<320x128xf32, #tpu.memory_space<hbm>>
      %dma_start3A_36 = arith.constant 0 : i32
      %dma_start3A_37 = tpu.memref_slice %arg4[%mul3A_2, %dma_start3A_36] : memref<10240x128xf32, #tpu.memory_space<hbm>> -> memref<320x128xf32, #tpu.memory_space<hbm>>
      tpu.enqueue_dma source(%arg6 : memref<320x128xf32, #tpu.memory_space<vmem>>) target(%dma_start3A_37 : memref<320x128xf32, #tpu.memory_space<hbm>>) target_semaphore(%run_scoped3A : memref<!tpu.dma_semaphore, #tpu.memory_space<semaphore_mem>>)
      %dma_wait3A_38 = arith.constant 0 : i32
      %dma_wait3A_39 = tpu.memref_slice %arg4[%mul3A_2, %dma_wait3A_38] : memref<10240x128xf32, #tpu.memory_space<hbm>> -> memref<320x128xf32, #tpu.memory_space<hbm>>
      %dma_wait3A_40 = arith.constant 0 : i32
      %dma_wait3A_41 = tpu.memref_slice %arg4[%mul3A_2, %dma_wait3A_40] : memref<10240x128xf32, #tpu.memory_space<hbm>> -> memref<320x128xf32, #tpu.memory_space<hbm>>
      tpu.wait_dma2 semaphore(%run_scoped3A : memref<!tpu.dma_semaphore, #tpu.memory_space<semaphore_mem>>) src(%arg6 : memref<320x128xf32, #tpu.memory_space<vmem>>) dst(%dma_wait3A_41 : memref<320x128xf32, #tpu.memory_space<hbm>>)
      tpu.yield
    }) : () -> ()
    return
  }
}

module attributes {stable_mosaic.version = 14 : i64} {
  func.func @_bond_featurize_body(%arg0: i32, %arg1: memref<1024x144xf32, #tpu.memory_space<vmem>>, %arg2: memref<144x128xf32, #tpu.memory_space<vmem>>, %arg3: memref<1024x128xf32, #tpu.memory_space<vmem>>, %arg4: memref<1024x128xf32, #tpu.memory_space<vmem>>) attributes {dimension_semantics = [#tpu.dimension_semantics<arbitrary>], iteration_bounds = array<i64: 625>, scalar_prefetch = 0 : i64, scratch_operands = 0 : i64, tpu.core_type = #tpu.core_type<tc>, window_params = [{transform_indices = @transform_0, window_bounds = array<i64: 1024, 144>}, {pipeline_mode = #tpu.pipeline_mode<synchronous>, transform_indices = @transform_1, window_bounds = array<i64: 144, 128>}, {transform_indices = @transform_2, window_bounds = array<i64: 1024, 128>}, {transform_indices = @transform_3, window_bounds = array<i64: 1024, 128>}]} {
    %get3A = arith.constant 0 : index
    %get3A_0 = arith.constant 0 : index
    %get3A_1 = vector.load %arg1[%get3A, %get3A_0] : memref<1024x144xf32, #tpu.memory_space<vmem>>, vector<1024x144xf32>
    %get3A_2 = arith.constant 0 : index
    %get3A_3 = arith.constant 0 : index
    %get3A_4 = vector.load %arg2[%get3A_2, %get3A_3] : memref<144x128xf32, #tpu.memory_space<vmem>>, vector<144x128xf32>
    %dot_general3A = arith.constant dense<0.000000e+00> : vector<1024x128xf32>
    %dot_general3A_5 = tpu.matmul %get3A_1, %get3A_4, %dot_general3A {dimension_numbers = #tpu.dot_dimension_numbers<[1], [0], [0], [1], [0, 0, 1, 1], [], []>, transpose_lhs_hint = false} : vector<1024x144xf32>, vector<144x128xf32>, vector<1024x128xf32> -> vector<1024x128xf32>
    %swap3A = arith.constant 0 : index
    %swap3A_6 = arith.constant 0 : index
    %swap3A_7 = vector.load %arg3[%swap3A, %swap3A_6] : memref<1024x128xf32, #tpu.memory_space<vmem>>, vector<1024x128xf32>
    tpu.vector_store %arg3[%swap3A, %swap3A_6], %dot_general3A_5 {strides = array<i32>} : memref<1024x128xf32, #tpu.memory_space<vmem>>, vector<1024x128xf32>,
    %max3A = arith.constant 0.000000e+00 : f32
    %max3A_8 = vector.broadcast %max3A : f32 to vector<1024x128xf32>
    %max3A_9 = arith.maximumf %dot_general3A_5, %max3A_8 : vector<1024x128xf32>
    %swap3A_10 = arith.constant 0 : index
    %swap3A_11 = arith.constant 0 : index
    %swap3A_12 = vector.load %arg4[%swap3A_10, %swap3A_11] : memref<1024x128xf32, #tpu.memory_space<vmem>>, vector<1024x128xf32>
    tpu.vector_store %arg4[%swap3A_10, %swap3A_11], %max3A_9 {strides = array<i32>} : memref<1024x128xf32, #tpu.memory_space<vmem>>, vector<1024x128xf32>,
    return
  }
  func.func @transform_0(%arg0: i32) -> (i32, i32) {
    %c0_i32 = arith.constant 0 : i32
    %c0_i32_0 = arith.constant 0 : i32
    return %arg0, %c0_i32 : i32, i32
  }
  func.func @transform_1(%arg0: i32) -> (i32, i32) {
    %c0_i32 = arith.constant 0 : i32
    %c0_i32_0 = arith.constant 0 : i32
    %c0_i32_1 = arith.constant 0 : i32
    return %c0_i32, %c0_i32_0 : i32, i32
  }
  func.func @transform_2(%arg0: i32) -> (i32, i32) {
    %c0_i32 = arith.constant 0 : i32
    %c0_i32_0 = arith.constant 0 : i32
    return %arg0, %c0_i32 : i32, i32
  }
  func.func @transform_3(%arg0: i32) -> (i32, i32) {
    %c0_i32 = arith.constant 0 : i32
    %c0_i32_0 = arith.constant 0 : i32
    return %arg0, %c0_i32 : i32, i32
  }
}

module attributes {stable_mosaic.version = 14 : i64} {
  func.func @_matmul_body(%arg0: i32, %arg1: memref<1024x128xf32, #tpu.memory_space<vmem>>, %arg2: memref<128x128xf32, #tpu.memory_space<vmem>>, %arg3: memref<1024x128xf32, #tpu.memory_space<vmem>>) attributes {dimension_semantics = [#tpu.dimension_semantics<arbitrary>], iteration_bounds = array<i64: 625>, scalar_prefetch = 0 : i64, scratch_operands = 0 : i64, tpu.core_type = #tpu.core_type<tc>, window_params = [{transform_indices = @transform_0, window_bounds = array<i64: 1024, 128>}, {pipeline_mode = #tpu.pipeline_mode<synchronous>, transform_indices = @transform_1, window_bounds = array<i64: 128, 128>}, {transform_indices = @transform_2, window_bounds = array<i64: 1024, 128>}]} {
    %get3A = arith.constant 0 : index
    %get3A_0 = arith.constant 0 : index
    %get3A_1 = vector.load %arg1[%get3A, %get3A_0] : memref<1024x128xf32, #tpu.memory_space<vmem>>, vector<1024x128xf32>
    %get3A_2 = arith.constant 0 : index
    %get3A_3 = arith.constant 0 : index
    %get3A_4 = vector.load %arg2[%get3A_2, %get3A_3] : memref<128x128xf32, #tpu.memory_space<vmem>>, vector<128x128xf32>
    %dot_general3A = arith.constant dense<0.000000e+00> : vector<1024x128xf32>
    %dot_general3A_5 = tpu.matmul %get3A_1, %get3A_4, %dot_general3A {dimension_numbers = #tpu.dot_dimension_numbers<[1], [0], [0], [1], [0, 0, 1, 1], [], []>, transpose_lhs_hint = false} : vector<1024x128xf32>, vector<128x128xf32>, vector<1024x128xf32> -> vector<1024x128xf32>
    %mul3A = arith.constant -1.000000e+00 : f32
    %mul3A_6 = vector.broadcast %mul3A : f32 to vector<1024x128xf32>
    %mul3A_7 = arith.mulf %mul3A_6, %dot_general3A_5 : vector<1024x128xf32>
    %swap3A = arith.constant 0 : index
    %swap3A_8 = arith.constant 0 : index
    %swap3A_9 = vector.load %arg3[%swap3A, %swap3A_8] : memref<1024x128xf32, #tpu.memory_space<vmem>>, vector<1024x128xf32>
    tpu.vector_store %arg3[%swap3A, %swap3A_8], %mul3A_7 {strides = array<i32>} : memref<1024x128xf32, #tpu.memory_space<vmem>>, vector<1024x128xf32>,
    return
  }
  func.func @transform_0(%arg0: i32) -> (i32, i32) {
    %c0_i32 = arith.constant 0 : i32
    %c0_i32_0 = arith.constant 0 : i32
    return %arg0, %c0_i32 : i32, i32
  }
  func.func @transform_1(%arg0: i32) -> (i32, i32) {
    %c0_i32 = arith.constant 0 : i32
    %c0_i32_0 = arith.constant 0 : i32
    %c0_i32_1 = arith.constant 0 : i32
    return %c0_i32, %c0_i32_0 : i32, i32
  }
  func.func @transform_2(%arg0: i32) -> (i32, i32) {
    %c0_i32 = arith.constant 0 : i32
    %c0_i32_0 = arith.constant 0 : i32
    return %arg0, %c0_i32 : i32, i32
  }
}

module attributes {stable_mosaic.version = 14 : i64} {
  func.func @_matmul_body(%arg0: i32, %arg1: memref<1024x128xf32, #tpu.memory_space<vmem>>, %arg2: memref<128x128xf32, #tpu.memory_space<vmem>>, %arg3: memref<1024x128xf32, #tpu.memory_space<vmem>>) attributes {dimension_semantics = [#tpu.dimension_semantics<arbitrary>], iteration_bounds = array<i64: 10>, scalar_prefetch = 0 : i64, scratch_operands = 0 : i64, tpu.core_type = #tpu.core_type<tc>, window_params = [{transform_indices = @transform_0, window_bounds = array<i64: 1024, 128>}, {pipeline_mode = #tpu.pipeline_mode<synchronous>, transform_indices = @transform_1, window_bounds = array<i64: 128, 128>}, {transform_indices = @transform_2, window_bounds = array<i64: 1024, 128>}]} {
    %get3A = arith.constant 0 : index
    %get3A_0 = arith.constant 0 : index
    %get3A_1 = vector.load %arg1[%get3A, %get3A_0] : memref<1024x128xf32, #tpu.memory_space<vmem>>, vector<1024x128xf32>
    %get3A_2 = arith.constant 0 : index
    %get3A_3 = arith.constant 0 : index
    %get3A_4 = vector.load %arg2[%get3A_2, %get3A_3] : memref<128x128xf32, #tpu.memory_space<vmem>>, vector<128x128xf32>
    %dot_general3A = arith.constant dense<0.000000e+00> : vector<1024x128xf32>
    %dot_general3A_5 = tpu.matmul %get3A_1, %get3A_4, %dot_general3A {dimension_numbers = #tpu.dot_dimension_numbers<[1], [0], [0], [1], [0, 0, 1, 1], [], []>, transpose_lhs_hint = false} : vector<1024x128xf32>, vector<128x128xf32>, vector<1024x128xf32> -> vector<1024x128xf32>
    %mul3A = arith.constant 1.000000e+00 : f32
    %mul3A_6 = vector.broadcast %mul3A : f32 to vector<1024x128xf32>
    %mul3A_7 = arith.mulf %mul3A_6, %dot_general3A_5 : vector<1024x128xf32>
    %swap3A = arith.constant 0 : index
    %swap3A_8 = arith.constant 0 : index
    %swap3A_9 = vector.load %arg3[%swap3A, %swap3A_8] : memref<1024x128xf32, #tpu.memory_space<vmem>>, vector<1024x128xf32>
    tpu.vector_store %arg3[%swap3A, %swap3A_8], %mul3A_7 {strides = array<i32>} : memref<1024x128xf32, #tpu.memory_space<vmem>>, vector<1024x128xf32>,
    return
  }
  func.func @transform_0(%arg0: i32) -> (i32, i32) {
    %c0_i32 = arith.constant 0 : i32
    %c0_i32_0 = arith.constant 0 : i32
    return %arg0, %c0_i32 : i32, i32
  }
  func.func @transform_1(%arg0: i32) -> (i32, i32) {
    %c0_i32 = arith.constant 0 : i32
    %c0_i32_0 = arith.constant 0 : i32
    %c0_i32_1 = arith.constant 0 : i32
    return %c0_i32, %c0_i32_0 : i32, i32
  }
  func.func @transform_2(%arg0: i32) -> (i32, i32) {
    %c0_i32 = arith.constant 0 : i32
    %c0_i32_0 = arith.constant 0 : i32
    return %arg0, %c0_i32 : i32, i32
  }
}

module attributes {stable_mosaic.version = 14 : i64} {
  func.func @_readout_body(%arg0: i32, %arg1: memref<1000x128xf32, #tpu.memory_space<vmem>>, %arg2: memref<1000x128xf32, #tpu.memory_space<vmem>>, %arg3: memref<1x1x1000xi32, #tpu.memory_space<vmem>>, %arg4: memref<128x128xf32, #tpu.memory_space<vmem>>, %arg5: memref<128x128xf32, #tpu.memory_space<vmem>>, %arg6: memref<1x128xf32, #tpu.memory_space<vmem>>, %arg7: memref<100x128xf32, #tpu.memory_space<vmem>>, %arg8: memref<100x1xf32, #tpu.memory_space<vmem>>) attributes {dimension_semantics = [#tpu.dimension_semantics<arbitrary>], iteration_bounds = array<i64: 10>, scalar_prefetch = 0 : i64, scratch_operands = 0 : i64, tpu.core_type = #tpu.core_type<tc>, window_params = [{transform_indices = @transform_0, window_bounds = array<i64: 1000, 128>}, {transform_indices = @transform_1, window_bounds = array<i64: 1000, 128>}, {transform_indices = @transform_2, window_bounds = array<i64: 1, 1, 1000>}, {pipeline_mode = #tpu.pipeline_mode<synchronous>, transform_indices = @transform_3, window_bounds = array<i64: 128, 128>}, {pipeline_mode = #tpu.pipeline_mode<synchronous>, transform_indices = @transform_4, window_bounds = array<i64: 128, 128>}, {pipeline_mode = #tpu.pipeline_mode<synchronous>, transform_indices = @transform_5, window_bounds = array<i64: 1, 128>}, {pipeline_mode = #tpu.pipeline_mode<synchronous>, transform_indices = @transform_6, window_bounds = array<i64: 100, 128>}, {pipeline_mode = #tpu.pipeline_mode<synchronous>, transform_indices = @transform_7, window_bounds = array<i64: 100, 1>}]} {
    %eq3A = arith.constant 0 : i32
    %eq3A_0 = arith.cmpi eq, %arg0, %eq3A : i32
    %convert_element_type3A = arith.extui %eq3A_0 : i1 to i32
    %cond3A = arith.constant 0 : i32
    %cond3A_1 = arith.cmpi ne, %convert_element_type3A, %cond3A : i32
    scf.if %cond3A_1 {
      %broadcast_in_dim3A_54 = arith.constant 0.000000e+00 : f32
      %broadcast_in_dim3A_55 = vector.broadcast %broadcast_in_dim3A_54 : f32 to vector<100x128xf32>
      %swap3A_56 = arith.constant 0 : index
      %swap3A_57 = arith.constant 0 : index
      %swap3A_58 = vector.load %arg7[%swap3A_56, %swap3A_57] : memref<100x128xf32, #tpu.memory_space<vmem>>, vector<100x128xf32>
      tpu.vector_store %arg7[%swap3A_56, %swap3A_57], %broadcast_in_dim3A_55 {strides = array<i32>} : memref<100x128xf32, #tpu.memory_space<vmem>>, vector<100x128xf32>,
      %broadcast_in_dim3A_59 = arith.constant 0.000000e+00 : f32
      %broadcast_in_dim3A_60 = vector.broadcast %broadcast_in_dim3A_59 : f32 to vector<100x1xf32>
      %swap3A_61 = arith.constant 0 : index
      %swap3A_62 = arith.constant 0 : index
      %swap3A_63 = vector.load %arg8[%swap3A_61, %swap3A_62] : memref<100x1xf32, #tpu.memory_space<vmem>>, vector<100x1xf32>
      tpu.vector_store %arg8[%swap3A_61, %swap3A_62], %broadcast_in_dim3A_60 {strides = array<i32>} : memref<100x1xf32, #tpu.memory_space<vmem>>, vector<100x1xf32>,
    } else {
    }
    %get3A = arith.constant 0 : index
    %get3A_2 = arith.constant 0 : index
    %get3A_3 = vector.load %arg1[%get3A, %get3A_2] : memref<1000x128xf32, #tpu.memory_space<vmem>>, vector<1000x128xf32>
    %get3A_4 = arith.constant 0 : index
    %get3A_5 = arith.constant 0 : index
    %get3A_6 = vector.load %arg4[%get3A_4, %get3A_5] : memref<128x128xf32, #tpu.memory_space<vmem>>, vector<128x128xf32>
    %dot_general3A = arith.constant dense<0.000000e+00> : vector<1000x128xf32>
    %dot_general3A_7 = tpu.matmul %get3A_3, %get3A_6, %dot_general3A {dimension_numbers = #tpu.dot_dimension_numbers<[1], [0], [0], [1], [0, 0, 1, 1], [], []>, transpose_lhs_hint = false} : vector<1000x128xf32>, vector<128x128xf32>, vector<1000x128xf32> -> vector<1000x128xf32>
    %get3A_8 = arith.constant 0 : index
    %get3A_9 = arith.constant 0 : index
    %get3A_10 = vector.load %arg2[%get3A_8, %get3A_9] : memref<1000x128xf32, #tpu.memory_space<vmem>>, vector<1000x128xf32>
    %get3A_11 = arith.constant 0 : index
    %get3A_12 = arith.constant 0 : index
    %get3A_13 = vector.load %arg5[%get3A_11, %get3A_12] : memref<128x128xf32, #tpu.memory_space<vmem>>, vector<128x128xf32>
    %dot_general3A_14 = arith.constant dense<0.000000e+00> : vector<1000x128xf32>
    %dot_general3A_15 = tpu.matmul %get3A_10, %get3A_13, %dot_general3A_14 {dimension_numbers = #tpu.dot_dimension_numbers<[1], [0], [0], [1], [0, 0, 1, 1], [], []>, transpose_lhs_hint = false} : vector<1000x128xf32>, vector<128x128xf32>, vector<1000x128xf32> -> vector<1000x128xf32>
    %add3A = arith.addf %dot_general3A_7, %dot_general3A_15 : vector<1000x128xf32>
    %get3A_16 = arith.constant 0 : index
    %get3A_17 = arith.constant 0 : index
    %get3A_18 = vector.load %arg6[%get3A_16, %get3A_17] : memref<1x128xf32, #tpu.memory_space<vmem>>, vector<1x128xf32>
    %add3A_19 = vector.broadcast %get3A_18 : vector<1x128xf32> to vector<1000x128xf32>
    %add3A_20 = arith.addf %add3A, %add3A_19 : vector<1000x128xf32>
    %max3A = arith.constant 0.000000e+00 : f32
    %max3A_21 = vector.broadcast %max3A : f32 to vector<1000x128xf32>
    %max3A_22 = arith.maximumf %add3A_20, %max3A_21 : vector<1000x128xf32>
    %get3A_23 = arith.constant 0 : index
    %get3A_24 = arith.constant 0 : index
    %get3A_25 = arith.constant 0 : index
    %get3A_26 = vector.load %arg3[%get3A_23, %get3A_24, %get3A_25] : memref<1x1x1000xi32, #tpu.memory_space<vmem>>, vector<1x1x1000xi32>
    %get3A_27 = vector.shape_cast %get3A_26 : vector<1x1x1000xi32> to vector<1000xi32>
    %iota3A = tpu.iota {dimensions = array<i32: 0>} : vector<100x1000xi32>
    %broadcast_in_dim3A = vector.shape_cast %get3A_27 : vector<1000xi32> to vector<1x1000xi32>
    %eq3A_28 = vector.broadcast %broadcast_in_dim3A : vector<1x1000xi32> to vector<100x1000xi32>
    %eq3A_29 = arith.cmpi eq, %iota3A, %eq3A_28 : vector<100x1000xi32>
    %convert_element_type3A_30 = arith.extui %eq3A_29 : vector<100x1000xi1> to vector<100x1000xi32>
    %convert_element_type3A_31 = arith.sitofp %convert_element_type3A_30 : vector<100x1000xi32> to vector<100x1000xf32>
    %get3A_32 = arith.constant 0 : index
    %get3A_33 = arith.constant 0 : index
    %get3A_34 = vector.load %arg7[%get3A_32, %get3A_33] : memref<100x128xf32, #tpu.memory_space<vmem>>, vector<100x128xf32>
    %dot_general3A_35 = arith.constant dense<0.000000e+00> : vector<100x128xf32>
    %dot_general3A_36 = tpu.matmul %convert_element_type3A_31, %max3A_22, %dot_general3A_35 {dimension_numbers = #tpu.dot_dimension_numbers<[1], [0], [0], [1], [0, 0, 1, 1], [], []>, transpose_lhs_hint = false} : vector<100x1000xf32>, vector<1000x128xf32>, vector<100x128xf32> -> vector<100x128xf32>
    %add3A_37 = arith.addf %get3A_34, %dot_general3A_36 : vector<100x128xf32>
    %swap3A = arith.constant 0 : index
    %swap3A_38 = arith.constant 0 : index
    %swap3A_39 = vector.load %arg7[%swap3A, %swap3A_38] : memref<100x128xf32, #tpu.memory_space<vmem>>, vector<100x128xf32>
    tpu.vector_store %arg7[%swap3A, %swap3A_38], %add3A_37 {strides = array<i32>} : memref<100x128xf32, #tpu.memory_space<vmem>>, vector<100x128xf32>,
    %get3A_40 = arith.constant 0 : index
    %get3A_41 = arith.constant 0 : index
    %get3A_42 = vector.load %arg8[%get3A_40, %get3A_41] : memref<100x1xf32, #tpu.memory_space<vmem>>, vector<100x1xf32>
    %reduce_sum3A = arith.constant dense<0.000000e+00> : vector<100xf32>
    %reduce_sum3A_43 = vector.multi_reduction <add>, %convert_element_type3A_31, %reduce_sum3A [1] : vector<100x1000xf32> to vector<100xf32>
    %broadcast_in_dim3A_44 = vector.shape_cast %reduce_sum3A_43 : vector<100xf32> to vector<100x1xf32>
    %add3A_45 = arith.addf %get3A_42, %broadcast_in_dim3A_44 : vector<100x1xf32>
    %swap3A_46 = arith.constant 0 : index
    %swap3A_47 = arith.constant 0 : index
    %swap3A_48 = vector.load %arg8[%swap3A_46, %swap3A_47] : memref<100x1xf32, #tpu.memory_space<vmem>>, vector<100x1xf32>
    tpu.vector_store %arg8[%swap3A_46, %swap3A_47], %add3A_45 {strides = array<i32>} : memref<100x1xf32, #tpu.memory_space<vmem>>, vector<100x1xf32>,
    %eq3A_49 = arith.constant 9 : i32
    %eq3A_50 = arith.cmpi eq, %arg0, %eq3A_49 : i32
    %convert_element_type3A_51 = arith.extui %eq3A_50 : i1 to i32
    %cond3A_52 = arith.constant 0 : i32
    %cond3A_53 = arith.cmpi ne, %convert_element_type3A_51, %cond3A_52 : i32
    scf.if %cond3A_53 {
      %get3A_54 = arith.constant 0 : index
      %get3A_55 = arith.constant 0 : index
      %get3A_56 = vector.load %arg7[%get3A_54, %get3A_55] : memref<100x128xf32, #tpu.memory_space<vmem>>, vector<100x128xf32>
      %get3A_57 = arith.constant 0 : index
      %get3A_58 = arith.constant 0 : index
      %get3A_59 = vector.load %arg8[%get3A_57, %get3A_58] : memref<100x1xf32, #tpu.memory_space<vmem>>, vector<100x1xf32>
      %max3A_60 = arith.constant 1.000000e+00 : f32
      %max3A_61 = vector.broadcast %max3A_60 : f32 to vector<100x1xf32>
      %max3A_62 = arith.maximumf %get3A_59, %max3A_61 : vector<100x1xf32>
      %div3A = vector.broadcast %max3A_62 : vector<100x1xf32> to vector<100x128xf32>
      %div3A_63 = arith.divf %get3A_56, %div3A : vector<100x128xf32>
      %swap3A_64 = arith.constant 0 : index
      %swap3A_65 = arith.constant 0 : index
      %swap3A_66 = vector.load %arg7[%swap3A_64, %swap3A_65] : memref<100x128xf32, #tpu.memory_space<vmem>>, vector<100x128xf32>
      tpu.vector_store %arg7[%swap3A_64, %swap3A_65], %div3A_63 {strides = array<i32>} : memref<100x128xf32, #tpu.memory_space<vmem>>, vector<100x128xf32>,
    } else {
    }
    return
  }
  func.func @transform_0(%arg0: i32) -> (i32, i32) {
    %c0_i32 = arith.constant 0 : i32
    %c0_i32_0 = arith.constant 0 : i32
    return %arg0, %c0_i32 : i32, i32
  }
  func.func @transform_1(%arg0: i32) -> (i32, i32) {
    %c0_i32 = arith.constant 0 : i32
    %c0_i32_0 = arith.constant 0 : i32
    return %arg0, %c0_i32 : i32, i32
  }
  func.func @transform_2(%arg0: i32) -> (i32, i32, i32) {
    %c0_i32 = arith.constant 0 : i32
    %c0_i32_0 = arith.constant 0 : i32
    %c0_i32_1 = arith.constant 0 : i32
    return %arg0, %c0_i32, %c0_i32_0 : i32, i32, i32
  }
  func.func @transform_3(%arg0: i32) -> (i32, i32) {
    %c0_i32 = arith.constant 0 : i32
    %c0_i32_0 = arith.constant 0 : i32
    %c0_i32_1 = arith.constant 0 : i32
    return %c0_i32, %c0_i32_0 : i32, i32
  }
  func.func @transform_4(%arg0: i32) -> (i32, i32) {
    %c0_i32 = arith.constant 0 : i32
    %c0_i32_0 = arith.constant 0 : i32
    %c0_i32_1 = arith.constant 0 : i32
    return %c0_i32, %c0_i32_0 : i32, i32
  }
  func.func @transform_5(%arg0: i32) -> (i32, i32) {
    %c0_i32 = arith.constant 0 : i32
    %c0_i32_0 = arith.constant 0 : i32
    %c0_i32_1 = arith.constant 0 : i32
    return %c0_i32, %c0_i32_0 : i32, i32
  }
  func.func @transform_6(%arg0: i32) -> (i32, i32) {
    %c0_i32 = arith.constant 0 : i32
    %c0_i32_0 = arith.constant 0 : i32
    %c0_i32_1 = arith.constant 0 : i32
    return %c0_i32, %c0_i32_0 : i32, i32
  }
  func.func @transform_7(%arg0: i32) -> (i32, i32) {
    %c0_i32 = arith.constant 0 : i32
    %c0_i32_0 = arith.constant 0 : i32
    %c0_i32_1 = arith.constant 0 : i32
    return %c0_i32, %c0_i32_0 : i32, i32
  }
}

</mosaic_0001>

<sc_bundles>
// kernel: kernel.13.cloned.1.call-start
scs
__scs_entry_jumppad:
0x0: {  	(pc) =	sbr.rel $0x88, $3  }
0x1: {  	(tag) =	ssettag $0x0;
	lr =	simm.s32 $0x1  }
0x2: {  	[smem:$0x3F97] =	sst lr;
	_ =	strace $0xD0000000  }
0x3: {  	_ = 	snop  }
0x4: {  	_ = 	snop  }
0x5: {  	_ = 	snop  }
0x6: {  	_ = 	snop  }
0x7: {  	_ = 	snop  }
__scs_overlays_trampoline_lowered:
0x8: {  	[smem:$0x3FA6] =	sst s0  }
0x9: {  	[smem:$0x3FA7] =	sst s1  }
0xa: {  	[smem:$0x3FA8] =	sst s2  }
0xb: {  	[smem:$0x3FA9] =	sst s3  }
0xc: {  	[smem:$0x3FAA] =	sst s4  }
0xd: {  	[smem:$0x3FAB] =	sst s5  }
0xe: {  	[smem:$0x3FAC] =	sst s6  }
0xf: {  	[smem:$0x3FAD] =	sst s7  }
0x10: {  	[smem:$0x3FAE] =	sst s8  }
0x11: {  	[smem:$0x3FAF] =	sst s9;
	s0 =	simm.s32 @!p0 $0x0  }
0x12: {  	s1 =	sld [smem:$0x3F95];
	s0 =	simm.s32 @p0 $0x1  }
0x13: {  	[smem:$0x3FB0] =	sst s0;
	s0 =	simm.s32 @!p1 $0x0  }
0x14: {  	s2 =	sld [smem:$0x3F94];
	s0 =	simm.s32 @p1 $0x1  }
0x15: {  	[smem:$0x3FB1] =	sst s0;
	s0 =	simm.s32 @!p2 $0x0  }
0x16: {  	s3 =	sld [smem:$0x3FDB];
	s0 =	simm.s32 @p2 $0x1  }
0x17: {  	s4 =	simm.s32 $0x1BF5;
	[smem:$0x3FB3] =	sst s0  }
0x18: {  	s0 =	sld [smem:$0x3F96];
	_ =	swait.ge [sflag:s4], $0x0  }
0x19: {  	s7 =	sld [smem:$0x3F97]  }
0x1a: {  	s8 =	sadd.s32 $0xFFFFE003, lr  }
0x1b: {  	s9 =	sadd.s32 $0xFFFFFEF7, lr;
	s5 =	simm.s32 $0xFFFFFFFF;
	p2 =	slt.u32 s8, $0xFFFFF086  }
0x1c: {  	p1 =	slt.u32 s9, $0xF7A;
	s5 =	simm.s32 @!p2 $0x0  }
0x1d: {  	s5 =	simm.s32 @p1 $0x1;
	p0 =	seq.s32 s7, s2  }
0x1e: {  	s7 =	smul.u32 @!p0 $0xF7A, s2;
	p2 =	seq.s32 @!p0 s5, $0x0  }
0x1f: {  	s9 =	smul.u32 $0xF7A, s1;
	s8 =	simm.s32 @!p0 $0x1BF5;
	p2 =	por !p2, p0  }
0x20: {  	[sflag:s8] =	ssyncset.s32 @!p0 $0xFFFFF086;
	s6 =	sadd.s32 @!p0 s3, s7;
	s7 =	simm.s32 @!p0 $0x108  }
0x21: {  	s3 =	sadd.s32 s3, s9;
	s6 =	sadd.s32 @!p0 $0x88, s6;
	s7 =	simm.s32 @p2 $0x1082  }
0x22: {  	[simem:s7], [sflag:s8] =	dma.local @!p0 [hbm:s6], $0xF7A  }
0x23: {  	s9 =	sor.u32 $0xD0000000, s2;
	s6 =	simm.s32 $0x108;
	_ =	swait.ge @!p0 [sflag:s8], $0x0  }
0x24: {  	s3 =	sadd.s32 $0x88, s3;
	s6 =	simm.s32 @!p1 $0x1082;
	[sflag:s4] =	ssyncset.s32 $0xFFFFF086  }
0x25: {  	[simem:s6], [sflag:s4] =	dma.local [hbm:s3], $0xF7A  }
0x26: {  	[smem:$0x3F97] =	sst s1;
	(tag) =	ssettag s2;
	_ =	strace s9  }
0x27: {  	s1 =	sld [smem:$0x3FA7]  }
0x28: {  	s2 =	sld [smem:$0x3FA8]  }
0x29: {  	s4 =	sld [smem:$0x3FAA]  }
0x2a: {  	p0 =	seq.s32 s5, $0x0;
	s5 =	sld [smem:$0x3FAB]  }
0x2b: {  	s6 =	sld [smem:$0x3FAC]  }
0x2c: {  	s7 =	sld [smem:$0x3FAD]  }
0x2d: {  	s3 =	simm.s32 $0x108;
	s8 =	sld [smem:$0x3FAE]  }
0x2e: {  	s3 =	simm.s32 @!p0 $0x1082;
	s9 =	sld [smem:$0x3FAF]  }
0x2f: {  	lr =	sadd.s32 s0, s3;
	s0 =	sld [smem:$0x3FA6]  }
0x30: {  	s3 =	sld [smem:$0x3FA9]  }
0x31: {  	[smem:$0x3FB2] =	sst s10  }
0x32: {  	s10 =	sld [smem:$0x3FB0];
	_ =	sdelay $0x3  }
0x33: {  	p0 =	seq.s32 s10, $0x1;
	s10 =	sld [smem:$0x3FB2];
	_ =	sdelay $0x3  }
0x34: {  	[smem:$0x3FB2] =	sst s10  }
0x35: {  	s10 =	sld [smem:$0x3FB1];
	_ =	sdelay $0x3  }
0x36: {  	p1 =	seq.s32 s10, $0x1;
	s10 =	sld [smem:$0x3FB2];
	_ =	sdelay $0x3  }
0x37: {  	[smem:$0x3FB2] =	sst s10  }
0x38: {  	s10 =	sld [smem:$0x3FB3]  }
0x39: {  	_ = 	snop;
	(pc) =	sbr.ind lr, $3  }
0x3a: {  	_ = 	snop  }
0x3b: {  	_ = 	snop  }
0x3c: {  	p2 =	seq.s32 s10, $0x1;
	s10 =	sld [smem:$0x3FB2]  }
0x3d: {  	_ =	shalt  }
0x3e: {  	_ =	shalt  }
0x3f: {  	_ =	shalt  }
0x40: {  	_ =	shalt  }
0x41: {  	_ =	shalt  }
0x42: {  	_ =	shalt  }
0x43: {  	_ =	shalt  }
0x44: {  	_ =	shalt  }
0x45: {  	_ =	shalt  }
0x46: {  	_ =	shalt  }
0x47: {  	_ =	shalt  }
0x48: {  	_ =	shalt  }
0x49: {  	_ =	shalt  }
0x4a: {  	_ =	shalt  }
0x4b: {  	_ =	shalt  }
0x4c: {  	_ =	shalt  }
0x4d: {  	_ =	shalt  }
0x4e: {  	_ =	shalt  }
0x4f: {  	_ =	shalt  }
0x50: {  	_ =	shalt  }
0x51: {  	_ =	shalt  }
0x52: {  	_ =	shalt  }
0x53: {  	_ =	shalt  }
0x54: {  	_ =	shalt  }
0x55: {  	_ =	shalt  }
0x56: {  	_ =	shalt  }
0x57: {  	_ =	shalt  }
0x58: {  	_ =	shalt  }
0x59: {  	_ =	shalt  }
0x5a: {  	_ =	shalt  }
0x5b: {  	_ =	shalt  }
0x5c: {  	_ =	shalt  }
0x5d: {  	_ =	shalt  }
0x5e: {  	_ =	shalt  }
0x5f: {  	_ =	shalt  }
0x60: {  	_ =	shalt  }
0x61: {  	_ =	shalt  }
0x62: {  	_ =	shalt  }
0x63: {  	_ =	shalt  }
0x64: {  	_ =	shalt  }
0x65: {  	_ =	shalt  }
0x66: {  	_ =	shalt  }
0x67: {  	_ =	shalt  }
0x68: {  	_ =	shalt  }
0x69: {  	_ =	shalt  }
0x6a: {  	_ =	shalt  }
0x6b: {  	_ =	shalt  }
0x6c: {  	_ =	shalt  }
0x6d: {  	_ =	shalt  }
0x6e: {  	_ =	shalt  }
0x6f: {  	_ =	shalt  }
0x70: {  	_ =	shalt  }
0x71: {  	_ =	shalt  }
0x72: {  	_ =	shalt  }
0x73: {  	_ =	shalt  }
0x74: {  	_ =	shalt  }
0x75: {  	_ =	shalt  }
0x76: {  	_ =	shalt  }
0x77: {  	_ =	shalt  }
0x78: {  	_ =	shalt  }
0x79: {  	_ =	shalt  }
0x7a: {  	_ =	shalt  }
0x7b: {  	_ =	shalt  }
0x7c: {  	_ =	shalt  }
0x7d: {  	_ =	shalt  }
0x7e: {  	_ =	shalt  }
0x7f: {  	_ =	shalt  }
0x80: {  	_ =	shalt  }
0x81: {  	_ =	shalt  }
0x82: {  	_ =	shalt  }
0x83: {  	_ =	shalt  }
0x84: {  	_ =	shalt  }
0x85: {  	_ =	shalt  }
0x86: {  	_ =	shalt  }
0x87: {  	_ =	shalt  }
.Lfunc_end0:
.L_simem_size_0:
called_computation_lowered:
.L_overlay_start_0:
0x88: {  	s2 =	sld [smem:$0x3FD9]  }
0x89: {  	s3 =	sld [smem:$0x3FFE];
	_ =	sdelay $0x1  }
0x8a: {  	s1 =	srdreg.scid  }
0x8b: {  	s0 =	sand.u32 $0x1, s1  }
0x8c: {  	s16 =	sshll.u32 s0, $0xA;
	s2 =	sadd.s32 s3, s2  }
0x8d: {  	s2 =	sadd.s32 s2, s16  }
0x8e: {  	[smem:$0x3FBE] =	sst s2  }
0x8f: {  	_ = 	snop  }
0x90: {  	(tm) =	ssettm $0x1  }
0x91: {  	s17 =	sld [smem:$0x3FFB];
	_ =	sdelay $0x3  }
0x92: {  	_ =	strace s17  }
0x93: {  	s2 =	sld [smem:$0x3FFC];
	_ =	sdelay $0x3  }
0x94: {  	_ =	strace s2  }
0x95: {  	s2 =	sld [smem:$0x3FFD];
	_ =	sdelay $0x3  }
0x96: {  	_ =	strace s2  }
0x97: {  	_ =	strace $0x8FFFFFFF  }
0x98: {  	s18 =	sld [smem:$0x3FDB];
	_ =	sdelay $0x1  }
0x99: {  	s19 =	simm.s32 $_scs_section_size  }
0x9a: {  	s4 =	simm.s32 $_size__tile_overlayer_lowered;
	s5 =	simm.s32 $_tile_overlayer_lowered  }
0x9b: {  	s22 =	simm.s32 $0x1BFF;
	s21 =	sshll.u32 s5, $0x1;
	s2 =	sadd.s32 s19, s18  }
0x9c: {  	s6 =	simm.s32 $0x0;
	s20 =	sshll.u32 s4, $0x1;
	s4 =	sadd.s32 s21, s2  }
0x9d: {  	[timem:s6], [sflag:s22] =	dma.local [hbm:s4], s20  }
0x9e: {  	_ =	swait.ge [sflag:s22], s20  }
0x9f: {  	s3 =	ssub.s32 $0x0, s20;
	[sflag:s22] =	ssyncset.done $0x0  }
0xa0: {  	[sflag:s22] =	ssyncadd.s32 s3;
	_ =	sdelay $0x1  }
0xa1: {  	s23 =	simm.s32 $0x1B8B  }
0xa2: {  	_ =	swait.ge [sflag:s23], $0x1  }
0xa3: {  	[sflag:s23] =	ssyncset.done $0x0  }
0xa4: {  	s25 =	simm.s32 $0x1B8E;
	s24 =	sld [smem:$0x3FFE];
	[sflag:s23] =	ssyncadd.s32 $0xFFFFFFFF  }
0xa5: {  	s26 =	simm.s32 $execute0_lowered;
	[smem:$0x3FD2] =	sst s25  }
0xa6: {  	s4 =	sshll.u32 s26, $0x1;
	_ =	strace $0x80000046;
	[dreg:$0x1] =	wrdreg $0xFFFFFFFF  }
0xa7: {  	s28 =	simm.s32 $_size_execute0_lowered;
	s2 =	sadd.s32 s2, s4;
	[dreg:$0x0] =	wrdreg $0x0  }
0xa8: {  	s4 =	sshll.u32 s28, $0x1;
	[dreg:$0x2] =	wrdreg s2  }
0xa9: {  	[dreg:$0x3] =	wrdreg s4  }
0xaa: {  	[dreg:$0x4] =	wrdreg $0xC0  }
0xab: {  	_ =	task [dreg:s6], $0x5FFFF  }
0xac: {  	[dreg:$0x1] =	wrdreg $0xFFFFFFFF  }
0xad: {  	[dreg:$0x0] =	wrdreg $0x60  }
0xae: {  	[dreg:$0x2] =	wrdreg s24  }
0xaf: {  	[dreg:$0x3] =	wrdreg $0x9  }
0xb0: {  	_ =	task.clear_ibuf [dreg:s6], $0x4FFFF;
	_ =	strace $0x90000046  }
0xb1: {  	s29 =	simm.s32 $0x9;
	_ =	strace $0x80000048  }
0xb2: {  	_ =	swait.ge [sflag:s29], $0x1  }
0xb3: {  	[sflag:s29] =	ssyncadd.s32 $0xFFFFFFFF  }
0xb4: {  	_ =	strace $0x90000048  }
0xb5: {  	_ =	sfence  }
0xb6: {  	s30 =	sld [smem:$0x0];
	_ =	sdelay $0x2  }
0xb7: {  	s31 =	sshll.u32 s1, $0xD;
	s1 =	sshrl.u32 s1, $0x2  }
0xb8: {  	s3 =	sand.u32 $0x4000, s31;
	s1 =	sadd.s32 s1, s30  }
0xb9: {  	s0 =	sor.u32 s3, s0;
	s1 =	sshll.u32 s1, $0x11  }
0xba: {  	s0 =	sor.u32 s1, s0  }
0xbb: {  	s0 =	sadd.s32 $0x8F2B, s0  }
0xbc: {  	[sflag:s0] =	ssyncadd.remote.s32 $0x1  }
0xbd: {  	_ =	sfence.sel $0xFFFF  }
0xbe: {  	[dreg:$0x0] =	wrdreg $0xFFFFFFFF;
	(pc) =	sbr.abs _section_cstart, $3  }
0xbf: {  	[dreg:$0x1] =	wrdreg $0xFFFFFFFF  }
0xc0: {  	_ =	task.clear_ibuf [dreg:s6], $0x2FFFF;
	_ =	strace $0x9FFFFFFF  }
0xc1: {  	(tm) =	ssettm $0x7FFFFFFF  }
tec
execute0_lowered:
.L_overlay_start_1:
0x0: {  	(tag) =	ssettag $0x1  }
0x1: {  	s0 =	srdreg.scid  }
0x2: {  	s4 =	rddreg [dreg:$0x0];
	s1 =	stileid.u32;
	s3 =	sand.u32 $0x1, s0  }
0x3: {  	s2 =	simm.s32 $0x0;
	s9 =	simm.s32 $0x140;
	s5 =	sshll.u32 s3, $0x4  }
0x4: {  	s10 =	simm.s32 $0x0;
	s0 =	rddreg [dreg:$0x1];
	s5 =	sor.u32 s1, s5  }
0x5: {  	[smem:$0x7FF] =	sst s2;
	s7 =	ssub.s32 $0x2, s3;
	s6 =	smul.u32 $0xA00, s5  }
0x6: {  	_ =	strace $0x80000047;
	s8 =	sshrl.u32 s7, $0x1;
	s5 =	smul.u32 $0x1400, s5  }
0x7: {  	s3 =	sadd.s32 $0x139FC00, s4;
	s7 =	ssub.s32 s7, s8;
	s6 =	sadd.s32 s6, s4  }
0x8: {  	s8 =	simm.s32 $0x5000;
	s5 =	sadd.s32 s5, s4;
	s4 =	sadd.s32 $0x138BC00, s6  }
0x9: {  	s5 =	sadd.s32 $0x3C00, s5;
	s6 =	smax.u32 s7, $0x1;
	s7 =	simm.s32 $0x5  }
.LBB2_1:
0xa: {  	[tilespmem:s2], [sflag:$0x5] =	stream.linear.gather [hbm4b:s4+s2], $0x5000, $0x38;
	[tilespmem:$0xF000] =	vst v63  }
0xb: {  	_ =	swait.ge [sflag:s7], $0x5000  }
0xc: {  	[sflag:s7] =	ssyncset.done $0x0  }
0xd: {  	s11 =	simm.s32 $0x1;
	[sflag:s7] =	ssyncadd.s32 $0xFFFFB000  }
0xe: {  	[tilespmem:s8], [sflag:$0x1] =	stream.indirect.gather [hbm4b:s3+s9], $0x80, s2, s9, $0xb8;
	[tilespmem:$0xF000] =	vst v63  }
0xf: {  	_ =	swait.ge [sflag:s11], $0xA000  }
0x10: {  	s12 =	sand.u32 $0x3, s11;
	[sflag:s11] =	ssyncset.done $0x0  }
0x11: {  	s12 =	sadd.s32 $0x1, s12;
	[sflag:s11] =	ssyncadd.s32 $0xFFFF6000  }
0x12: {  	[tilespmem:s8], [sflag:s12] =	stream.indirect.gather.add.f32 [hbm:s3], $0x80, s9, s9, $0xb8;
	[tilespmem:$0xF000] =	vst v63  }
0x13: {  	s13 =	simm.s32 $0x140;
	s12 =	simm.s32 $0x2  }
.LBB2_2:
0x14: {  	p0 =	sne.s32 s12, $0x3F  }
.Ltmp0:
0x15: {  	_ = 	snop;
	(pc) =	sbr.rel @p0 .LBB2_2-.Ltmp0, $4  }
0x16: {  	_ = 	snop  }
0x17: {  	s14 =	sand.u32 $0x3, s12;
	s12 =	sadd.s32 $0x1, s12  }
0x18: {  	s13 =	sadd.s32 $0x140, s13;
	s14 =	sadd.s32 $0x1, s14  }
0x19: {  	[tilespmem:s8], [sflag:s14] =	stream.indirect.gather.add.f32 [hbm:s3], $0x80, s13, s9, $0xb8;
	[tilespmem:$0xF000] =	vst v63  }
0x1a: {  	s11 =	sand.u32 $0x3, s11  }
0x1b: {  	s12 =	sadd.s32 $0x1, s11  }
0x1c: {  	_ =	swait.ge [sflag:s12], $0xA000  }
0x1d: {  	s11 =	simm.s32 $0x2;
	[sflag:s12] =	ssyncset.done $0x0  }
.LBB2_4:
0x1e: {  	p0 =	sne.s32 s11, $0x3F  }
0x1f: {  	[sflag:s12] =	ssyncadd.s32 $0xFFFF6000;
	s12 =	smov.u32 s11;
	s11 =	sadd.s32 $0x1, s11  }
.Ltmp1:
0x20: {  	(pc) =	sbr.rel @p0 .LBB2_4-.Ltmp1, $4  }
0x21: {  	s12 =	sand.u32 $0x3, s12  }
0x22: {  	s12 =	sadd.s32 $0x1, s12  }
0x23: {  	_ =	swait.ge [sflag:s12], $0xA000  }
0x24: {  	[sflag:s12] =	ssyncset.done $0x0  }
0x25: {  	s10 =	sadd.s32 $0x1, s10  }
0x26: {  	p0 =	sne.s32 s10, s6  }
.Ltmp2:
0x27: {  	[sflag:s12] =	ssyncadd.s32 $0xFFFF6000;
	(pc) =	sbr.rel @p0 .LBB2_1-.Ltmp2, $4  }
0x28: {  	[hbm4b:s5+s2] =	stream.linear.scatter [tilespmem:s8], [sflag:$0x5], $0xA000, $0x38;
	[tilespmem:$0xF000] =	vst v63  }
0x29: {  	_ =	swait.ge [sflag:s7], $0xA000  }
0x2a: {  	[sflag:s7] =	ssyncset.done $0x0  }
0x2b: {  	[sflag:s7] =	ssyncadd.s32 $0xFFFF6000  }
0x2c: {  	_ =	sfence.sel $0x180000  }
0x2d: {  	[bflag:$0x0] =	sbarrier.arrive $0xFFFF  }
0x2e: {  	p0 =	sne.s32 s1, $0x0;
	_ =	strace $0x90000047  }
0x2f: {  	s0 =	sadd.s32 @!p0 $0x100000, s0;
	[bflag:$0x2] =	sbarrier.arrive $0xFFFF  }
0x30: {  	[sflag:s0] =	ssyncadd.tile.s32 @!p0 $0x1;
	_ =	shalt  }
.Lfunc_end2:
_tile_overlayer_lowered:
.L_overlay_start_2:
0x31: {  	(tag) =	ssettag $0x2  }
0x32: {  	s0 =	rddreg [dreg:$0x0];
	s2 =	stileid.u32  }
0x33: {  	s1 =	rddreg [dreg:$0x1];
	p0 =	sne.s32 s2, $0x0  }
0x34: {  	s3 =	rddreg [dreg:$0x2];
	[bflag:$0x3] =	sbarrier.arrive $0xFFFF;
	s2 =	simm.s32 @!p0 $0x1C05  }
0x35: {  	[timem:s3], [sflag:s2] =	dma.local @!p0 [hbm:s0], s1  }
0x36: {  	s0 =	simm.s32 @!p0 $0x5  }
0x37: {  	_ =	swait.ge @!p0 [sflag:s0], s1  }
0x38: {  	s1 =	ssub.s32 @!p0 $0x0, s1;
	[sflag:s0] =	ssyncset.done @!p0 $0x0  }
0x39: {  	[sflag:s0] =	ssyncadd.s32 @!p0 s1  }
0x3a: {  	[bflag:$0x3] =	sbarrier.arrive $0xFFFF  }
0x3b: {  	_ =	shalt  }

// kernel: kernel.16.cloned.1.call-start
scs
__scs_entry_jumppad:
0x0: {  	(pc) =	sbr.rel $0x88, $3  }
0x1: {  	(tag) =	ssettag $0x0;
	lr =	simm.s32 $0x1  }
0x2: {  	[smem:$0x3F97] =	sst lr;
	_ =	strace $0xD0000000  }
0x3: {  	_ = 	snop  }
0x4: {  	_ = 	snop  }
0x5: {  	_ = 	snop  }
0x6: {  	_ = 	snop  }
0x7: {  	_ = 	snop  }
__scs_overlays_trampoline_lowered:
0x8: {  	[smem:$0x3FA6] =	sst s0  }
0x9: {  	[smem:$0x3FA7] =	sst s1  }
0xa: {  	[smem:$0x3FA8] =	sst s2  }
0xb: {  	[smem:$0x3FA9] =	sst s3  }
0xc: {  	[smem:$0x3FAA] =	sst s4  }
0xd: {  	[smem:$0x3FAB] =	sst s5  }
0xe: {  	[smem:$0x3FAC] =	sst s6  }
0xf: {  	[smem:$0x3FAD] =	sst s7  }
0x10: {  	[smem:$0x3FAE] =	sst s8  }
0x11: {  	[smem:$0x3FAF] =	sst s9;
	s0 =	simm.s32 @!p0 $0x0  }
0x12: {  	s1 =	sld [smem:$0x3F95];
	s0 =	simm.s32 @p0 $0x1  }
0x13: {  	[smem:$0x3FB0] =	sst s0;
	s0 =	simm.s32 @!p1 $0x0  }
0x14: {  	s2 =	sld [smem:$0x3F94];
	s0 =	simm.s32 @p1 $0x1  }
0x15: {  	[smem:$0x3FB1] =	sst s0;
	s0 =	simm.s32 @!p2 $0x0  }
0x16: {  	s3 =	sld [smem:$0x3FDB];
	s0 =	simm.s32 @p2 $0x1  }
0x17: {  	s4 =	simm.s32 $0x1BF5;
	[smem:$0x3FB3] =	sst s0  }
0x18: {  	s0 =	sld [smem:$0x3F96];
	_ =	swait.ge [sflag:s4], $0x0  }
0x19: {  	s7 =	sld [smem:$0x3F97]  }
0x1a: {  	s8 =	sadd.s32 $0xFFFFE003, lr  }
0x1b: {  	s9 =	sadd.s32 $0xFFFFFEF7, lr;
	s5 =	simm.s32 $0xFFFFFFFF;
	p2 =	slt.u32 s8, $0xFFFFF086  }
0x1c: {  	p1 =	slt.u32 s9, $0xF7A;
	s5 =	simm.s32 @!p2 $0x0  }
0x1d: {  	s5 =	simm.s32 @p1 $0x1;
	p0 =	seq.s32 s7, s2  }
0x1e: {  	s7 =	smul.u32 @!p0 $0xF7A, s2;
	p2 =	seq.s32 @!p0 s5, $0x0  }
0x1f: {  	s9 =	smul.u32 $0xF7A, s1;
	s8 =	simm.s32 @!p0 $0x1BF5;
	p2 =	por !p2, p0  }
0x20: {  	[sflag:s8] =	ssyncset.s32 @!p0 $0xFFFFF086;
	s6 =	sadd.s32 @!p0 s3, s7;
	s7 =	simm.s32 @!p0 $0x108  }
0x21: {  	s3 =	sadd.s32 s3, s9;
	s6 =	sadd.s32 @!p0 $0x88, s6;
	s7 =	simm.s32 @p2 $0x1082  }
0x22: {  	[simem:s7], [sflag:s8] =	dma.local @!p0 [hbm:s6], $0xF7A  }
0x23: {  	s9 =	sor.u32 $0xD0000000, s2;
	s6 =	simm.s32 $0x108;
	_ =	swait.ge @!p0 [sflag:s8], $0x0  }
0x24: {  	s3 =	sadd.s32 $0x88, s3;
	s6 =	simm.s32 @!p1 $0x1082;
	[sflag:s4] =	ssyncset.s32 $0xFFFFF086  }
0x25: {  	[simem:s6], [sflag:s4] =	dma.local [hbm:s3], $0xF7A  }
0x26: {  	[smem:$0x3F97] =	sst s1;
	(tag) =	ssettag s2;
	_ =	strace s9  }
0x27: {  	s1 =	sld [smem:$0x3FA7]  }
0x28: {  	s2 =	sld [smem:$0x3FA8]  }
0x29: {  	s4 =	sld [smem:$0x3FAA]  }
0x2a: {  	p0 =	seq.s32 s5, $0x0;
	s5 =	sld [smem:$0x3FAB]  }
0x2b: {  	s6 =	sld [smem:$0x3FAC]  }
0x2c: {  	s7 =	sld [smem:$0x3FAD]  }
0x2d: {  	s3 =	simm.s32 $0x108;
	s8 =	sld [smem:$0x3FAE]  }
0x2e: {  	s3 =	simm.s32 @!p0 $0x1082;
	s9 =	sld [smem:$0x3FAF]  }
0x2f: {  	lr =	sadd.s32 s0, s3;
	s0 =	sld [smem:$0x3FA6]  }
0x30: {  	s3 =	sld [smem:$0x3FA9]  }
0x31: {  	[smem:$0x3FB2] =	sst s10  }
0x32: {  	s10 =	sld [smem:$0x3FB0];
	_ =	sdelay $0x3  }
0x33: {  	p0 =	seq.s32 s10, $0x1;
	s10 =	sld [smem:$0x3FB2];
	_ =	sdelay $0x3  }
0x34: {  	[smem:$0x3FB2] =	sst s10  }
0x35: {  	s10 =	sld [smem:$0x3FB1];
	_ =	sdelay $0x3  }
0x36: {  	p1 =	seq.s32 s10, $0x1;
	s10 =	sld [smem:$0x3FB2];
	_ =	sdelay $0x3  }
0x37: {  	[smem:$0x3FB2] =	sst s10  }
0x38: {  	s10 =	sld [smem:$0x3FB3]  }
0x39: {  	_ = 	snop;
	(pc) =	sbr.ind lr, $3  }
0x3a: {  	_ = 	snop  }
0x3b: {  	_ = 	snop  }
0x3c: {  	p2 =	seq.s32 s10, $0x1;
	s10 =	sld [smem:$0x3FB2]  }
0x3d: {  	_ =	shalt  }
0x3e: {  	_ =	shalt  }
0x3f: {  	_ =	shalt  }
0x40: {  	_ =	shalt  }
0x41: {  	_ =	shalt  }
0x42: {  	_ =	shalt  }
0x43: {  	_ =	shalt  }
0x44: {  	_ =	shalt  }
0x45: {  	_ =	shalt  }
0x46: {  	_ =	shalt  }
0x47: {  	_ =	shalt  }
0x48: {  	_ =	shalt  }
0x49: {  	_ =	shalt  }
0x4a: {  	_ =	shalt  }
0x4b: {  	_ =	shalt  }
0x4c: {  	_ =	shalt  }
0x4d: {  	_ =	shalt  }
0x4e: {  	_ =	shalt  }
0x4f: {  	_ =	shalt  }
0x50: {  	_ =	shalt  }
0x51: {  	_ =	shalt  }
0x52: {  	_ =	shalt  }
0x53: {  	_ =	shalt  }
0x54: {  	_ =	shalt  }
0x55: {  	_ =	shalt  }
0x56: {  	_ =	shalt  }
0x57: {  	_ =	shalt  }
0x58: {  	_ =	shalt  }
0x59: {  	_ =	shalt  }
0x5a: {  	_ =	shalt  }
0x5b: {  	_ =	shalt  }
0x5c: {  	_ =	shalt  }
0x5d: {  	_ =	shalt  }
0x5e: {  	_ =	shalt  }
0x5f: {  	_ =	shalt  }
0x60: {  	_ =	shalt  }
0x61: {  	_ =	shalt  }
0x62: {  	_ =	shalt  }
0x63: {  	_ =	shalt  }
0x64: {  	_ =	shalt  }
0x65: {  	_ =	shalt  }
0x66: {  	_ =	shalt  }
0x67: {  	_ =	shalt  }
0x68: {  	_ =	shalt  }
0x69: {  	_ =	shalt  }
0x6a: {  	_ =	shalt  }
0x6b: {  	_ =	shalt  }
0x6c: {  	_ =	shalt  }
0x6d: {  	_ =	shalt  }
0x6e: {  	_ =	shalt  }
0x6f: {  	_ =	shalt  }
0x70: {  	_ =	shalt  }
0x71: {  	_ =	shalt  }
0x72: {  	_ =	shalt  }
0x73: {  	_ =	shalt  }
0x74: {  	_ =	shalt  }
0x75: {  	_ =	shalt  }
0x76: {  	_ =	shalt  }
0x77: {  	_ =	shalt  }
0x78: {  	_ =	shalt  }
0x79: {  	_ =	shalt  }
0x7a: {  	_ =	shalt  }
0x7b: {  	_ =	shalt  }
0x7c: {  	_ =	shalt  }
0x7d: {  	_ =	shalt  }
0x7e: {  	_ =	shalt  }
0x7f: {  	_ =	shalt  }
0x80: {  	_ =	shalt  }
0x81: {  	_ =	shalt  }
0x82: {  	_ =	shalt  }
0x83: {  	_ =	shalt  }
0x84: {  	_ =	shalt  }
0x85: {  	_ =	shalt  }
0x86: {  	_ =	shalt  }
0x87: {  	_ =	shalt  }
.Lfunc_end0:
.L_simem_size_0:
called_computation.1_lowered:
.L_overlay_start_0:
0x88: {  	s2 =	sld [smem:$0x3FD9]  }
0x89: {  	s3 =	sld [smem:$0x3FFE];
	_ =	sdelay $0x1  }
0x8a: {  	s1 =	srdreg.scid  }
0x8b: {  	s0 =	sand.u32 $0x1, s1  }
0x8c: {  	s17 =	sshll.u32 s0, $0xA;
	s2 =	sadd.s32 s3, s2  }
0x8d: {  	s2 =	sadd.s32 s2, s17  }
0x8e: {  	[smem:$0x3FBE] =	sst s2  }
0x8f: {  	_ = 	snop  }
0x90: {  	s2 =	sld [smem:$0x3FC6]  }
0x91: {  	s18 =	sld [smem:$0x3FC5];
	(tm) =	ssettm $0x1  }
0x92: {  	s4 =	sld [smem:$0x3FFB];
	_ =	sdelay $0x3  }
0x93: {  	_ =	strace s4  }
0x94: {  	s4 =	sld [smem:$0x3FFC];
	_ =	sdelay $0x3  }
0x95: {  	_ =	strace s4  }
0x96: {  	s4 =	sld [smem:$0x3FFD];
	_ =	sdelay $0x3  }
0x97: {  	_ =	strace s4  }
0x98: {  	_ =	strace $0x8FFFFFFF  }
0x99: {  	s19 =	sld [smem:$0x3FDB];
	_ =	sdelay $0x1  }
0x9a: {  	s5 =	simm.s32 $_scs_section_size  }
0x9b: {  	s6 =	simm.s32 $_size__tile_overlayer_lowered;
	s7 =	simm.s32 $_tile_overlayer_lowered  }
0x9c: {  	s22 =	simm.s32 $0x1BFF;
	s21 =	sshll.u32 s7, $0x1;
	s4 =	sadd.s32 s5, s19  }
0x9d: {  	s8 =	simm.s32 $0x0;
	s20 =	sshll.u32 s6, $0x1;
	s6 =	sadd.s32 s21, s4  }
0x9e: {  	[timem:s8], [sflag:s22] =	dma.local [hbm:s6], s20  }
0x9f: {  	_ =	swait.ge [sflag:s22], s20  }
0xa0: {  	s5 =	ssub.s32 $0x0, s20;
	[sflag:s22] =	ssyncset.done $0x0  }
0xa1: {  	[sflag:s22] =	ssyncadd.s32 s5;
	_ =	sdelay $0x1  }
0xa2: {  	s23 =	simm.s32 $0x1B8B  }
0xa3: {  	_ =	swait.ge [sflag:s23], $0x1  }
0xa4: {  	[sflag:s23] =	ssyncset.done $0x0  }
0xa5: {  	s25 =	simm.s32 $0x1B8E;
	s24 =	sld [smem:$0x3FFE];
	[sflag:s23] =	ssyncadd.s32 $0xFFFFFFFF  }
0xa6: {  	s26 =	simm.s32 $execute0_lowered;
	[smem:$0x3FD2] =	sst s25  }
0xa7: {  	s6 =	sshll.u32 s26, $0x1;
	_ =	strace $0x80000049;
	[dreg:$0x1] =	wrdreg $0xFFFFFFFF  }
0xa8: {  	s28 =	simm.s32 $_size_execute0_lowered;
	s4 =	sadd.s32 s4, s6;
	[dreg:$0x0] =	wrdreg $0x0  }
0xa9: {  	s6 =	sshll.u32 s28, $0x1;
	[dreg:$0x2] =	wrdreg s4  }
0xaa: {  	[dreg:$0x3] =	wrdreg s6  }
0xab: {  	[dreg:$0x4] =	wrdreg $0xC0  }
0xac: {  	_ =	task [dreg:s8], $0x5FFFF  }
0xad: {  	[dreg:$0x1] =	wrdreg $0xFFFFFFFF  }
0xae: {  	[dreg:$0x0] =	wrdreg $0x60  }
0xaf: {  	[dreg:$0x2] =	wrdreg s24  }
0xb0: {  	[dreg:$0x3] =	wrdreg s2  }
0xb1: {  	[dreg:$0x4] =	wrdreg s18  }
0xb2: {  	[dreg:$0x5] =	wrdreg $0x9  }
0xb3: {  	_ =	task.clear_ibuf [dreg:s8], $0x6FFFF;
	_ =	strace $0x90000049  }
0xb4: {  	s29 =	simm.s32 $0x9;
	_ =	strace $0x8000004B  }
0xb5: {  	_ =	swait.ge [sflag:s29], $0x1  }
0xb6: {  	[sflag:s29] =	ssyncadd.s32 $0xFFFFFFFF  }
0xb7: {  	_ =	strace $0x9000004B  }
0xb8: {  	_ =	sfence  }
0xb9: {  	s30 =	sld [smem:$0x0];
	_ =	sdelay $0x2  }
0xba: {  	s31 =	sshll.u32 s1, $0xD;
	s1 =	sshrl.u32 s1, $0x2  }
0xbb: {  	s3 =	sand.u32 $0x4000, s31;
	s1 =	sadd.s32 s1, s30  }
0xbc: {  	s0 =	sor.u32 s3, s0;
	s1 =	sshll.u32 s1, $0x11  }
0xbd: {  	s0 =	sor.u32 s1, s0  }
0xbe: {  	s0 =	sadd.s32 $0x8F2B, s0  }
0xbf: {  	[sflag:s0] =	ssyncadd.remote.s32 $0x1  }
0xc0: {  	_ =	sfence.sel $0xFFFF  }
0xc1: {  	[dreg:$0x0] =	wrdreg $0xFFFFFFFF;
	(pc) =	sbr.abs _section_cstart, $3  }
0xc2: {  	[dreg:$0x1] =	wrdreg $0xFFFFFFFF  }
0xc3: {  	_ =	task.clear_ibuf [dreg:s8], $0x2FFFF;
	_ =	strace $0x9FFFFFFF  }
0xc4: {  	(tm) =	ssettm $0x7FFFFFFF  }
0xc5: {  	_ =	shalt  }
tec
execute0_lowered:
.L_overlay_start_1:
0x0: {  	(tag) =	ssettag $0x1  }
0x1: {  	s8 =	rddreg [dreg:$0x0]  }
0x2: {  	s1 =	rddreg [dreg:$0x1]  }
0x3: {  	s2 =	rddreg [dreg:$0x2]  }
0x4: {  	s0 =	rddreg [dreg:$0x3];
	s3 =	simm.s32 $0x0  }
0x5: {  	s4 =	srdreg.scid;
	s13 =	simm.s32 $0x2;
	s14 =	simm.s32 $0x100  }
0x6: {  	s15 =	simm.s32 $0x1;
	s16 =	simm.s32 $0x0;
	[smem:$0x7FF] =	sst s3  }
0x7: {  	s5 =	sadd.s32 $0x1D63C00, s8;
	s6 =	sadd.s32 $0x3C00, s8;
	s9 =	sand.u32 $0x1, s4  }
0x8: {  	s7 =	sadd.s32 $0x2BC00, s8;
	s4 =	stileid.u32;
	s8 =	sadd.s32 $0x139FC00, s8  }
0x9: {  	_ =	strace $0x8000004A;
	s10 =	sshll.u32 s9, $0x4;
	s11 =	ssub.s32 $0x2, s9  }
0xa: {  	s9 =	simm.s32 $0x4F;
	s10 =	sor.u32 s4, s10;
	s12 =	sshrl.u32 s11, $0x1  }
0xb: {  	p0 =	slt.u32 s10, $0x4;
	s11 =	ssub.s32 s11, s12;
	s10 =	sshll.u32 s10, $0x8  }
0xc: {  	s12 =	simm.s32 $0x200;
	s9 =	simm.s32 @!p0 $0x4E;
	s11 =	smax.u32 s11, $0x1  }
.LBB2_1:
0xd: {  	s17 =	simm.s32 $0x0  }
.LBB2_2:
0xe: {  	s18 =	sshll.u32 s17, $0xD  }
0xf: {  	s19 =	sor.u32 s10, s18  }
0x10: {  	s18 =	sshll.u32 s19, $0x4  }
0x11: {  	s21 =	simm.s32 $0x0;
	s20 =	sadd.s32 s5, s18  }
0x12: {  	[tilespmem:s12], [sflag:$0x2] =	stream.linear.gather [hbm4b:s20+s21], $0x8000, $0x38;
	[tilespmem:$0x8200] =	vst v63  }
0x13: {  	_ =	swait.ge [sflag:s13], $0x8000  }
0x14: {  	s19 =	sshrl.u32 s19, $0x3;
	[sflag:s13] =	ssyncset.done $0x0  }
0x15: {  	s31 =	sadd.s32 s1, s19;
	[sflag:s13] =	ssyncadd.s32 $0xFFFF8000  }
0x16: {  	[tilespmem:s21], [sflag:$0x2] =	stream.linear.gather [hbm4b:s31+s21], $0x100, $0x38;
	[tilespmem:$0x8200] =	vst v63  }
0x17: {  	_ =	swait.ge [sflag:s13], $0x100  }
0x18: {  	[sflag:s13] =	ssyncset.done $0x0  }
0x19: {  	s19 =	sadd.s32 s2, s19;
	[sflag:s13] =	ssyncadd.s32 $0xFFFFFF00  }
0x1a: {  	[tilespmem:s14], [sflag:$0x2] =	stream.linear.gather [hbm4b:s19+s21], $0x100, $0x38;
	[tilespmem:$0x8200] =	vst v63  }
0x1b: {  	_ =	swait.ge [sflag:s13], $0x100  }
0x1c: {  	[sflag:s13] =	ssyncset.done $0x0  }
0x1d: {  	[sflag:s13] =	ssyncadd.s32 $0xFFFFFF00  }
0x1e: {  	[tilespmem:s12], [sflag:$0x1] =	stream.indirect.gather.add.f32 [hbm:s6], $0x80, s21, s14, $0xb8;
	[tilespmem:$0x8200] =	vst v63  }
0x1f: {  	_ = 	snop  }
0x20: {  	[tilespmem:s12], [sflag:$0x1] =	stream.indirect.gather.add.f32 [hbm:s7], $0x80, s14, s14, $0xb8;
	[tilespmem:$0x8200] =	vst v63  }
0x21: {  	_ =	swait.ge [sflag:s15], $0x8000  }
0x22: {  	[sflag:s15] =	ssyncset.done $0x0  }
0x23: {  	[sflag:s15] =	ssyncadd.s32 $0xFFFF8000  }
0x24: {  	_ =	swait.ge [sflag:s15], $0x8000  }
0x25: {  	[sflag:s15] =	ssyncset.done $0x0  }
0x26: {  	s19 =	simm.s32 $0x0;
	[sflag:s15] =	ssyncadd.s32 $0xFFFF8000  }
0x27: {  	v2 =	vld [tilespmem:s19+$0x200]  }
0x28: {  	v4 =	vld [tilespmem:s19+$0x210]  }
0x29: {  	v3 =	vld [tilespmem:s19+$0x220]  }
0x2a: {  	v1 =	vld [tilespmem:s19+$0x230]  }
0x2b: {  	v0 =	vld [tilespmem:s19+$0x240]  }
0x2c: {  	v5 =	vmax.f32 v2, $0.0e+00;
	v2 =	vld [tilespmem:s19+$0x250]  }
0x2d: {  	s20 =	simm.s32 $0x200;
	[tilespmem:s19+$0x200] =	vst v5;
	v5 =	vmax.f32 v4, $0.0e+00;
	v4 =	vld [tilespmem:s19+$0x260]  }
.LBB2_3:
0x2e: {  	s21 =	sshra.s32 s20, $0x2;
	p0 =	sne.s32 s20, $0x1FE00;
	[tilespmem:s19+$0x210] =	vst v5;
	v3 =	vmax.f32 v3, $0.0e+00;
	v5 =	vld [tilespmem:s19+$0x270]  }
0x2f: {  	v6 =	vld [tilespmem:s21+$0x200];
	[tilespmem:s19+$0x220] =	vst v3;
	v1 =	vmax.f32 v1, $0.0e+00  }
0x30: {  	v7 =	vld [tilespmem:s21+$0x210];
	[tilespmem:s19+$0x230] =	vst v1;
	v0 =	vmax.f32 v0, $0.0e+00  }
.Ltmp0:
0x31: {  	v3 =	vld [tilespmem:s21+$0x220];
	[tilespmem:s19+$0x240] =	vst v0;
	v0 =	vmax.f32 v2, $0.0e+00;
	(pc) =	sbr.rel @p0 .LBB2_3-.Ltmp0, $4  }
0x32: {  	v1 =	vld [tilespmem:s21+$0x230];
	[tilespmem:s19+$0x250] =	vst v0;
	v2 =	vmax.f32 v4, $0.0e+00  }
0x33: {  	v0 =	vld [tilespmem:s21+$0x240];
	[tilespmem:s19+$0x260] =	vst v2;
	v4 =	vmax.f32 v5, $0.0e+00  }
0x34: {  	v5 =	vmax.f32 v6, $0.0e+00;
	v2 =	vld [tilespmem:s21+$0x250];
	[tilespmem:s19+$0x270] =	vst v4;
	s19 =	smov.u32 s21  }
0x35: {  	s20 =	sadd.s32 $0x200, s20;
	[tilespmem:s19+$0x200] =	vst v5;
	v5 =	vmax.f32 v7, $0.0e+00;
	v4 =	vld [tilespmem:s19+$0x260]  }
0x36: {  	[tilespmem:s19+$0x210] =	vst v5;
	v3 =	vmax.f32 v3, $0.0e+00;
	v60 =	vld [tilespmem:s19+$0x270]  }
0x37: {  	[tilespmem:s19+$0x220] =	vst v3;
	v1 =	vmax.f32 v1, $0.0e+00  }
0x38: {  	[tilespmem:s19+$0x230] =	vst v1;
	v0 =	vmax.f32 v0, $0.0e+00  }
0x39: {  	[tilespmem:s19+$0x240] =	vst v0;
	v61 =	vmax.f32 v2, $0.0e+00  }
0x3a: {  	s17 =	sadd.s32 $0x1, s17;
	[tilespmem:s19+$0x250] =	vst v61;
	v62 =	vmax.f32 v4, $0.0e+00  }
0x3b: {  	p0 =	sne.s32 s17, s9;
	[tilespmem:s19+$0x260] =	vst v62;
	v63 =	vmax.f32 v60, $0.0e+00  }
.Ltmp1:
0x3c: {  	s18 =	sadd.s32 s8, s18;
	[tilespmem:s19+$0x270] =	vst v63;
	(pc) =	sbr.rel @p0 .LBB2_2-.Ltmp1, $4  }
0x3d: {  	[hbm4b:s18+s3] =	stream.linear.scatter [tilespmem:s12], [sflag:$0x2], $0x8000, $0x38;
	[tilespmem:$0x8200] =	vst v63  }
0x3e: {  	_ =	swait.ge [sflag:s13], $0x8000  }
0x3f: {  	[sflag:s13] =	ssyncset.done $0x0  }
0x40: {  	[sflag:s13] =	ssyncadd.s32 $0xFFFF8000  }
0x41: {  	s16 =	sadd.s32 $0x1, s16  }
0x42: {  	p0 =	sne.s32 s16, s11  }
.Ltmp2:
0x43: {  	_ = 	snop;
	(pc) =	sbr.rel @p0 .LBB2_1-.Ltmp2, $1  }
0x44: {  	_ =	sdelay $0x3  }
0x45: {  	_ =	sfence.sel $0x180000  }
0x46: {  	[bflag:$0x0] =	sbarrier.arrive $0xFFFF  }
0x47: {  	p0 =	sne.s32 s4, $0x0;
	_ =	strace $0x9000004A  }
0x48: {  	s0 =	sadd.s32 @!p0 $0x100000, s0;
	[bflag:$0x2] =	sbarrier.arrive $0xFFFF  }
0x49: {  	[sflag:s0] =	ssyncadd.tile.s32 @!p0 $0x1;
	_ =	shalt  }
.Lfunc_end2:
_tile_overlayer_lowered:
.L_overlay_start_2:
0x4a: {  	(tag) =	ssettag $0x2  }
0x4b: {  	s0 =	rddreg [dreg:$0x0];
	s2 =	stileid.u32  }
0x4c: {  	s1 =	rddreg [dreg:$0x1];
	p0 =	sne.s32 s2, $0x0  }
0x4d: {  	s3 =	rddreg [dreg:$0x2];
	[bflag:$0x3] =	sbarrier.arrive $0xFFFF;
	s2 =	simm.s32 @!p0 $0x1C02  }
0x4e: {  	[timem:s3], [sflag:s2] =	dma.local @!p0 [hbm:s0], s1  }
0x4f: {  	s0 =	simm.s32 @!p0 $0x2  }
0x50: {  	_ =	swait.ge @!p0 [sflag:s0], s1  }
0x51: {  	s1 =	ssub.s32 @!p0 $0x0, s1;
	[sflag:s0] =	ssyncset.done @!p0 $0x0  }
0x52: {  	[sflag:s0] =	ssyncadd.s32 @!p0 s1  }
0x53: {  	[bflag:$0x3] =	sbarrier.arrive $0xFFFF  }
0x54: {  	_ =	shalt  }

// kernel: kernel.19.cloned.1.call-start
scs
__scs_entry_jumppad:
0x0: {  	(pc) =	sbr.rel $0x88, $3  }
0x1: {  	(tag) =	ssettag $0x0;
	lr =	simm.s32 $0x1  }
0x2: {  	[smem:$0x3F97] =	sst lr;
	_ =	strace $0xD0000000  }
0x3: {  	_ = 	snop  }
0x4: {  	_ = 	snop  }
0x5: {  	_ = 	snop  }
0x6: {  	_ = 	snop  }
0x7: {  	_ = 	snop  }
__scs_overlays_trampoline_lowered:
0x8: {  	[smem:$0x3FA6] =	sst s0  }
0x9: {  	[smem:$0x3FA7] =	sst s1  }
0xa: {  	[smem:$0x3FA8] =	sst s2  }
0xb: {  	[smem:$0x3FA9] =	sst s3  }
0xc: {  	[smem:$0x3FAA] =	sst s4  }
0xd: {  	[smem:$0x3FAB] =	sst s5  }
0xe: {  	[smem:$0x3FAC] =	sst s6  }
0xf: {  	[smem:$0x3FAD] =	sst s7  }
0x10: {  	[smem:$0x3FAE] =	sst s8  }
0x11: {  	[smem:$0x3FAF] =	sst s9;
	s0 =	simm.s32 @!p0 $0x0  }
0x12: {  	s1 =	sld [smem:$0x3F95];
	s0 =	simm.s32 @p0 $0x1  }
0x13: {  	[smem:$0x3FB0] =	sst s0;
	s0 =	simm.s32 @!p1 $0x0  }
0x14: {  	s2 =	sld [smem:$0x3F94];
	s0 =	simm.s32 @p1 $0x1  }
0x15: {  	[smem:$0x3FB1] =	sst s0;
	s0 =	simm.s32 @!p2 $0x0  }
0x16: {  	s3 =	sld [smem:$0x3FDB];
	s0 =	simm.s32 @p2 $0x1  }
0x17: {  	s4 =	simm.s32 $0x1BF5;
	[smem:$0x3FB3] =	sst s0  }
0x18: {  	s0 =	sld [smem:$0x3F96];
	_ =	swait.ge [sflag:s4], $0x0  }
0x19: {  	s7 =	sld [smem:$0x3F97]  }
0x1a: {  	s8 =	sadd.s32 $0xFFFFE003, lr  }
0x1b: {  	s9 =	sadd.s32 $0xFFFFFEF7, lr;
	s5 =	simm.s32 $0xFFFFFFFF;
	p2 =	slt.u32 s8, $0xFFFFF086  }
0x1c: {  	p1 =	slt.u32 s9, $0xF7A;
	s5 =	simm.s32 @!p2 $0x0  }
0x1d: {  	s5 =	simm.s32 @p1 $0x1;
	p0 =	seq.s32 s7, s2  }
0x1e: {  	s7 =	smul.u32 @!p0 $0xF7A, s2;
	p2 =	seq.s32 @!p0 s5, $0x0  }
0x1f: {  	s9 =	smul.u32 $0xF7A, s1;
	s8 =	simm.s32 @!p0 $0x1BF5;
	p2 =	por !p2, p0  }
0x20: {  	[sflag:s8] =	ssyncset.s32 @!p0 $0xFFFFF086;
	s6 =	sadd.s32 @!p0 s3, s7;
	s7 =	simm.s32 @!p0 $0x108  }
0x21: {  	s3 =	sadd.s32 s3, s9;
	s6 =	sadd.s32 @!p0 $0x88, s6;
	s7 =	simm.s32 @p2 $0x1082  }
0x22: {  	[simem:s7], [sflag:s8] =	dma.local @!p0 [hbm:s6], $0xF7A  }
0x23: {  	s9 =	sor.u32 $0xD0000000, s2;
	s6 =	simm.s32 $0x108;
	_ =	swait.ge @!p0 [sflag:s8], $0x0  }
0x24: {  	s3 =	sadd.s32 $0x88, s3;
	s6 =	simm.s32 @!p1 $0x1082;
	[sflag:s4] =	ssyncset.s32 $0xFFFFF086  }
0x25: {  	[simem:s6], [sflag:s4] =	dma.local [hbm:s3], $0xF7A  }
0x26: {  	[smem:$0x3F97] =	sst s1;
	(tag) =	ssettag s2;
	_ =	strace s9  }
0x27: {  	s1 =	sld [smem:$0x3FA7]  }
0x28: {  	s2 =	sld [smem:$0x3FA8]  }
0x29: {  	s4 =	sld [smem:$0x3FAA]  }
0x2a: {  	p0 =	seq.s32 s5, $0x0;
	s5 =	sld [smem:$0x3FAB]  }
0x2b: {  	s6 =	sld [smem:$0x3FAC]  }
0x2c: {  	s7 =	sld [smem:$0x3FAD]  }
0x2d: {  	s3 =	simm.s32 $0x108;
	s8 =	sld [smem:$0x3FAE]  }
0x2e: {  	s3 =	simm.s32 @!p0 $0x1082;
	s9 =	sld [smem:$0x3FAF]  }
0x2f: {  	lr =	sadd.s32 s0, s3;
	s0 =	sld [smem:$0x3FA6]  }
0x30: {  	s3 =	sld [smem:$0x3FA9]  }
0x31: {  	[smem:$0x3FB2] =	sst s10  }
0x32: {  	s10 =	sld [smem:$0x3FB0];
	_ =	sdelay $0x3  }
0x33: {  	p0 =	seq.s32 s10, $0x1;
	s10 =	sld [smem:$0x3FB2];
	_ =	sdelay $0x3  }
0x34: {  	[smem:$0x3FB2] =	sst s10  }
0x35: {  	s10 =	sld [smem:$0x3FB1];
	_ =	sdelay $0x3  }
0x36: {  	p1 =	seq.s32 s10, $0x1;
	s10 =	sld [smem:$0x3FB2];
	_ =	sdelay $0x3  }
0x37: {  	[smem:$0x3FB2] =	sst s10  }
0x38: {  	s10 =	sld [smem:$0x3FB3]  }
0x39: {  	_ = 	snop;
	(pc) =	sbr.ind lr, $3  }
0x3a: {  	_ = 	snop  }
0x3b: {  	_ = 	snop  }
0x3c: {  	p2 =	seq.s32 s10, $0x1;
	s10 =	sld [smem:$0x3FB2]  }
0x3d: {  	_ =	shalt  }
0x3e: {  	_ =	shalt  }
0x3f: {  	_ =	shalt  }
0x40: {  	_ =	shalt  }
0x41: {  	_ =	shalt  }
0x42: {  	_ =	shalt  }
0x43: {  	_ =	shalt  }
0x44: {  	_ =	shalt  }
0x45: {  	_ =	shalt  }
0x46: {  	_ =	shalt  }
0x47: {  	_ =	shalt  }
0x48: {  	_ =	shalt  }
0x49: {  	_ =	shalt  }
0x4a: {  	_ =	shalt  }
0x4b: {  	_ =	shalt  }
0x4c: {  	_ =	shalt  }
0x4d: {  	_ =	shalt  }
0x4e: {  	_ =	shalt  }
0x4f: {  	_ =	shalt  }
0x50: {  	_ =	shalt  }
0x51: {  	_ =	shalt  }
0x52: {  	_ =	shalt  }
0x53: {  	_ =	shalt  }
0x54: {  	_ =	shalt  }
0x55: {  	_ =	shalt  }
0x56: {  	_ =	shalt  }
0x57: {  	_ =	shalt  }
0x58: {  	_ =	shalt  }
0x59: {  	_ =	shalt  }
0x5a: {  	_ =	shalt  }
0x5b: {  	_ =	shalt  }
0x5c: {  	_ =	shalt  }
0x5d: {  	_ =	shalt  }
0x5e: {  	_ =	shalt  }
0x5f: {  	_ =	shalt  }
0x60: {  	_ =	shalt  }
0x61: {  	_ =	shalt  }
0x62: {  	_ =	shalt  }
0x63: {  	_ =	shalt  }
0x64: {  	_ =	shalt  }
0x65: {  	_ =	shalt  }
0x66: {  	_ =	shalt  }
0x67: {  	_ =	shalt  }
0x68: {  	_ =	shalt  }
0x69: {  	_ =	shalt  }
0x6a: {  	_ =	shalt  }
0x6b: {  	_ =	shalt  }
0x6c: {  	_ =	shalt  }
0x6d: {  	_ =	shalt  }
0x6e: {  	_ =	shalt  }
0x6f: {  	_ =	shalt  }
0x70: {  	_ =	shalt  }
0x71: {  	_ =	shalt  }
0x72: {  	_ =	shalt  }
0x73: {  	_ =	shalt  }
0x74: {  	_ =	shalt  }
0x75: {  	_ =	shalt  }
0x76: {  	_ =	shalt  }
0x77: {  	_ =	shalt  }
0x78: {  	_ =	shalt  }
0x79: {  	_ =	shalt  }
0x7a: {  	_ =	shalt  }
0x7b: {  	_ =	shalt  }
0x7c: {  	_ =	shalt  }
0x7d: {  	_ =	shalt  }
0x7e: {  	_ =	shalt  }
0x7f: {  	_ =	shalt  }
0x80: {  	_ =	shalt  }
0x81: {  	_ =	shalt  }
0x82: {  	_ =	shalt  }
0x83: {  	_ =	shalt  }
0x84: {  	_ =	shalt  }
0x85: {  	_ =	shalt  }
0x86: {  	_ =	shalt  }
0x87: {  	_ =	shalt  }
.Lfunc_end0:
.L_simem_size_0:
called_computation.2_lowered:
.L_overlay_start_0:
0x88: {  	s2 =	sld [smem:$0x3FD9]  }
0x89: {  	s3 =	sld [smem:$0x3FFE];
	_ =	sdelay $0x1  }
0x8a: {  	s1 =	srdreg.scid  }
0x8b: {  	s0 =	sand.u32 $0x1, s1  }
0x8c: {  	s16 =	sshll.u32 s0, $0xA;
	s2 =	sadd.s32 s3, s2  }
0x8d: {  	s2 =	sadd.s32 s2, s16  }
0x8e: {  	[smem:$0x3FBE] =	sst s2  }
0x8f: {  	_ = 	snop  }
0x90: {  	(tm) =	ssettm $0x1  }
0x91: {  	s17 =	sld [smem:$0x3FFB];
	_ =	sdelay $0x3  }
0x92: {  	_ =	strace s17  }
0x93: {  	s2 =	sld [smem:$0x3FFC];
	_ =	sdelay $0x3  }
0x94: {  	_ =	strace s2  }
0x95: {  	s2 =	sld [smem:$0x3FFD];
	_ =	sdelay $0x3  }
0x96: {  	_ =	strace s2  }
0x97: {  	_ =	strace $0x8FFFFFFF  }
0x98: {  	s18 =	sld [smem:$0x3FDB];
	_ =	sdelay $0x1  }
0x99: {  	s19 =	simm.s32 $_scs_section_size  }
0x9a: {  	s4 =	simm.s32 $_size__tile_overlayer_lowered;
	s5 =	simm.s32 $_tile_overlayer_lowered  }
0x9b: {  	s22 =	simm.s32 $0x1BFF;
	s21 =	sshll.u32 s5, $0x1;
	s2 =	sadd.s32 s19, s18  }
0x9c: {  	s6 =	simm.s32 $0x0;
	s20 =	sshll.u32 s4, $0x1;
	s4 =	sadd.s32 s21, s2  }
0x9d: {  	[timem:s6], [sflag:s22] =	dma.local [hbm:s4], s20  }
0x9e: {  	_ =	swait.ge [sflag:s22], s20  }
0x9f: {  	s3 =	ssub.s32 $0x0, s20;
	[sflag:s22] =	ssyncset.done $0x0  }
0xa0: {  	[sflag:s22] =	ssyncadd.s32 s3;
	_ =	sdelay $0x1  }
0xa1: {  	s23 =	simm.s32 $0x1B8B  }
0xa2: {  	_ =	swait.ge [sflag:s23], $0x1  }
0xa3: {  	[sflag:s23] =	ssyncset.done $0x0  }
0xa4: {  	s25 =	simm.s32 $0x1B8E;
	s24 =	sld [smem:$0x3FFE];
	[sflag:s23] =	ssyncadd.s32 $0xFFFFFFFF  }
0xa5: {  	s26 =	simm.s32 $execute0_lowered;
	[smem:$0x3FD2] =	sst s25  }
0xa6: {  	s4 =	sshll.u32 s26, $0x1;
	_ =	strace $0x8000004C;
	[dreg:$0x1] =	wrdreg $0xFFFFFFFF  }
0xa7: {  	s28 =	simm.s32 $_size_execute0_lowered;
	s2 =	sadd.s32 s2, s4;
	[dreg:$0x0] =	wrdreg $0x0  }
0xa8: {  	s4 =	sshll.u32 s28, $0x1;
	[dreg:$0x2] =	wrdreg s2  }
0xa9: {  	[dreg:$0x3] =	wrdreg s4  }
0xaa: {  	[dreg:$0x4] =	wrdreg $0xC0  }
0xab: {  	_ =	task [dreg:s6], $0x5FFFF  }
0xac: {  	[dreg:$0x1] =	wrdreg $0xFFFFFFFF  }
0xad: {  	[dreg:$0x0] =	wrdreg $0x60  }
0xae: {  	[dreg:$0x2] =	wrdreg s24  }
0xaf: {  	[dreg:$0x3] =	wrdreg $0x9  }
0xb0: {  	_ =	task.clear_ibuf [dreg:s6], $0x4FFFF;
	_ =	strace $0x9000004C  }
0xb1: {  	s29 =	simm.s32 $0x9;
	_ =	strace $0x8000004E  }
0xb2: {  	_ =	swait.ge [sflag:s29], $0x1  }
0xb3: {  	[sflag:s29] =	ssyncadd.s32 $0xFFFFFFFF  }
0xb4: {  	_ =	strace $0x9000004E  }
0xb5: {  	_ =	sfence  }
0xb6: {  	s30 =	sld [smem:$0x0];
	_ =	sdelay $0x2  }
0xb7: {  	s31 =	sshll.u32 s1, $0xD;
	s1 =	sshrl.u32 s1, $0x2  }
0xb8: {  	s3 =	sand.u32 $0x4000, s31;
	s1 =	sadd.s32 s1, s30  }
0xb9: {  	s0 =	sor.u32 s3, s0;
	s1 =	sshll.u32 s1, $0x11  }
0xba: {  	s0 =	sor.u32 s1, s0  }
0xbb: {  	s0 =	sadd.s32 $0x8F2B, s0  }
0xbc: {  	[sflag:s0] =	ssyncadd.remote.s32 $0x1  }
0xbd: {  	_ =	sfence.sel $0xFFFF  }
0xbe: {  	[dreg:$0x0] =	wrdreg $0xFFFFFFFF;
	(pc) =	sbr.abs _section_cstart, $3  }
0xbf: {  	[dreg:$0x1] =	wrdreg $0xFFFFFFFF  }
0xc0: {  	_ =	task.clear_ibuf [dreg:s6], $0x2FFFF;
	_ =	strace $0x9FFFFFFF  }
0xc1: {  	(tm) =	ssettm $0x7FFFFFFF  }
tec
execute0_lowered:
.L_overlay_start_1:
0x0: {  	(tag) =	ssettag $0x1  }
0x1: {  	s0 =	srdreg.scid  }
0x2: {  	s4 =	rddreg [dreg:$0x0];
	s1 =	stileid.u32;
	s3 =	sand.u32 $0x1, s0  }
0x3: {  	s2 =	simm.s32 $0x0;
	s9 =	simm.s32 $0x140;
	s5 =	sshll.u32 s3, $0x4  }
0x4: {  	s10 =	simm.s32 $0x0;
	s0 =	rddreg [dreg:$0x1];
	s5 =	sor.u32 s1, s5  }
0x5: {  	[smem:$0x7FF] =	sst s2;
	s7 =	ssub.s32 $0x2, s3;
	s6 =	smul.u32 $0xA00, s5  }
0x6: {  	_ =	strace $0x8000004D;
	s8 =	sshrl.u32 s7, $0x1;
	s5 =	smul.u32 $0x1400, s5  }
0x7: {  	s3 =	sadd.s32 $0x139FC00, s4;
	s7 =	ssub.s32 s7, s8;
	s6 =	sadd.s32 s6, s4  }
0x8: {  	s8 =	simm.s32 $0x5000;
	s5 =	sadd.s32 s5, s4;
	s4 =	sadd.s32 $0x138BC00, s6  }
0x9: {  	s5 =	sadd.s32 $0x3C00, s5;
	s6 =	smax.u32 s7, $0x1;
	s7 =	simm.s32 $0x5  }
.LBB2_1:
0xa: {  	[tilespmem:s2], [sflag:$0x5] =	stream.linear.gather [hbm4b:s4+s2], $0x5000, $0x38;
	[tilespmem:$0xF000] =	vst v63  }
0xb: {  	_ =	swait.ge [sflag:s7], $0x5000  }
0xc: {  	[sflag:s7] =	ssyncset.done $0x0  }
0xd: {  	s11 =	simm.s32 $0x1;
	[sflag:s7] =	ssyncadd.s32 $0xFFFFB000  }
0xe: {  	[tilespmem:s8], [sflag:$0x1] =	stream.indirect.gather [hbm4b:s3+s9], $0x80, s2, s9, $0xb8;
	[tilespmem:$0xF000] =	vst v63  }
0xf: {  	_ =	swait.ge [sflag:s11], $0xA000  }
0x10: {  	s12 =	sand.u32 $0x3, s11;
	[sflag:s11] =	ssyncset.done $0x0  }
0x11: {  	s12 =	sadd.s32 $0x1, s12;
	[sflag:s11] =	ssyncadd.s32 $0xFFFF6000  }
0x12: {  	[tilespmem:s8], [sflag:s12] =	stream.indirect.gather.add.f32 [hbm:s3], $0x80, s9, s9, $0xb8;
	[tilespmem:$0xF000] =	vst v63  }
0x13: {  	s13 =	simm.s32 $0x140;
	s12 =	simm.s32 $0x2  }
.LBB2_2:
0x14: {  	p0 =	sne.s32 s12, $0x3F  }
.Ltmp0:
0x15: {  	_ = 	snop;
	(pc) =	sbr.rel @p0 .LBB2_2-.Ltmp0, $4  }
0x16: {  	_ = 	snop  }
0x17: {  	s14 =	sand.u32 $0x3, s12;
	s12 =	sadd.s32 $0x1, s12  }
0x18: {  	s13 =	sadd.s32 $0x140, s13;
	s14 =	sadd.s32 $0x1, s14  }
0x19: {  	[tilespmem:s8], [sflag:s14] =	stream.indirect.gather.add.f32 [hbm:s3], $0x80, s13, s9, $0xb8;
	[tilespmem:$0xF000] =	vst v63  }
0x1a: {  	s11 =	sand.u32 $0x3, s11  }
0x1b: {  	s12 =	sadd.s32 $0x1, s11  }
0x1c: {  	_ =	swait.ge [sflag:s12], $0xA000  }
0x1d: {  	s11 =	simm.s32 $0x2;
	[sflag:s12] =	ssyncset.done $0x0  }
.LBB2_4:
0x1e: {  	p0 =	sne.s32 s11, $0x3F  }
0x1f: {  	[sflag:s12] =	ssyncadd.s32 $0xFFFF6000;
	s12 =	smov.u32 s11;
	s11 =	sadd.s32 $0x1, s11  }
.Ltmp1:
0x20: {  	(pc) =	sbr.rel @p0 .LBB2_4-.Ltmp1, $4  }
0x21: {  	s12 =	sand.u32 $0x3, s12  }
0x22: {  	s12 =	sadd.s32 $0x1, s12  }
0x23: {  	_ =	swait.ge [sflag:s12], $0xA000  }
0x24: {  	[sflag:s12] =	ssyncset.done $0x0  }
0x25: {  	s10 =	sadd.s32 $0x1, s10  }
0x26: {  	p0 =	sne.s32 s10, s6  }
.Ltmp2:
0x27: {  	[sflag:s12] =	ssyncadd.s32 $0xFFFF6000;
	(pc) =	sbr.rel @p0 .LBB2_1-.Ltmp2, $4  }
0x28: {  	[hbm4b:s5+s2] =	stream.linear.scatter [tilespmem:s8], [sflag:$0x5], $0xA000, $0x38;
	[tilespmem:$0xF000] =	vst v63  }
0x29: {  	_ =	swait.ge [sflag:s7], $0xA000  }
0x2a: {  	[sflag:s7] =	ssyncset.done $0x0  }
0x2b: {  	[sflag:s7] =	ssyncadd.s32 $0xFFFF6000  }
0x2c: {  	_ =	sfence.sel $0x180000  }
0x2d: {  	[bflag:$0x0] =	sbarrier.arrive $0xFFFF  }
0x2e: {  	p0 =	sne.s32 s1, $0x0;
	_ =	strace $0x9000004D  }
0x2f: {  	s0 =	sadd.s32 @!p0 $0x100000, s0;
	[bflag:$0x2] =	sbarrier.arrive $0xFFFF  }
0x30: {  	[sflag:s0] =	ssyncadd.tile.s32 @!p0 $0x1;
	_ =	shalt  }
.Lfunc_end2:
_tile_overlayer_lowered:
.L_overlay_start_2:
0x31: {  	(tag) =	ssettag $0x2  }
0x32: {  	s0 =	rddreg [dreg:$0x0];
	s2 =	stileid.u32  }
0x33: {  	s1 =	rddreg [dreg:$0x1];
	p0 =	sne.s32 s2, $0x0  }
0x34: {  	s3 =	rddreg [dreg:$0x2];
	[bflag:$0x3] =	sbarrier.arrive $0xFFFF;
	s2 =	simm.s32 @!p0 $0x1C05  }
0x35: {  	[timem:s3], [sflag:s2] =	dma.local @!p0 [hbm:s0], s1  }
0x36: {  	s0 =	simm.s32 @!p0 $0x5  }
0x37: {  	_ =	swait.ge @!p0 [sflag:s0], s1  }
0x38: {  	s1 =	ssub.s32 @!p0 $0x0, s1;
	[sflag:s0] =	ssyncset.done @!p0 $0x0  }
0x39: {  	[sflag:s0] =	ssyncadd.s32 @!p0 s1  }
0x3a: {  	[bflag:$0x3] =	sbarrier.arrive $0xFFFF  }
0x3b: {  	_ =	shalt  }

// kernel: kernel.22.cloned.1.call-start
scs
__scs_entry_jumppad:
0x0: {  	(pc) =	sbr.rel $0x88, $3  }
0x1: {  	(tag) =	ssettag $0x0;
	lr =	simm.s32 $0x1  }
0x2: {  	[smem:$0x3F97] =	sst lr;
	_ =	strace $0xD0000000  }
0x3: {  	_ = 	snop  }
0x4: {  	_ = 	snop  }
0x5: {  	_ = 	snop  }
0x6: {  	_ = 	snop  }
0x7: {  	_ = 	snop  }
__scs_overlays_trampoline_lowered:
0x8: {  	[smem:$0x3FA6] =	sst s0  }
0x9: {  	[smem:$0x3FA7] =	sst s1  }
0xa: {  	[smem:$0x3FA8] =	sst s2  }
0xb: {  	[smem:$0x3FA9] =	sst s3  }
0xc: {  	[smem:$0x3FAA] =	sst s4  }
0xd: {  	[smem:$0x3FAB] =	sst s5  }
0xe: {  	[smem:$0x3FAC] =	sst s6  }
0xf: {  	[smem:$0x3FAD] =	sst s7  }
0x10: {  	[smem:$0x3FAE] =	sst s8  }
0x11: {  	[smem:$0x3FAF] =	sst s9;
	s0 =	simm.s32 @!p0 $0x0  }
0x12: {  	s1 =	sld [smem:$0x3F95];
	s0 =	simm.s32 @p0 $0x1  }
0x13: {  	[smem:$0x3FB0] =	sst s0;
	s0 =	simm.s32 @!p1 $0x0  }
0x14: {  	s2 =	sld [smem:$0x3F94];
	s0 =	simm.s32 @p1 $0x1  }
0x15: {  	[smem:$0x3FB1] =	sst s0;
	s0 =	simm.s32 @!p2 $0x0  }
0x16: {  	s3 =	sld [smem:$0x3FDB];
	s0 =	simm.s32 @p2 $0x1  }
0x17: {  	s4 =	simm.s32 $0x1BF5;
	[smem:$0x3FB3] =	sst s0  }
0x18: {  	s0 =	sld [smem:$0x3F96];
	_ =	swait.ge [sflag:s4], $0x0  }
0x19: {  	s7 =	sld [smem:$0x3F97]  }
0x1a: {  	s8 =	sadd.s32 $0xFFFFE003, lr  }
0x1b: {  	s9 =	sadd.s32 $0xFFFFFEF7, lr;
	s5 =	simm.s32 $0xFFFFFFFF;
	p2 =	slt.u32 s8, $0xFFFFF086  }
0x1c: {  	p1 =	slt.u32 s9, $0xF7A;
	s5 =	simm.s32 @!p2 $0x0  }
0x1d: {  	s5 =	simm.s32 @p1 $0x1;
	p0 =	seq.s32 s7, s2  }
0x1e: {  	s7 =	smul.u32 @!p0 $0xF7A, s2;
	p2 =	seq.s32 @!p0 s5, $0x0  }
0x1f: {  	s9 =	smul.u32 $0xF7A, s1;
	s8 =	simm.s32 @!p0 $0x1BF5;
	p2 =	por !p2, p0  }
0x20: {  	[sflag:s8] =	ssyncset.s32 @!p0 $0xFFFFF086;
	s6 =	sadd.s32 @!p0 s3, s7;
	s7 =	simm.s32 @!p0 $0x108  }
0x21: {  	s3 =	sadd.s32 s3, s9;
	s6 =	sadd.s32 @!p0 $0x88, s6;
	s7 =	simm.s32 @p2 $0x1082  }
0x22: {  	[simem:s7], [sflag:s8] =	dma.local @!p0 [hbm:s6], $0xF7A  }
0x23: {  	s9 =	sor.u32 $0xD0000000, s2;
	s6 =	simm.s32 $0x108;
	_ =	swait.ge @!p0 [sflag:s8], $0x0  }
0x24: {  	s3 =	sadd.s32 $0x88, s3;
	s6 =	simm.s32 @!p1 $0x1082;
	[sflag:s4] =	ssyncset.s32 $0xFFFFF086  }
0x25: {  	[simem:s6], [sflag:s4] =	dma.local [hbm:s3], $0xF7A  }
0x26: {  	[smem:$0x3F97] =	sst s1;
	(tag) =	ssettag s2;
	_ =	strace s9  }
0x27: {  	s1 =	sld [smem:$0x3FA7]  }
0x28: {  	s2 =	sld [smem:$0x3FA8]  }
0x29: {  	s4 =	sld [smem:$0x3FAA]  }
0x2a: {  	p0 =	seq.s32 s5, $0x0;
	s5 =	sld [smem:$0x3FAB]  }
0x2b: {  	s6 =	sld [smem:$0x3FAC]  }
0x2c: {  	s7 =	sld [smem:$0x3FAD]  }
0x2d: {  	s3 =	simm.s32 $0x108;
	s8 =	sld [smem:$0x3FAE]  }
0x2e: {  	s3 =	simm.s32 @!p0 $0x1082;
	s9 =	sld [smem:$0x3FAF]  }
0x2f: {  	lr =	sadd.s32 s0, s3;
	s0 =	sld [smem:$0x3FA6]  }
0x30: {  	s3 =	sld [smem:$0x3FA9]  }
0x31: {  	[smem:$0x3FB2] =	sst s10  }
0x32: {  	s10 =	sld [smem:$0x3FB0];
	_ =	sdelay $0x3  }
0x33: {  	p0 =	seq.s32 s10, $0x1;
	s10 =	sld [smem:$0x3FB2];
	_ =	sdelay $0x3  }
0x34: {  	[smem:$0x3FB2] =	sst s10  }
0x35: {  	s10 =	sld [smem:$0x3FB1];
	_ =	sdelay $0x3  }
0x36: {  	p1 =	seq.s32 s10, $0x1;
	s10 =	sld [smem:$0x3FB2];
	_ =	sdelay $0x3  }
0x37: {  	[smem:$0x3FB2] =	sst s10  }
0x38: {  	s10 =	sld [smem:$0x3FB3]  }
0x39: {  	_ = 	snop;
	(pc) =	sbr.ind lr, $3  }
0x3a: {  	_ = 	snop  }
0x3b: {  	_ = 	snop  }
0x3c: {  	p2 =	seq.s32 s10, $0x1;
	s10 =	sld [smem:$0x3FB2]  }
0x3d: {  	_ =	shalt  }
0x3e: {  	_ =	shalt  }
0x3f: {  	_ =	shalt  }
0x40: {  	_ =	shalt  }
0x41: {  	_ =	shalt  }
0x42: {  	_ =	shalt  }
0x43: {  	_ =	shalt  }
0x44: {  	_ =	shalt  }
0x45: {  	_ =	shalt  }
0x46: {  	_ =	shalt  }
0x47: {  	_ =	shalt  }
0x48: {  	_ =	shalt  }
0x49: {  	_ =	shalt  }
0x4a: {  	_ =	shalt  }
0x4b: {  	_ =	shalt  }
0x4c: {  	_ =	shalt  }
0x4d: {  	_ =	shalt  }
0x4e: {  	_ =	shalt  }
0x4f: {  	_ =	shalt  }
0x50: {  	_ =	shalt  }
0x51: {  	_ =	shalt  }
0x52: {  	_ =	shalt  }
0x53: {  	_ =	shalt  }
0x54: {  	_ =	shalt  }
0x55: {  	_ =	shalt  }
0x56: {  	_ =	shalt  }
0x57: {  	_ =	shalt  }
0x58: {  	_ =	shalt  }
0x59: {  	_ =	shalt  }
0x5a: {  	_ =	shalt  }
0x5b: {  	_ =	shalt  }
0x5c: {  	_ =	shalt  }
0x5d: {  	_ =	shalt  }
0x5e: {  	_ =	shalt  }
0x5f: {  	_ =	shalt  }
0x60: {  	_ =	shalt  }
0x61: {  	_ =	shalt  }
0x62: {  	_ =	shalt  }
0x63: {  	_ =	shalt  }
0x64: {  	_ =	shalt  }
0x65: {  	_ =	shalt  }
0x66: {  	_ =	shalt  }
0x67: {  	_ =	shalt  }
0x68: {  	_ =	shalt  }
0x69: {  	_ =	shalt  }
0x6a: {  	_ =	shalt  }
0x6b: {  	_ =	shalt  }
0x6c: {  	_ =	shalt  }
0x6d: {  	_ =	shalt  }
0x6e: {  	_ =	shalt  }
0x6f: {  	_ =	shalt  }
0x70: {  	_ =	shalt  }
0x71: {  	_ =	shalt  }
0x72: {  	_ =	shalt  }
0x73: {  	_ =	shalt  }
0x74: {  	_ =	shalt  }
0x75: {  	_ =	shalt  }
0x76: {  	_ =	shalt  }
0x77: {  	_ =	shalt  }
0x78: {  	_ =	shalt  }
0x79: {  	_ =	shalt  }
0x7a: {  	_ =	shalt  }
0x7b: {  	_ =	shalt  }
0x7c: {  	_ =	shalt  }
0x7d: {  	_ =	shalt  }
0x7e: {  	_ =	shalt  }
0x7f: {  	_ =	shalt  }
0x80: {  	_ =	shalt  }
0x81: {  	_ =	shalt  }
0x82: {  	_ =	shalt  }
0x83: {  	_ =	shalt  }
0x84: {  	_ =	shalt  }
0x85: {  	_ =	shalt  }
0x86: {  	_ =	shalt  }
0x87: {  	_ =	shalt  }
.Lfunc_end0:
.L_simem_size_0:
called_computation.3_lowered:
.L_overlay_start_0:
0x88: {  	s2 =	sld [smem:$0x3FD9]  }
0x89: {  	s3 =	sld [smem:$0x3FFE];
	_ =	sdelay $0x1  }
0x8a: {  	s1 =	srdreg.scid  }
0x8b: {  	s0 =	sand.u32 $0x1, s1  }
0x8c: {  	s17 =	sshll.u32 s0, $0xA;
	s2 =	sadd.s32 s3, s2  }
0x8d: {  	s2 =	sadd.s32 s2, s17  }
0x8e: {  	[smem:$0x3FBE] =	sst s2  }
0x8f: {  	_ = 	snop  }
0x90: {  	s2 =	sld [smem:$0x3FC6]  }
0x91: {  	s18 =	sld [smem:$0x3FC5];
	(tm) =	ssettm $0x1  }
0x92: {  	s4 =	sld [smem:$0x3FFB];
	_ =	sdelay $0x3  }
0x93: {  	_ =	strace s4  }
0x94: {  	s4 =	sld [smem:$0x3FFC];
	_ =	sdelay $0x3  }
0x95: {  	_ =	strace s4  }
0x96: {  	s4 =	sld [smem:$0x3FFD];
	_ =	sdelay $0x3  }
0x97: {  	_ =	strace s4  }
0x98: {  	_ =	strace $0x8FFFFFFF  }
0x99: {  	s19 =	sld [smem:$0x3FDB];
	_ =	sdelay $0x1  }
0x9a: {  	s5 =	simm.s32 $_scs_section_size  }
0x9b: {  	s6 =	simm.s32 $_size__tile_overlayer_lowered;
	s7 =	simm.s32 $_tile_overlayer_lowered  }
0x9c: {  	s22 =	simm.s32 $0x1BFF;
	s21 =	sshll.u32 s7, $0x1;
	s4 =	sadd.s32 s5, s19  }
0x9d: {  	s8 =	simm.s32 $0x0;
	s20 =	sshll.u32 s6, $0x1;
	s6 =	sadd.s32 s21, s4  }
0x9e: {  	[timem:s8], [sflag:s22] =	dma.local [hbm:s6], s20  }
0x9f: {  	_ =	swait.ge [sflag:s22], s20  }
0xa0: {  	s5 =	ssub.s32 $0x0, s20;
	[sflag:s22] =	ssyncset.done $0x0  }
0xa1: {  	[sflag:s22] =	ssyncadd.s32 s5;
	_ =	sdelay $0x1  }
0xa2: {  	s23 =	simm.s32 $0x1B8B  }
0xa3: {  	_ =	swait.ge [sflag:s23], $0x1  }
0xa4: {  	[sflag:s23] =	ssyncset.done $0x0  }
0xa5: {  	s25 =	simm.s32 $0x1B8E;
	s24 =	sld [smem:$0x3FFE];
	[sflag:s23] =	ssyncadd.s32 $0xFFFFFFFF  }
0xa6: {  	s26 =	simm.s32 $execute0_lowered;
	[smem:$0x3FD2] =	sst s25  }
0xa7: {  	s6 =	sshll.u32 s26, $0x1;
	_ =	strace $0x8000004F;
	[dreg:$0x1] =	wrdreg $0xFFFFFFFF  }
0xa8: {  	s28 =	simm.s32 $_size_execute0_lowered;
	s4 =	sadd.s32 s4, s6;
	[dreg:$0x0] =	wrdreg $0x0  }
0xa9: {  	s6 =	sshll.u32 s28, $0x1;
	[dreg:$0x2] =	wrdreg s4  }
0xaa: {  	[dreg:$0x3] =	wrdreg s6  }
0xab: {  	[dreg:$0x4] =	wrdreg $0xC0  }
0xac: {  	_ =	task [dreg:s8], $0x5FFFF  }
0xad: {  	[dreg:$0x1] =	wrdreg $0xFFFFFFFF  }
0xae: {  	[dreg:$0x0] =	wrdreg $0x60  }
0xaf: {  	[dreg:$0x2] =	wrdreg s24  }
0xb0: {  	[dreg:$0x3] =	wrdreg s2  }
0xb1: {  	[dreg:$0x4] =	wrdreg s18  }
0xb2: {  	[dreg:$0x5] =	wrdreg $0x9  }
0xb3: {  	_ =	task.clear_ibuf [dreg:s8], $0x6FFFF;
	_ =	strace $0x9000004F  }
0xb4: {  	s29 =	simm.s32 $0x9;
	_ =	strace $0x80000051  }
0xb5: {  	_ =	swait.ge [sflag:s29], $0x1  }
0xb6: {  	[sflag:s29] =	ssyncadd.s32 $0xFFFFFFFF  }
0xb7: {  	_ =	strace $0x90000051  }
0xb8: {  	_ =	sfence  }
0xb9: {  	s30 =	sld [smem:$0x0];
	_ =	sdelay $0x2  }
0xba: {  	s31 =	sshll.u32 s1, $0xD;
	s1 =	sshrl.u32 s1, $0x2  }
0xbb: {  	s3 =	sand.u32 $0x4000, s31;
	s1 =	sadd.s32 s1, s30  }
0xbc: {  	s0 =	sor.u32 s3, s0;
	s1 =	sshll.u32 s1, $0x11  }
0xbd: {  	s0 =	sor.u32 s1, s0  }
0xbe: {  	s0 =	sadd.s32 $0x8F2B, s0  }
0xbf: {  	[sflag:s0] =	ssyncadd.remote.s32 $0x1  }
0xc0: {  	_ =	sfence.sel $0xFFFF  }
0xc1: {  	[dreg:$0x0] =	wrdreg $0xFFFFFFFF;
	(pc) =	sbr.abs _section_cstart, $3  }
0xc2: {  	[dreg:$0x1] =	wrdreg $0xFFFFFFFF  }
0xc3: {  	_ =	task.clear_ibuf [dreg:s8], $0x2FFFF;
	_ =	strace $0x9FFFFFFF  }
0xc4: {  	(tm) =	ssettm $0x7FFFFFFF  }
0xc5: {  	_ =	shalt  }
tec
execute0_lowered:
.L_overlay_start_1:
0x0: {  	(tag) =	ssettag $0x1  }
0x1: {  	s8 =	rddreg [dreg:$0x0]  }
0x2: {  	s1 =	rddreg [dreg:$0x1]  }
0x3: {  	s2 =	rddreg [dreg:$0x2]  }
0x4: {  	s0 =	rddreg [dreg:$0x3];
	s3 =	simm.s32 $0x0  }
0x5: {  	s4 =	srdreg.scid;
	s13 =	simm.s32 $0x2;
	s14 =	simm.s32 $0x100  }
0x6: {  	s15 =	simm.s32 $0x1;
	s16 =	simm.s32 $0x0;
	[smem:$0x7FF] =	sst s3  }
0x7: {  	s5 =	sadd.s32 $0x1D63C00, s8;
	s6 =	sadd.s32 $0x3C00, s8;
	s9 =	sand.u32 $0x1, s4  }
0x8: {  	s7 =	sadd.s32 $0x2BC00, s8;
	s4 =	stileid.u32;
	s8 =	sadd.s32 $0x139FC00, s8  }
0x9: {  	_ =	strace $0x80000050;
	s10 =	sshll.u32 s9, $0x4;
	s11 =	ssub.s32 $0x2, s9  }
0xa: {  	s9 =	simm.s32 $0x4F;
	s10 =	sor.u32 s4, s10;
	s12 =	sshrl.u32 s11, $0x1  }
0xb: {  	p0 =	slt.u32 s10, $0x4;
	s11 =	ssub.s32 s11, s12;
	s10 =	sshll.u32 s10, $0x8  }
0xc: {  	s12 =	simm.s32 $0x200;
	s9 =	simm.s32 @!p0 $0x4E;
	s11 =	smax.u32 s11, $0x1  }
.LBB2_1:
0xd: {  	s17 =	simm.s32 $0x0  }
.LBB2_2:
0xe: {  	s18 =	sshll.u32 s17, $0xD  }
0xf: {  	s19 =	sor.u32 s10, s18  }
0x10: {  	s18 =	sshll.u32 s19, $0x4  }
0x11: {  	s21 =	simm.s32 $0x0;
	s20 =	sadd.s32 s5, s18  }
0x12: {  	[tilespmem:s12], [sflag:$0x2] =	stream.linear.gather [hbm4b:s20+s21], $0x8000, $0x38;
	[tilespmem:$0x8200] =	vst v63  }
0x13: {  	_ =	swait.ge [sflag:s13], $0x8000  }
0x14: {  	s19 =	sshrl.u32 s19, $0x3;
	[sflag:s13] =	ssyncset.done $0x0  }
0x15: {  	s31 =	sadd.s32 s1, s19;
	[sflag:s13] =	ssyncadd.s32 $0xFFFF8000  }
0x16: {  	[tilespmem:s21], [sflag:$0x2] =	stream.linear.gather [hbm4b:s31+s21], $0x100, $0x38;
	[tilespmem:$0x8200] =	vst v63  }
0x17: {  	_ =	swait.ge [sflag:s13], $0x100  }
0x18: {  	[sflag:s13] =	ssyncset.done $0x0  }
0x19: {  	s19 =	sadd.s32 s2, s19;
	[sflag:s13] =	ssyncadd.s32 $0xFFFFFF00  }
0x1a: {  	[tilespmem:s14], [sflag:$0x2] =	stream.linear.gather [hbm4b:s19+s21], $0x100, $0x38;
	[tilespmem:$0x8200] =	vst v63  }
0x1b: {  	_ =	swait.ge [sflag:s13], $0x100  }
0x1c: {  	[sflag:s13] =	ssyncset.done $0x0  }
0x1d: {  	[sflag:s13] =	ssyncadd.s32 $0xFFFFFF00  }
0x1e: {  	[tilespmem:s12], [sflag:$0x1] =	stream.indirect.gather.add.f32 [hbm:s6], $0x80, s21, s14, $0xb8;
	[tilespmem:$0x8200] =	vst v63  }
0x1f: {  	_ = 	snop  }
0x20: {  	[tilespmem:s12], [sflag:$0x1] =	stream.indirect.gather.add.f32 [hbm:s7], $0x80, s14, s14, $0xb8;
	[tilespmem:$0x8200] =	vst v63  }
0x21: {  	_ =	swait.ge [sflag:s15], $0x8000  }
0x22: {  	[sflag:s15] =	ssyncset.done $0x0  }
0x23: {  	[sflag:s15] =	ssyncadd.s32 $0xFFFF8000  }
0x24: {  	_ =	swait.ge [sflag:s15], $0x8000  }
0x25: {  	[sflag:s15] =	ssyncset.done $0x0  }
0x26: {  	s19 =	simm.s32 $0x0;
	[sflag:s15] =	ssyncadd.s32 $0xFFFF8000  }
0x27: {  	v2 =	vld [tilespmem:s19+$0x200]  }
0x28: {  	v4 =	vld [tilespmem:s19+$0x210]  }
0x29: {  	v3 =	vld [tilespmem:s19+$0x220]  }
0x2a: {  	v1 =	vld [tilespmem:s19+$0x230]  }
0x2b: {  	v0 =	vld [tilespmem:s19+$0x240]  }
0x2c: {  	v5 =	vmax.f32 v2, $0.0e+00;
	v2 =	vld [tilespmem:s19+$0x250]  }
0x2d: {  	s20 =	simm.s32 $0x200;
	[tilespmem:s19+$0x200] =	vst v5;
	v5 =	vmax.f32 v4, $0.0e+00;
	v4 =	vld [tilespmem:s19+$0x260]  }
.LBB2_3:
0x2e: {  	s21 =	sshra.s32 s20, $0x2;
	p0 =	sne.s32 s20, $0x1FE00;
	[tilespmem:s19+$0x210] =	vst v5;
	v3 =	vmax.f32 v3, $0.0e+00;
	v5 =	vld [tilespmem:s19+$0x270]  }
0x2f: {  	v6 =	vld [tilespmem:s21+$0x200];
	[tilespmem:s19+$0x220] =	vst v3;
	v1 =	vmax.f32 v1, $0.0e+00  }
0x30: {  	v7 =	vld [tilespmem:s21+$0x210];
	[tilespmem:s19+$0x230] =	vst v1;
	v0 =	vmax.f32 v0, $0.0e+00  }
.Ltmp0:
0x31: {  	v3 =	vld [tilespmem:s21+$0x220];
	[tilespmem:s19+$0x240] =	vst v0;
	v0 =	vmax.f32 v2, $0.0e+00;
	(pc) =	sbr.rel @p0 .LBB2_3-.Ltmp0, $4  }
0x32: {  	v1 =	vld [tilespmem:s21+$0x230];
	[tilespmem:s19+$0x250] =	vst v0;
	v2 =	vmax.f32 v4, $0.0e+00  }
0x33: {  	v0 =	vld [tilespmem:s21+$0x240];
	[tilespmem:s19+$0x260] =	vst v2;
	v4 =	vmax.f32 v5, $0.0e+00  }
0x34: {  	v5 =	vmax.f32 v6, $0.0e+00;
	v2 =	vld [tilespmem:s21+$0x250];
	[tilespmem:s19+$0x270] =	vst v4;
	s19 =	smov.u32 s21  }
0x35: {  	s20 =	sadd.s32 $0x200, s20;
	[tilespmem:s19+$0x200] =	vst v5;
	v5 =	vmax.f32 v7, $0.0e+00;
	v4 =	vld [tilespmem:s19+$0x260]  }
0x36: {  	[tilespmem:s19+$0x210] =	vst v5;
	v3 =	vmax.f32 v3, $0.0e+00;
	v60 =	vld [tilespmem:s19+$0x270]  }
0x37: {  	[tilespmem:s19+$0x220] =	vst v3;
	v1 =	vmax.f32 v1, $0.0e+00  }
0x38: {  	[tilespmem:s19+$0x230] =	vst v1;
	v0 =	vmax.f32 v0, $0.0e+00  }
0x39: {  	[tilespmem:s19+$0x240] =	vst v0;
	v61 =	vmax.f32 v2, $0.0e+00  }
0x3a: {  	s17 =	sadd.s32 $0x1, s17;
	[tilespmem:s19+$0x250] =	vst v61;
	v62 =	vmax.f32 v4, $0.0e+00  }
0x3b: {  	p0 =	sne.s32 s17, s9;
	[tilespmem:s19+$0x260] =	vst v62;
	v63 =	vmax.f32 v60, $0.0e+00  }
.Ltmp1:
0x3c: {  	s18 =	sadd.s32 s8, s18;
	[tilespmem:s19+$0x270] =	vst v63;
	(pc) =	sbr.rel @p0 .LBB2_2-.Ltmp1, $4  }
0x3d: {  	[hbm4b:s18+s3] =	stream.linear.scatter [tilespmem:s12], [sflag:$0x2], $0x8000, $0x38;
	[tilespmem:$0x8200] =	vst v63  }
0x3e: {  	_ =	swait.ge [sflag:s13], $0x8000  }
0x3f: {  	[sflag:s13] =	ssyncset.done $0x0  }
0x40: {  	[sflag:s13] =	ssyncadd.s32 $0xFFFF8000  }
0x41: {  	s16 =	sadd.s32 $0x1, s16  }
0x42: {  	p0 =	sne.s32 s16, s11  }
.Ltmp2:
0x43: {  	_ = 	snop;
	(pc) =	sbr.rel @p0 .LBB2_1-.Ltmp2, $1  }
0x44: {  	_ =	sdelay $0x3  }
0x45: {  	_ =	sfence.sel $0x180000  }
0x46: {  	[bflag:$0x0] =	sbarrier.arrive $0xFFFF  }
0x47: {  	p0 =	sne.s32 s4, $0x0;
	_ =	strace $0x90000050  }
0x48: {  	s0 =	sadd.s32 @!p0 $0x100000, s0;
	[bflag:$0x2] =	sbarrier.arrive $0xFFFF  }
0x49: {  	[sflag:s0] =	ssyncadd.tile.s32 @!p0 $0x1;
	_ =	shalt  }
.Lfunc_end2:
_tile_overlayer_lowered:
.L_overlay_start_2:
0x4a: {  	(tag) =	ssettag $0x2  }
0x4b: {  	s0 =	rddreg [dreg:$0x0];
	s2 =	stileid.u32  }
0x4c: {  	s1 =	rddreg [dreg:$0x1];
	p0 =	sne.s32 s2, $0x0  }
0x4d: {  	s3 =	rddreg [dreg:$0x2];
	[bflag:$0x3] =	sbarrier.arrive $0xFFFF;
	s2 =	simm.s32 @!p0 $0x1C02  }
0x4e: {  	[timem:s3], [sflag:s2] =	dma.local @!p0 [hbm:s0], s1  }
0x4f: {  	s0 =	simm.s32 @!p0 $0x2  }
0x50: {  	_ =	swait.ge @!p0 [sflag:s0], s1  }
0x51: {  	s1 =	ssub.s32 @!p0 $0x0, s1;
	[sflag:s0] =	ssyncset.done @!p0 $0x0  }
0x52: {  	[sflag:s0] =	ssyncadd.s32 @!p0 s1  }
0x53: {  	[bflag:$0x3] =	sbarrier.arrive $0xFFFF  }
0x54: {  	_ =	shalt  }

// kernel: kernel.25.cloned.1.call-start
scs
__scs_entry_jumppad:
0x0: {  	(pc) =	sbr.rel $0x88, $3  }
0x1: {  	(tag) =	ssettag $0x0;
	lr =	simm.s32 $0x1  }
0x2: {  	[smem:$0x3F97] =	sst lr;
	_ =	strace $0xD0000000  }
0x3: {  	_ = 	snop  }
0x4: {  	_ = 	snop  }
0x5: {  	_ = 	snop  }
0x6: {  	_ = 	snop  }
0x7: {  	_ = 	snop  }
__scs_overlays_trampoline_lowered:
0x8: {  	[smem:$0x3FA6] =	sst s0  }
0x9: {  	[smem:$0x3FA7] =	sst s1  }
0xa: {  	[smem:$0x3FA8] =	sst s2  }
0xb: {  	[smem:$0x3FA9] =	sst s3  }
0xc: {  	[smem:$0x3FAA] =	sst s4  }
0xd: {  	[smem:$0x3FAB] =	sst s5  }
0xe: {  	[smem:$0x3FAC] =	sst s6  }
0xf: {  	[smem:$0x3FAD] =	sst s7  }
0x10: {  	[smem:$0x3FAE] =	sst s8  }
0x11: {  	[smem:$0x3FAF] =	sst s9;
	s0 =	simm.s32 @!p0 $0x0  }
0x12: {  	s1 =	sld [smem:$0x3F95];
	s0 =	simm.s32 @p0 $0x1  }
0x13: {  	[smem:$0x3FB0] =	sst s0;
	s0 =	simm.s32 @!p1 $0x0  }
0x14: {  	s2 =	sld [smem:$0x3F94];
	s0 =	simm.s32 @p1 $0x1  }
0x15: {  	[smem:$0x3FB1] =	sst s0;
	s0 =	simm.s32 @!p2 $0x0  }
0x16: {  	s3 =	sld [smem:$0x3FDB];
	s0 =	simm.s32 @p2 $0x1  }
0x17: {  	s4 =	simm.s32 $0x1BF5;
	[smem:$0x3FB3] =	sst s0  }
0x18: {  	s0 =	sld [smem:$0x3F96];
	_ =	swait.ge [sflag:s4], $0x0  }
0x19: {  	s7 =	sld [smem:$0x3F97]  }
0x1a: {  	s8 =	sadd.s32 $0xFFFFE003, lr  }
0x1b: {  	s9 =	sadd.s32 $0xFFFFFEF7, lr;
	s5 =	simm.s32 $0xFFFFFFFF;
	p2 =	slt.u32 s8, $0xFFFFF086  }
0x1c: {  	p1 =	slt.u32 s9, $0xF7A;
	s5 =	simm.s32 @!p2 $0x0  }
0x1d: {  	s5 =	simm.s32 @p1 $0x1;
	p0 =	seq.s32 s7, s2  }
0x1e: {  	s7 =	smul.u32 @!p0 $0xF7A, s2;
	p2 =	seq.s32 @!p0 s5, $0x0  }
0x1f: {  	s9 =	smul.u32 $0xF7A, s1;
	s8 =	simm.s32 @!p0 $0x1BF5;
	p2 =	por !p2, p0  }
0x20: {  	[sflag:s8] =	ssyncset.s32 @!p0 $0xFFFFF086;
	s6 =	sadd.s32 @!p0 s3, s7;
	s7 =	simm.s32 @!p0 $0x108  }
0x21: {  	s3 =	sadd.s32 s3, s9;
	s6 =	sadd.s32 @!p0 $0x88, s6;
	s7 =	simm.s32 @p2 $0x1082  }
0x22: {  	[simem:s7], [sflag:s8] =	dma.local @!p0 [hbm:s6], $0xF7A  }
0x23: {  	s9 =	sor.u32 $0xD0000000, s2;
	s6 =	simm.s32 $0x108;
	_ =	swait.ge @!p0 [sflag:s8], $0x0  }
0x24: {  	s3 =	sadd.s32 $0x88, s3;
	s6 =	simm.s32 @!p1 $0x1082;
	[sflag:s4] =	ssyncset.s32 $0xFFFFF086  }
0x25: {  	[simem:s6], [sflag:s4] =	dma.local [hbm:s3], $0xF7A  }
0x26: {  	[smem:$0x3F97] =	sst s1;
	(tag) =	ssettag s2;
	_ =	strace s9  }
0x27: {  	s1 =	sld [smem:$0x3FA7]  }
0x28: {  	s2 =	sld [smem:$0x3FA8]  }
0x29: {  	s4 =	sld [smem:$0x3FAA]  }
0x2a: {  	p0 =	seq.s32 s5, $0x0;
	s5 =	sld [smem:$0x3FAB]  }
0x2b: {  	s6 =	sld [smem:$0x3FAC]  }
0x2c: {  	s7 =	sld [smem:$0x3FAD]  }
0x2d: {  	s3 =	simm.s32 $0x108;
	s8 =	sld [smem:$0x3FAE]  }
0x2e: {  	s3 =	simm.s32 @!p0 $0x1082;
	s9 =	sld [smem:$0x3FAF]  }
0x2f: {  	lr =	sadd.s32 s0, s3;
	s0 =	sld [smem:$0x3FA6]  }
0x30: {  	s3 =	sld [smem:$0x3FA9]  }
0x31: {  	[smem:$0x3FB2] =	sst s10  }
0x32: {  	s10 =	sld [smem:$0x3FB0];
	_ =	sdelay $0x3  }
0x33: {  	p0 =	seq.s32 s10, $0x1;
	s10 =	sld [smem:$0x3FB2];
	_ =	sdelay $0x3  }
0x34: {  	[smem:$0x3FB2] =	sst s10  }
0x35: {  	s10 =	sld [smem:$0x3FB1];
	_ =	sdelay $0x3  }
0x36: {  	p1 =	seq.s32 s10, $0x1;
	s10 =	sld [smem:$0x3FB2];
	_ =	sdelay $0x3  }
0x37: {  	[smem:$0x3FB2] =	sst s10  }
0x38: {  	s10 =	sld [smem:$0x3FB3]  }
0x39: {  	_ = 	snop;
	(pc) =	sbr.ind lr, $3  }
0x3a: {  	_ = 	snop  }
0x3b: {  	_ = 	snop  }
0x3c: {  	p2 =	seq.s32 s10, $0x1;
	s10 =	sld [smem:$0x3FB2]  }
0x3d: {  	_ =	shalt  }
0x3e: {  	_ =	shalt  }
0x3f: {  	_ =	shalt  }
0x40: {  	_ =	shalt  }
0x41: {  	_ =	shalt  }
0x42: {  	_ =	shalt  }
0x43: {  	_ =	shalt  }
0x44: {  	_ =	shalt  }
0x45: {  	_ =	shalt  }
0x46: {  	_ =	shalt  }
0x47: {  	_ =	shalt  }
0x48: {  	_ =	shalt  }
0x49: {  	_ =	shalt  }
0x4a: {  	_ =	shalt  }
0x4b: {  	_ =	shalt  }
0x4c: {  	_ =	shalt  }
0x4d: {  	_ =	shalt  }
0x4e: {  	_ =	shalt  }
0x4f: {  	_ =	shalt  }
0x50: {  	_ =	shalt  }
0x51: {  	_ =	shalt  }
0x52: {  	_ =	shalt  }
0x53: {  	_ =	shalt  }
0x54: {  	_ =	shalt  }
0x55: {  	_ =	shalt  }
0x56: {  	_ =	shalt  }
0x57: {  	_ =	shalt  }
0x58: {  	_ =	shalt  }
0x59: {  	_ =	shalt  }
0x5a: {  	_ =	shalt  }
0x5b: {  	_ =	shalt  }
0x5c: {  	_ =	shalt  }
0x5d: {  	_ =	shalt  }
0x5e: {  	_ =	shalt  }
0x5f: {  	_ =	shalt  }
0x60: {  	_ =	shalt  }
0x61: {  	_ =	shalt  }
0x62: {  	_ =	shalt  }
0x63: {  	_ =	shalt  }
0x64: {  	_ =	shalt  }
0x65: {  	_ =	shalt  }
0x66: {  	_ =	shalt  }
0x67: {  	_ =	shalt  }
0x68: {  	_ =	shalt  }
0x69: {  	_ =	shalt  }
0x6a: {  	_ =	shalt  }
0x6b: {  	_ =	shalt  }
0x6c: {  	_ =	shalt  }
0x6d: {  	_ =	shalt  }
0x6e: {  	_ =	shalt  }
0x6f: {  	_ =	shalt  }
0x70: {  	_ =	shalt  }
0x71: {  	_ =	shalt  }
0x72: {  	_ =	shalt  }
0x73: {  	_ =	shalt  }
0x74: {  	_ =	shalt  }
0x75: {  	_ =	shalt  }
0x76: {  	_ =	shalt  }
0x77: {  	_ =	shalt  }
0x78: {  	_ =	shalt  }
0x79: {  	_ =	shalt  }
0x7a: {  	_ =	shalt  }
0x7b: {  	_ =	shalt  }
0x7c: {  	_ =	shalt  }
0x7d: {  	_ =	shalt  }
0x7e: {  	_ =	shalt  }
0x7f: {  	_ =	shalt  }
0x80: {  	_ =	shalt  }
0x81: {  	_ =	shalt  }
0x82: {  	_ =	shalt  }
0x83: {  	_ =	shalt  }
0x84: {  	_ =	shalt  }
0x85: {  	_ =	shalt  }
0x86: {  	_ =	shalt  }
0x87: {  	_ =	shalt  }
.Lfunc_end0:
.L_simem_size_0:
called_computation.4_lowered:
.L_overlay_start_0:
0x88: {  	s2 =	sld [smem:$0x3FD9]  }
0x89: {  	s3 =	sld [smem:$0x3FFE];
	_ =	sdelay $0x1  }
0x8a: {  	s1 =	srdreg.scid  }
0x8b: {  	s0 =	sand.u32 $0x1, s1  }
0x8c: {  	s16 =	sshll.u32 s0, $0xA;
	s2 =	sadd.s32 s3, s2  }
0x8d: {  	s2 =	sadd.s32 s2, s16  }
0x8e: {  	[smem:$0x3FBE] =	sst s2  }
0x8f: {  	_ = 	snop  }
0x90: {  	(tm) =	ssettm $0x1  }
0x91: {  	s17 =	sld [smem:$0x3FFB];
	_ =	sdelay $0x3  }
0x92: {  	_ =	strace s17  }
0x93: {  	s2 =	sld [smem:$0x3FFC];
	_ =	sdelay $0x3  }
0x94: {  	_ =	strace s2  }
0x95: {  	s2 =	sld [smem:$0x3FFD];
	_ =	sdelay $0x3  }
0x96: {  	_ =	strace s2  }
0x97: {  	_ =	strace $0x8FFFFFFF  }
0x98: {  	s18 =	sld [smem:$0x3FDB];
	_ =	sdelay $0x1  }
0x99: {  	s19 =	simm.s32 $_scs_section_size  }
0x9a: {  	s4 =	simm.s32 $_size__tile_overlayer_lowered;
	s5 =	simm.s32 $_tile_overlayer_lowered  }
0x9b: {  	s22 =	simm.s32 $0x1BFF;
	s21 =	sshll.u32 s5, $0x1;
	s2 =	sadd.s32 s19, s18  }
0x9c: {  	s6 =	simm.s32 $0x0;
	s20 =	sshll.u32 s4, $0x1;
	s4 =	sadd.s32 s21, s2  }
0x9d: {  	[timem:s6], [sflag:s22] =	dma.local [hbm:s4], s20  }
0x9e: {  	_ =	swait.ge [sflag:s22], s20  }
0x9f: {  	s3 =	ssub.s32 $0x0, s20;
	[sflag:s22] =	ssyncset.done $0x0  }
0xa0: {  	[sflag:s22] =	ssyncadd.s32 s3;
	_ =	sdelay $0x1  }
0xa1: {  	s23 =	simm.s32 $0x1B8B  }
0xa2: {  	_ =	swait.ge [sflag:s23], $0x1  }
0xa3: {  	[sflag:s23] =	ssyncset.done $0x0  }
0xa4: {  	s25 =	simm.s32 $0x1B8E;
	s24 =	sld [smem:$0x3FFE];
	[sflag:s23] =	ssyncadd.s32 $0xFFFFFFFF  }
0xa5: {  	s26 =	simm.s32 $execute0_lowered;
	[smem:$0x3FD2] =	sst s25  }
0xa6: {  	s4 =	sshll.u32 s26, $0x1;
	_ =	strace $0x80000052;
	[dreg:$0x1] =	wrdreg $0xFFFFFFFF  }
0xa7: {  	s28 =	simm.s32 $_size_execute0_lowered;
	s2 =	sadd.s32 s2, s4;
	[dreg:$0x0] =	wrdreg $0x0  }
0xa8: {  	s4 =	sshll.u32 s28, $0x1;
	[dreg:$0x2] =	wrdreg s2  }
0xa9: {  	[dreg:$0x3] =	wrdreg s4  }
0xaa: {  	[dreg:$0x4] =	wrdreg $0xC0  }
0xab: {  	_ =	task [dreg:s6], $0x5FFFF  }
0xac: {  	[dreg:$0x1] =	wrdreg $0xFFFFFFFF  }
0xad: {  	[dreg:$0x0] =	wrdreg $0x60  }
0xae: {  	[dreg:$0x2] =	wrdreg s24  }
0xaf: {  	[dreg:$0x3] =	wrdreg $0x9  }
0xb0: {  	_ =	task.clear_ibuf [dreg:s6], $0x4FFFF;
	_ =	strace $0x90000052  }
0xb1: {  	s29 =	simm.s32 $0x9;
	_ =	strace $0x80000054  }
0xb2: {  	_ =	swait.ge [sflag:s29], $0x1  }
0xb3: {  	[sflag:s29] =	ssyncadd.s32 $0xFFFFFFFF  }
0xb4: {  	_ =	strace $0x90000054  }
0xb5: {  	_ =	sfence  }
0xb6: {  	s30 =	sld [smem:$0x0];
	_ =	sdelay $0x2  }
0xb7: {  	s31 =	sshll.u32 s1, $0xD;
	s1 =	sshrl.u32 s1, $0x2  }
0xb8: {  	s3 =	sand.u32 $0x4000, s31;
	s1 =	sadd.s32 s1, s30  }
0xb9: {  	s0 =	sor.u32 s3, s0;
	s1 =	sshll.u32 s1, $0x11  }
0xba: {  	s0 =	sor.u32 s1, s0  }
0xbb: {  	s0 =	sadd.s32 $0x8F2B, s0  }
0xbc: {  	[sflag:s0] =	ssyncadd.remote.s32 $0x1  }
0xbd: {  	_ =	sfence.sel $0xFFFF  }
0xbe: {  	[dreg:$0x0] =	wrdreg $0xFFFFFFFF;
	(pc) =	sbr.abs _section_cstart, $3  }
0xbf: {  	[dreg:$0x1] =	wrdreg $0xFFFFFFFF  }
0xc0: {  	_ =	task.clear_ibuf [dreg:s6], $0x2FFFF;
	_ =	strace $0x9FFFFFFF  }
0xc1: {  	(tm) =	ssettm $0x7FFFFFFF  }
tec
execute0_lowered:
.L_overlay_start_1:
0x0: {  	(tag) =	ssettag $0x1  }
0x1: {  	s0 =	srdreg.scid  }
0x2: {  	s4 =	rddreg [dreg:$0x0];
	s1 =	stileid.u32;
	s3 =	sand.u32 $0x1, s0  }
0x3: {  	s2 =	simm.s32 $0x0;
	s9 =	simm.s32 $0x140;
	s5 =	sshll.u32 s3, $0x4  }
0x4: {  	s10 =	simm.s32 $0x0;
	s0 =	rddreg [dreg:$0x1];
	s5 =	sor.u32 s1, s5  }
0x5: {  	[smem:$0x7FF] =	sst s2;
	s7 =	ssub.s32 $0x2, s3;
	s6 =	smul.u32 $0xA00, s5  }
0x6: {  	_ =	strace $0x80000053;
	s8 =	sshrl.u32 s7, $0x1;
	s5 =	smul.u32 $0x1400, s5  }
0x7: {  	s3 =	sadd.s32 $0x139FC00, s4;
	s7 =	ssub.s32 s7, s8;
	s6 =	sadd.s32 s6, s4  }
0x8: {  	s8 =	simm.s32 $0x5000;
	s5 =	sadd.s32 s5, s4;
	s4 =	sadd.s32 $0x138BC00, s6  }
0x9: {  	s5 =	sadd.s32 $0x3C00, s5;
	s6 =	smax.u32 s7, $0x1;
	s7 =	simm.s32 $0x5  }
.LBB2_1:
0xa: {  	[tilespmem:s2], [sflag:$0x5] =	stream.linear.gather [hbm4b:s4+s2], $0x5000, $0x38;
	[tilespmem:$0xF000] =	vst v63  }
0xb: {  	_ =	swait.ge [sflag:s7], $0x5000  }
0xc: {  	[sflag:s7] =	ssyncset.done $0x0  }
0xd: {  	s11 =	simm.s32 $0x1;
	[sflag:s7] =	ssyncadd.s32 $0xFFFFB000  }
0xe: {  	[tilespmem:s8], [sflag:$0x1] =	stream.indirect.gather [hbm4b:s3+s9], $0x80, s2, s9, $0xb8;
	[tilespmem:$0xF000] =	vst v63  }
0xf: {  	_ =	swait.ge [sflag:s11], $0xA000  }
0x10: {  	s12 =	sand.u32 $0x3, s11;
	[sflag:s11] =	ssyncset.done $0x0  }
0x11: {  	s12 =	sadd.s32 $0x1, s12;
	[sflag:s11] =	ssyncadd.s32 $0xFFFF6000  }
0x12: {  	[tilespmem:s8], [sflag:s12] =	stream.indirect.gather.add.f32 [hbm:s3], $0x80, s9, s9, $0xb8;
	[tilespmem:$0xF000] =	vst v63  }
0x13: {  	s13 =	simm.s32 $0x140;
	s12 =	simm.s32 $0x2  }
.LBB2_2:
0x14: {  	p0 =	sne.s32 s12, $0x3F  }
.Ltmp0:
0x15: {  	_ = 	snop;
	(pc) =	sbr.rel @p0 .LBB2_2-.Ltmp0, $4  }
0x16: {  	_ = 	snop  }
0x17: {  	s14 =	sand.u32 $0x3, s12;
	s12 =	sadd.s32 $0x1, s12  }
0x18: {  	s13 =	sadd.s32 $0x140, s13;
	s14 =	sadd.s32 $0x1, s14  }
0x19: {  	[tilespmem:s8], [sflag:s14] =	stream.indirect.gather.add.f32 [hbm:s3], $0x80, s13, s9, $0xb8;
	[tilespmem:$0xF000] =	vst v63  }
0x1a: {  	s11 =	sand.u32 $0x3, s11  }
0x1b: {  	s12 =	sadd.s32 $0x1, s11  }
0x1c: {  	_ =	swait.ge [sflag:s12], $0xA000  }
0x1d: {  	s11 =	simm.s32 $0x2;
	[sflag:s12] =	ssyncset.done $0x0  }
.LBB2_4:
0x1e: {  	p0 =	sne.s32 s11, $0x3F  }
0x1f: {  	[sflag:s12] =	ssyncadd.s32 $0xFFFF6000;
	s12 =	smov.u32 s11;
	s11 =	sadd.s32 $0x1, s11  }
.Ltmp1:
0x20: {  	(pc) =	sbr.rel @p0 .LBB2_4-.Ltmp1, $4  }
0x21: {  	s12 =	sand.u32 $0x3, s12  }
0x22: {  	s12 =	sadd.s32 $0x1, s12  }
0x23: {  	_ =	swait.ge [sflag:s12], $0xA000  }
0x24: {  	[sflag:s12] =	ssyncset.done $0x0  }
0x25: {  	s10 =	sadd.s32 $0x1, s10  }
0x26: {  	p0 =	sne.s32 s10, s6  }
.Ltmp2:
0x27: {  	[sflag:s12] =	ssyncadd.s32 $0xFFFF6000;
	(pc) =	sbr.rel @p0 .LBB2_1-.Ltmp2, $4  }
0x28: {  	[hbm4b:s5+s2] =	stream.linear.scatter [tilespmem:s8], [sflag:$0x5], $0xA000, $0x38;
	[tilespmem:$0xF000] =	vst v63  }
0x29: {  	_ =	swait.ge [sflag:s7], $0xA000  }
0x2a: {  	[sflag:s7] =	ssyncset.done $0x0  }
0x2b: {  	[sflag:s7] =	ssyncadd.s32 $0xFFFF6000  }
0x2c: {  	_ =	sfence.sel $0x180000  }
0x2d: {  	[bflag:$0x0] =	sbarrier.arrive $0xFFFF  }
0x2e: {  	p0 =	sne.s32 s1, $0x0;
	_ =	strace $0x90000053  }
0x2f: {  	s0 =	sadd.s32 @!p0 $0x100000, s0;
	[bflag:$0x2] =	sbarrier.arrive $0xFFFF  }
0x30: {  	[sflag:s0] =	ssyncadd.tile.s32 @!p0 $0x1;
	_ =	shalt  }
.Lfunc_end2:
_tile_overlayer_lowered:
.L_overlay_start_2:
0x31: {  	(tag) =	ssettag $0x2  }
0x32: {  	s0 =	rddreg [dreg:$0x0];
	s2 =	stileid.u32  }
0x33: {  	s1 =	rddreg [dreg:$0x1];
	p0 =	sne.s32 s2, $0x0  }
0x34: {  	s3 =	rddreg [dreg:$0x2];
	[bflag:$0x3] =	sbarrier.arrive $0xFFFF;
	s2 =	simm.s32 @!p0 $0x1C05  }
0x35: {  	[timem:s3], [sflag:s2] =	dma.local @!p0 [hbm:s0], s1  }
0x36: {  	s0 =	simm.s32 @!p0 $0x5  }
0x37: {  	_ =	swait.ge @!p0 [sflag:s0], s1  }
0x38: {  	s1 =	ssub.s32 @!p0 $0x0, s1;
	[sflag:s0] =	ssyncset.done @!p0 $0x0  }
0x39: {  	[sflag:s0] =	ssyncadd.s32 @!p0 s1  }
0x3a: {  	[bflag:$0x3] =	sbarrier.arrive $0xFFFF  }
0x3b: {  	_ =	shalt  }

</sc_bundles>
